<compile_context>
chip_gen: v7x
topology: tpu7x:2x2x1
jax: 0.10.2.dev20260603
libtpu: 0.0.44.dev20260713+nightly
codegen_flags: <defaults>
</compile_context>

<pallas_src>
import functools

import jax
import jax.numpy as jnp
from jax import lax
from jax.experimental import pallas as pl
from jax.experimental.pallas import tpu as pltpu
from jax.experimental.pallas import tpu_sc as plsc

try:
    _INFO = plsc.get_sparse_core_info()
    _NC, _NS = _INFO.num_cores, _INFO.num_subcores
except Exception:
    _NC, _NS = 2, 16
_NW = _NC * _NS

_L = 16
_TJ = 8
_TI = 128


def kernel(x, weight):
    B, S = x.shape
    V, D = weight.shape
    N = B * S
    njb = S // _TJ
    nib = B // _TI
    nu = njb * nib
    ib_per_w = nib // _NW
    blk = _TJ * _TI
    obuf = D * blk

    tab_size = V * D + D - 1
    tab_size += (-tab_size) % 8
    wflat = jnp.concatenate(
        [weight.reshape(-1), jnp.zeros((tab_size - V * D,), jnp.float32)]
    )

    mesh = plsc.VectorSubcoreMesh(
        core_axis_name="c", subcore_axis_name="s", num_cores=_NC, num_subcores=_NS
    )

    @functools.partial(
        pl.kernel,
        out_type=jax.ShapeDtypeStruct((N * D,), jnp.float32),
        mesh=mesh,
        scratch_types=[
            pltpu.VMEM((tab_size,), jnp.float32),
            pltpu.VMEM((_TI * S,), jnp.int32),
            pltpu.VMEM((_TI * S,), jnp.int32),
            pltpu.VMEM((obuf,), jnp.float32),
            pltpu.VMEM((obuf,), jnp.float32),
            pltpu.SemaphoreType.DMA,
            pltpu.SemaphoreType.DMA,
        ],
        compiler_params=pltpu.CompilerParams(
            use_tc_tiling_on_sc=False, needs_layout_passes=False
        ),
    )
    def emb(x_hbm, w_hbm, out_hbm, tab_v, xr0, xr1, oa, ob, soa, sob):
        wid = lax.axis_index("s") * _NC + lax.axis_index("c")
        ib0w = wid * ib_per_w
        pltpu.sync_copy(w_hbm, tab_v)
        iota = lax.iota(jnp.int32, _L)
        iota_s = iota * S
        xrs, os_, sos = [xr0, xr1], [oa, ob], [soa, sob]

        def compute(b, jb):
            @plsc.parallel_loop(0, blk // _L, step=1, carry=jnp.int32(0))
            def k_body(k, carry):
                jr = k // _TJ
                kk = k % _TJ
                idxv = plsc.load_gather(
                    xrs[b],
                    [
                        iota_s
                        + jnp.broadcast_to(
                            jb * _TJ + (kk * (_L * S) + jr), (_L,)
                        )
                    ],
                )
                a = idxv * D
                vals = [plsc.load_gather(tab_v, [a + d]) for d in range(D)]
                for d in range(D):
                    os_[b][pl.ds(d * blk + k * _L, _L)] = vals[d]
                return carry

        def fire_out(b, jb, ib):
            u = jb * nib + ib
            for d in range(D):
                pltpu.async_copy(
                    os_[b].at[pl.ds(d * blk, blk)],
                    out_hbm.at[pl.ds(d * (nu * blk) + u * blk, blk)],
                    sos[b],
                )

        def drain_out(b):
            pltpu.make_async_copy(
                out_hbm.at[pl.ds(0, obuf)], os_[b], sos[b]
            ).wait()

        for half in range(ib_per_w // 2):
            ib_a = ib0w + 2 * half
            for b in range(2):
                pltpu.sync_copy(
                    x_hbm.at[pl.ds((ib_a + b) * _TI * S, _TI * S)], xrs[b]
                )

            def jb_body(jb, carry):
                for b in range(2):
                    @pl.when(jnp.logical_or(jb >= 1, half >= 1))
                    def _():
                        drain_out(b)

                    compute(b, jb)
                    fire_out(b, jb, ib_a + b)
                return carry

            lax.fori_loop(0, njb, jb_body, 0)

        for b in range(2):
            drain_out(b)

    out = emb(x.reshape(N), wflat)
    return (
        out.reshape(D, njb, nib, _TJ, _TI)
        .transpose(2, 4, 1, 3, 0)
        .reshape(B, S, D)
    )

# --- scband reference (transcript-rebuilt; emitter-appended) ---
"""Pipeline reference for scband-my-model-61933428411292 (READ-ONLY COPY).

The authoritative reference and input builder live on the scoring server;
editing this copy changes nothing except your own understanding.
"""

import jax, jax.numpy as jnp
import numpy as np


def setup_inputs(seed: int = 0) -> dict:
    key = jax.random.key(seed)
    k_idx, k_w = jax.random.split(key)
    x = jax.random.randint(k_idx, (16384, 200), 0, 20, dtype=jnp.int64 if jax.config.jax_enable_x64 else jnp.int32).astype(jnp.int32)
    # nn.Embedding default init: N(0, 1)
    weight = jax.random.normal(k_w, (20, 21), dtype=jnp.float32)
    return {"x": x, "weight": weight}


def reference(x, weight):
    # Faithful to: self.embedding(x.type(torch.cuda.IntTensor))
    idx = x.astype(jnp.int32)
    return jnp.take(weight, idx, axis=0)

if __name__ == "__main__":
    import jax
    _d = setup_inputs()
    print(jax.jit(kernel)(*tuple(_d.values())))

</pallas_src>

<mosaic_0001>
#map = affine_map<(d0, d1) -> (0)>
module attributes {stable_mosaic.version = 14 : i64} {
  func.func @emb(%arg0: i32, %arg1: i32, %arg2: memref<3276800xi32, #tpu.memory_space<hbm>>, %arg3: memref<440xf32, #tpu.memory_space<hbm>>, %arg4: memref<68812800xf32, #tpu.memory_space<hbm>>, %arg5: memref<440xf32, #tpu.memory_space<vmem>>, %arg6: memref<25600xi32, #tpu.memory_space<vmem>>, %arg7: memref<25600xi32, #tpu.memory_space<vmem>>, %arg8: memref<21504xf32, #tpu.memory_space<vmem>>, %arg9: memref<21504xf32, #tpu.memory_space<vmem>>, %arg10: memref<!tpu.dma_semaphore, #tpu.memory_space<semaphore_mem>>, %arg11: memref<!tpu.dma_semaphore, #tpu.memory_space<semaphore_mem>>) attributes {dimension_semantics = [#tpu.dimension_semantics<core_parallel>, #tpu.dimension_semantics<subcore_parallel>], iteration_bounds = array<i64: 2, 16>, scalar_prefetch = 0 : i64, scratch_operands = 7 : i64, tpu.core_type = #tpu.core_type<sc_vector_subcore>, window_params = [{transform_indices = #map}, {transform_indices = #map}, {transform_indices = #map}]} {
    %mul3A = arith.constant 2 : i32
    %mul3A_0 = arith.muli %arg1, %mul3A : i32
    %add3A = arith.addi %mul3A_0, %arg0 : i32
    %mul3A_1 = arith.constant 4 : i32
    %mul3A_2 = arith.muli %add3A, %mul3A_1 : i32
    "tpu.region"() ({
      %run_scoped3A = tpu.sem_alloc : memref<!tpu.dma_semaphore, #tpu.memory_space<semaphore_mem>>
      tpu.enqueue_dma source(%arg3 : memref<440xf32, #tpu.memory_space<hbm>>) target(%arg5 : memref<440xf32, #tpu.memory_space<vmem>>) target_semaphore(%run_scoped3A : memref<!tpu.dma_semaphore, #tpu.memory_space<semaphore_mem>>)
      tpu.wait_dma2 semaphore(%run_scoped3A : memref<!tpu.dma_semaphore, #tpu.memory_space<semaphore_mem>>) src(%arg3 : memref<440xf32, #tpu.memory_space<hbm>>) dst(%arg5 : memref<440xf32, #tpu.memory_space<vmem>>)
      tpu.yield
    }) : () -> ()
    %iota3A = tpu.iota {dimensions = array<i32: 0>} : vector<16xi32>
    %mul3A_3 = arith.constant 200 : i32
    %mul3A_4 = vector.broadcast %mul3A_3 : i32 to vector<16xi32>
    %mul3A_5 = arith.muli %iota3A, %mul3A_4 : vector<16xi32>
    %add3A_6 = arith.constant 0 : i32
    %add3A_7 = arith.addi %mul3A_2, %add3A_6 : i32
    %add3A_8 = arith.constant 0 : i32
    %add3A_9 = arith.addi %add3A_7, %add3A_8 : i32
    %mul3A_10 = arith.constant 128 : i32
    %mul3A_11 = arith.muli %add3A_9, %mul3A_10 : i32
    %mul3A_12 = arith.constant 200 : i32
    %mul3A_13 = arith.muli %mul3A_11, %mul3A_12 : i32
    "tpu.region"() ({
      %run_scoped3A = tpu.sem_alloc : memref<!tpu.dma_semaphore, #tpu.memory_space<semaphore_mem>>
      %dma_start3A = tpu.memref_slice %arg2[%mul3A_13] : memref<3276800xi32, #tpu.memory_space<hbm>> -> memref<25600xi32, #tpu.memory_space<hbm>>
      %dma_start3A_52 = tpu.memref_slice %arg2[%mul3A_13] : memref<3276800xi32, #tpu.memory_space<hbm>> -> memref<25600xi32, #tpu.memory_space<hbm>>
      tpu.enqueue_dma source(%dma_start3A_52 : memref<25600xi32, #tpu.memory_space<hbm>>) target(%arg6 : memref<25600xi32, #tpu.memory_space<vmem>>) target_semaphore(%run_scoped3A : memref<!tpu.dma_semaphore, #tpu.memory_space<semaphore_mem>>)
      %dma_wait3A_53 = tpu.memref_slice %arg2[%mul3A_13] : memref<3276800xi32, #tpu.memory_space<hbm>> -> memref<25600xi32, #tpu.memory_space<hbm>>
      %dma_wait3A_54 = tpu.memref_slice %arg2[%mul3A_13] : memref<3276800xi32, #tpu.memory_space<hbm>> -> memref<25600xi32, #tpu.memory_space<hbm>>
      tpu.wait_dma2 semaphore(%run_scoped3A : memref<!tpu.dma_semaphore, #tpu.memory_space<semaphore_mem>>) src(%dma_wait3A_54 : memref<25600xi32, #tpu.memory_space<hbm>>) dst(%arg6 : memref<25600xi32, #tpu.memory_space<vmem>>)
      tpu.yield
    }) : () -> ()
    %add3A_14 = arith.constant 1 : i32
    %add3A_15 = arith.addi %add3A_7, %add3A_14 : i32
    %mul3A_16 = arith.constant 128 : i32
    %mul3A_17 = arith.muli %add3A_15, %mul3A_16 : i32
    %mul3A_18 = arith.constant 200 : i32
    %mul3A_19 = arith.muli %mul3A_17, %mul3A_18 : i32
    "tpu.region"() ({
      %run_scoped3A = tpu.sem_alloc : memref<!tpu.dma_semaphore, #tpu.memory_space<semaphore_mem>>
      %dma_start3A = tpu.memref_slice %arg2[%mul3A_19] : memref<3276800xi32, #tpu.memory_space<hbm>> -> memref<25600xi32, #tpu.memory_space<hbm>>
      %dma_start3A_52 = tpu.memref_slice %arg2[%mul3A_19] : memref<3276800xi32, #tpu.memory_space<hbm>> -> memref<25600xi32, #tpu.memory_space<hbm>>
      tpu.enqueue_dma source(%dma_start3A_52 : memref<25600xi32, #tpu.memory_space<hbm>>) target(%arg7 : memref<25600xi32, #tpu.memory_space<vmem>>) target_semaphore(%run_scoped3A : memref<!tpu.dma_semaphore, #tpu.memory_space<semaphore_mem>>)
      %dma_wait3A_53 = tpu.memref_slice %arg2[%mul3A_19] : memref<3276800xi32, #tpu.memory_space<hbm>> -> memref<25600xi32, #tpu.memory_space<hbm>>
      %dma_wait3A_54 = tpu.memref_slice %arg2[%mul3A_19] : memref<3276800xi32, #tpu.memory_space<hbm>> -> memref<25600xi32, #tpu.memory_space<hbm>>
      tpu.wait_dma2 semaphore(%run_scoped3A : memref<!tpu.dma_semaphore, #tpu.memory_space<semaphore_mem>>) src(%dma_wait3A_54 : memref<25600xi32, #tpu.memory_space<hbm>>) dst(%arg7 : memref<25600xi32, #tpu.memory_space<vmem>>)
      tpu.yield
    }) : () -> ()
    %scan3A = arith.constant 0 : i32
    %scan3A_20 = arith.constant 0 : i32
    %scan3A_21 = arith.constant 25 : i32
    %scan3A_22 = arith.addi %scan3A_20, %scan3A_21 : i32
    %scan3A_23 = arith.constant 1 : i32
    scf.for %scan3A_52 = %scan3A_20 to %scan3A_22 step %scan3A_23  : i32 {
      %ge3A = arith.constant 1 : i32
      %ge3A_53 = arith.cmpi sge, %scan3A_52, %ge3A : i32
      %or3A = arith.constant false
      %or3A_54 = arith.ori %ge3A_53, %or3A : i1
      %convert_element_type3A = arith.extui %or3A_54 : i1 to i32
      %cond3A = arith.constant 0 : i32
      %cond3A_55 = arith.cmpi ne, %convert_element_type3A, %cond3A : i32
      scf.if %cond3A_55 {
        %dma_wait3A_501 = arith.constant 0 : i32
        %dma_wait3A_502 = tpu.memref_slice %arg4[%dma_wait3A_501] : memref<68812800xf32, #tpu.memory_space<hbm>> -> memref<21504xf32, #tpu.memory_space<hbm>>
        %dma_wait3A_503 = arith.constant 0 : i32
        %dma_wait3A_504 = tpu.memref_slice %arg4[%dma_wait3A_503] : memref<68812800xf32, #tpu.memory_space<hbm>> -> memref<21504xf32, #tpu.memory_space<hbm>>
        tpu.wait_dma2 semaphore(%arg10 : memref<!tpu.dma_semaphore, #tpu.memory_space<semaphore_mem>>) src(%dma_wait3A_504 : memref<21504xf32, #tpu.memory_space<hbm>>) dst(%arg8 : memref<21504xf32, #tpu.memory_space<vmem>>)
      } else {
      }
      %parallel_loop3A = arith.constant 0 : i32
      %parallel_loop3A_56 = arith.constant 64 : i32
      %parallel_loop3A_57 = arith.constant 1 : i32
      %parallel_loop3A_58 = arith.constant 0 : i32
      %parallel_loop3A_59 = scf.for %parallel_loop3A_501 = %parallel_loop3A to %parallel_loop3A_56 step %parallel_loop3A_57 iter_args(%parallel_loop3A_502 = %parallel_loop3A_58) -> (i32)  : i32 {
        %parallel_loop3A_503 = arith.constant 8 : i32
        %parallel_loop3A_504 = arith.divsi %parallel_loop3A_501, %parallel_loop3A_503 : i32
        %parallel_loop3A_505 = arith.constant 0 : i32
        %parallel_loop3A_506 = arith.cmpi sgt, %parallel_loop3A_501, %parallel_loop3A_505 : i32
        %parallel_loop3A_507 = arith.extui %parallel_loop3A_506 : i1 to i32
        %parallel_loop3A_508 = arith.constant 0 : i32
        %parallel_loop3A_509 = arith.cmpi slt, %parallel_loop3A_501, %parallel_loop3A_508 : i32
        %parallel_loop3A_510 = arith.extui %parallel_loop3A_509 : i1 to i32
        %parallel_loop3A_511 = arith.subi %parallel_loop3A_507, %parallel_loop3A_510 : i32
        %parallel_loop3A_512 = arith.constant 0 : i32
        %parallel_loop3A_513 = arith.cmpi sgt, %parallel_loop3A_503, %parallel_loop3A_512 : i32
        %parallel_loop3A_514 = arith.extui %parallel_loop3A_513 : i1 to i32
        %parallel_loop3A_515 = arith.constant 0 : i32
        %parallel_loop3A_516 = arith.cmpi slt, %parallel_loop3A_503, %parallel_loop3A_515 : i32
        %parallel_loop3A_517 = arith.extui %parallel_loop3A_516 : i1 to i32
        %parallel_loop3A_518 = arith.subi %parallel_loop3A_514, %parallel_loop3A_517 : i32
        %parallel_loop3A_519 = arith.cmpi ne, %parallel_loop3A_511, %parallel_loop3A_518 : i32
        %parallel_loop3A_520 = arith.remsi %parallel_loop3A_501, %parallel_loop3A_503 : i32
        %parallel_loop3A_521 = arith.constant 0 : i32
        %parallel_loop3A_522 = arith.cmpi ne, %parallel_loop3A_520, %parallel_loop3A_521 : i32
        %parallel_loop3A_523 = arith.andi %parallel_loop3A_519, %parallel_loop3A_522 : i1
        %parallel_loop3A_524 = arith.constant 1 : i32
        %parallel_loop3A_525 = arith.subi %parallel_loop3A_504, %parallel_loop3A_524 : i32
        %parallel_loop3A_526 = arith.select %parallel_loop3A_523, %parallel_loop3A_525, %parallel_loop3A_504 : i32
        %parallel_loop3A_527 = arith.constant 8 : i32
        %parallel_loop3A_528 = arith.constant 0 : i32
        %parallel_loop3A_529 = arith.cmpi eq, %parallel_loop3A_527, %parallel_loop3A_528 : i32
        %parallel_loop3A_530 = arith.constant 1 : i32
        %parallel_loop3A_531 = arith.select %parallel_loop3A_529, %parallel_loop3A_530, %parallel_loop3A_527 : i32
        %parallel_loop3A_532 = arith.remsi %parallel_loop3A_501, %parallel_loop3A_531 : i32
        %parallel_loop3A_533 = arith.constant 0 : i32
        %parallel_loop3A_534 = arith.cmpi ne, %parallel_loop3A_532, %parallel_loop3A_533 : i32
        %parallel_loop3A_535 = arith.constant 0 : i32
        %parallel_loop3A_536 = arith.cmpi slt, %parallel_loop3A_532, %parallel_loop3A_535 : i32
        %parallel_loop3A_537 = arith.constant 0 : i32
        %parallel_loop3A_538 = arith.cmpi slt, %parallel_loop3A_531, %parallel_loop3A_537 : i32
        %parallel_loop3A_539 = arith.xori %parallel_loop3A_536, %parallel_loop3A_538 : i1
        %parallel_loop3A_540 = arith.andi %parallel_loop3A_539, %parallel_loop3A_534 : i1
        %parallel_loop3A_541 = arith.addi %parallel_loop3A_532, %parallel_loop3A_531 : i32
        %parallel_loop3A_542 = arith.select %parallel_loop3A_540, %parallel_loop3A_541, %parallel_loop3A_532 : i32
        %parallel_loop3A_543 = arith.constant 8 : i32
        %parallel_loop3A_544 = arith.muli %scan3A_52, %parallel_loop3A_543 : i32
        %parallel_loop3A_545 = arith.constant 3200 : i32
        %parallel_loop3A_546 = arith.muli %parallel_loop3A_542, %parallel_loop3A_545 : i32
        %parallel_loop3A_547 = arith.addi %parallel_loop3A_546, %parallel_loop3A_526 : i32
        %parallel_loop3A_548 = arith.addi %parallel_loop3A_544, %parallel_loop3A_547 : i32
        %parallel_loop3A_549 = vector.broadcast %parallel_loop3A_548 : i32 to vector<16xi32>
        %parallel_loop3A_550 = arith.addi %mul3A_5, %parallel_loop3A_549 : vector<16xi32>
        %parallel_loop3A_551 = tpu.vector_load_idx %arg6[%parallel_loop3A_550] : memref<25600xi32, #tpu.memory_space<vmem>>[vector<16xi32>], vector<16xi32>,
        %parallel_loop3A_552 = arith.constant 21 : i32
        %parallel_loop3A_553 = vector.broadcast %parallel_loop3A_552 : i32 to vector<16xi32>
        %parallel_loop3A_554 = arith.muli %parallel_loop3A_551, %parallel_loop3A_553 : vector<16xi32>
        %parallel_loop3A_555 = arith.constant 0 : i32
        %parallel_loop3A_556 = vector.broadcast %parallel_loop3A_555 : i32 to vector<16xi32>
        %parallel_loop3A_557 = arith.addi %parallel_loop3A_554, %parallel_loop3A_556 : vector<16xi32>
        %parallel_loop3A_558 = tpu.vector_load_idx %arg5[%parallel_loop3A_557] : memref<440xf32, #tpu.memory_space<vmem>>[vector<16xi32>], vector<16xf32>,
        %parallel_loop3A_559 = arith.constant 1 : i32
        %parallel_loop3A_560 = vector.broadcast %parallel_loop3A_559 : i32 to vector<16xi32>
        %parallel_loop3A_561 = arith.addi %parallel_loop3A_554, %parallel_loop3A_560 : vector<16xi32>
        %parallel_loop3A_562 = tpu.vector_load_idx %arg5[%parallel_loop3A_561] : memref<440xf32, #tpu.memory_space<vmem>>[vector<16xi32>], vector<16xf32>,
        %parallel_loop3A_563 = arith.constant 2 : i32
        %parallel_loop3A_564 = vector.broadcast %parallel_loop3A_563 : i32 to vector<16xi32>
        %parallel_loop3A_565 = arith.addi %parallel_loop3A_554, %parallel_loop3A_564 : vector<16xi32>
        %parallel_loop3A_566 = tpu.vector_load_idx %arg5[%parallel_loop3A_565] : memref<440xf32, #tpu.memory_space<vmem>>[vector<16xi32>], vector<16xf32>,
        %parallel_loop3A_567 = arith.constant 3 : i32
        %parallel_loop3A_568 = vector.broadcast %parallel_loop3A_567 : i32 to vector<16xi32>
        %parallel_loop3A_569 = arith.addi %parallel_loop3A_554, %parallel_loop3A_568 : vector<16xi32>
        %parallel_loop3A_570 = tpu.vector_load_idx %arg5[%parallel_loop3A_569] : memref<440xf32, #tpu.memory_space<vmem>>[vector<16xi32>], vector<16xf32>,
        %parallel_loop3A_571 = arith.constant 4 : i32
        %parallel_loop3A_572 = vector.broadcast %parallel_loop3A_571 : i32 to vector<16xi32>
        %parallel_loop3A_573 = arith.addi %parallel_loop3A_554, %parallel_loop3A_572 : vector<16xi32>
        %parallel_loop3A_574 = tpu.vector_load_idx %arg5[%parallel_loop3A_573] : memref<440xf32, #tpu.memory_space<vmem>>[vector<16xi32>], vector<16xf32>,
        %parallel_loop3A_575 = arith.constant 5 : i32
        %parallel_loop3A_576 = vector.broadcast %parallel_loop3A_575 : i32 to vector<16xi32>
        %parallel_loop3A_577 = arith.addi %parallel_loop3A_554, %parallel_loop3A_576 : vector<16xi32>
        %parallel_loop3A_578 = tpu.vector_load_idx %arg5[%parallel_loop3A_577] : memref<440xf32, #tpu.memory_space<vmem>>[vector<16xi32>], vector<16xf32>,
        %parallel_loop3A_579 = arith.constant 6 : i32
        %parallel_loop3A_580 = vector.broadcast %parallel_loop3A_579 : i32 to vector<16xi32>
        %parallel_loop3A_581 = arith.addi %parallel_loop3A_554, %parallel_loop3A_580 : vector<16xi32>
        %parallel_loop3A_582 = tpu.vector_load_idx %arg5[%parallel_loop3A_581] : memref<440xf32, #tpu.memory_space<vmem>>[vector<16xi32>], vector<16xf32>,
        %parallel_loop3A_583 = arith.constant 7 : i32
        %parallel_loop3A_584 = vector.broadcast %parallel_loop3A_583 : i32 to vector<16xi32>
        %parallel_loop3A_585 = arith.addi %parallel_loop3A_554, %parallel_loop3A_584 : vector<16xi32>
        %parallel_loop3A_586 = tpu.vector_load_idx %arg5[%parallel_loop3A_585] : memref<440xf32, #tpu.memory_space<vmem>>[vector<16xi32>], vector<16xf32>,
        %parallel_loop3A_587 = arith.constant 8 : i32
        %parallel_loop3A_588 = vector.broadcast %parallel_loop3A_587 : i32 to vector<16xi32>
        %parallel_loop3A_589 = arith.addi %parallel_loop3A_554, %parallel_loop3A_588 : vector<16xi32>
        %parallel_loop3A_590 = tpu.vector_load_idx %arg5[%parallel_loop3A_589] : memref<440xf32, #tpu.memory_space<vmem>>[vector<16xi32>], vector<16xf32>,
        %parallel_loop3A_591 = arith.constant 9 : i32
        %parallel_loop3A_592 = vector.broadcast %parallel_loop3A_591 : i32 to vector<16xi32>
        %parallel_loop3A_593 = arith.addi %parallel_loop3A_554, %parallel_loop3A_592 : vector<16xi32>
        %parallel_loop3A_594 = tpu.vector_load_idx %arg5[%parallel_loop3A_593] : memref<440xf32, #tpu.memory_space<vmem>>[vector<16xi32>], vector<16xf32>,
        %parallel_loop3A_595 = arith.constant 10 : i32
        %parallel_loop3A_596 = vector.broadcast %parallel_loop3A_595 : i32 to vector<16xi32>
        %parallel_loop3A_597 = arith.addi %parallel_loop3A_554, %parallel_loop3A_596 : vector<16xi32>
        %parallel_loop3A_598 = tpu.vector_load_idx %arg5[%parallel_loop3A_597] : memref<440xf32, #tpu.memory_space<vmem>>[vector<16xi32>], vector<16xf32>,
        %parallel_loop3A_599 = arith.constant 11 : i32
        %parallel_loop3A_600 = vector.broadcast %parallel_loop3A_599 : i32 to vector<16xi32>
        %parallel_loop3A_601 = arith.addi %parallel_loop3A_554, %parallel_loop3A_600 : vector<16xi32>
        %parallel_loop3A_602 = tpu.vector_load_idx %arg5[%parallel_loop3A_601] : memref<440xf32, #tpu.memory_space<vmem>>[vector<16xi32>], vector<16xf32>,
        %parallel_loop3A_603 = arith.constant 12 : i32
        %parallel_loop3A_604 = vector.broadcast %parallel_loop3A_603 : i32 to vector<16xi32>
        %parallel_loop3A_605 = arith.addi %parallel_loop3A_554, %parallel_loop3A_604 : vector<16xi32>
        %parallel_loop3A_606 = tpu.vector_load_idx %arg5[%parallel_loop3A_605] : memref<440xf32, #tpu.memory_space<vmem>>[vector<16xi32>], vector<16xf32>,
        %parallel_loop3A_607 = arith.constant 13 : i32
        %parallel_loop3A_608 = vector.broadcast %parallel_loop3A_607 : i32 to vector<16xi32>
        %parallel_loop3A_609 = arith.addi %parallel_loop3A_554, %parallel_loop3A_608 : vector<16xi32>
        %parallel_loop3A_610 = tpu.vector_load_idx %arg5[%parallel_loop3A_609] : memref<440xf32, #tpu.memory_space<vmem>>[vector<16xi32>], vector<16xf32>,
        %parallel_loop3A_611 = arith.constant 14 : i32
        %parallel_loop3A_612 = vector.broadcast %parallel_loop3A_611 : i32 to vector<16xi32>
        %parallel_loop3A_613 = arith.addi %parallel_loop3A_554, %parallel_loop3A_612 : vector<16xi32>
        %parallel_loop3A_614 = tpu.vector_load_idx %arg5[%parallel_loop3A_613] : memref<440xf32, #tpu.memory_space<vmem>>[vector<16xi32>], vector<16xf32>,
        %parallel_loop3A_615 = arith.constant 15 : i32
        %parallel_loop3A_616 = vector.broadcast %parallel_loop3A_615 : i32 to vector<16xi32>
        %parallel_loop3A_617 = arith.addi %parallel_loop3A_554, %parallel_loop3A_616 : vector<16xi32>
        %parallel_loop3A_618 = tpu.vector_load_idx %arg5[%parallel_loop3A_617] : memref<440xf32, #tpu.memory_space<vmem>>[vector<16xi32>], vector<16xf32>,
        %parallel_loop3A_619 = arith.constant 16 : i32
        %parallel_loop3A_620 = vector.broadcast %parallel_loop3A_619 : i32 to vector<16xi32>
        %parallel_loop3A_621 = arith.addi %parallel_loop3A_554, %parallel_loop3A_620 : vector<16xi32>
        %parallel_loop3A_622 = tpu.vector_load_idx %arg5[%parallel_loop3A_621] : memref<440xf32, #tpu.memory_space<vmem>>[vector<16xi32>], vector<16xf32>,
        %parallel_loop3A_623 = arith.constant 17 : i32
        %parallel_loop3A_624 = vector.broadcast %parallel_loop3A_623 : i32 to vector<16xi32>
        %parallel_loop3A_625 = arith.addi %parallel_loop3A_554, %parallel_loop3A_624 : vector<16xi32>
        %parallel_loop3A_626 = tpu.vector_load_idx %arg5[%parallel_loop3A_625] : memref<440xf32, #tpu.memory_space<vmem>>[vector<16xi32>], vector<16xf32>,
        %parallel_loop3A_627 = arith.constant 18 : i32
        %parallel_loop3A_628 = vector.broadcast %parallel_loop3A_627 : i32 to vector<16xi32>
        %parallel_loop3A_629 = arith.addi %parallel_loop3A_554, %parallel_loop3A_628 : vector<16xi32>
        %parallel_loop3A_630 = tpu.vector_load_idx %arg5[%parallel_loop3A_629] : memref<440xf32, #tpu.memory_space<vmem>>[vector<16xi32>], vector<16xf32>,
        %parallel_loop3A_631 = arith.constant 19 : i32
        %parallel_loop3A_632 = vector.broadcast %parallel_loop3A_631 : i32 to vector<16xi32>
        %parallel_loop3A_633 = arith.addi %parallel_loop3A_554, %parallel_loop3A_632 : vector<16xi32>
        %parallel_loop3A_634 = tpu.vector_load_idx %arg5[%parallel_loop3A_633] : memref<440xf32, #tpu.memory_space<vmem>>[vector<16xi32>], vector<16xf32>,
        %parallel_loop3A_635 = arith.constant 20 : i32
        %parallel_loop3A_636 = vector.broadcast %parallel_loop3A_635 : i32 to vector<16xi32>
        %parallel_loop3A_637 = arith.addi %parallel_loop3A_554, %parallel_loop3A_636 : vector<16xi32>
        %parallel_loop3A_638 = tpu.vector_load_idx %arg5[%parallel_loop3A_637] : memref<440xf32, #tpu.memory_space<vmem>>[vector<16xi32>], vector<16xf32>,
        %parallel_loop3A_639 = arith.constant 16 : i32
        %parallel_loop3A_640 = arith.muli %parallel_loop3A_501, %parallel_loop3A_639 : i32
        %parallel_loop3A_641 = arith.constant 0 : i32
        %parallel_loop3A_642 = arith.addi %parallel_loop3A_641, %parallel_loop3A_640 : i32
        %parallel_loop3A_643 = arith.index_cast %parallel_loop3A_642 : i32 to index
        %parallel_loop3A_644 = tpu.vector_load %arg8[%parallel_loop3A_643] {strides = array<i32>} : memref<21504xf32, #tpu.memory_space<vmem>>, vector<16xf32>,
        tpu.vector_store %arg8[%parallel_loop3A_643], %parallel_loop3A_558 {strides = array<i32>} : memref<21504xf32, #tpu.memory_space<vmem>>, vector<16xf32>,
        %parallel_loop3A_645 = arith.constant 16 : i32
        %parallel_loop3A_646 = arith.muli %parallel_loop3A_501, %parallel_loop3A_645 : i32
        %parallel_loop3A_647 = arith.constant 1024 : i32
        %parallel_loop3A_648 = arith.addi %parallel_loop3A_647, %parallel_loop3A_646 : i32
        %parallel_loop3A_649 = arith.index_cast %parallel_loop3A_648 : i32 to index
        %parallel_loop3A_650 = tpu.vector_load %arg8[%parallel_loop3A_649] {strides = array<i32>} : memref<21504xf32, #tpu.memory_space<vmem>>, vector<16xf32>,
        tpu.vector_store %arg8[%parallel_loop3A_649], %parallel_loop3A_562 {strides = array<i32>} : memref<21504xf32, #tpu.memory_space<vmem>>, vector<16xf32>,
        %parallel_loop3A_651 = arith.constant 16 : i32
        %parallel_loop3A_652 = arith.muli %parallel_loop3A_501, %parallel_loop3A_651 : i32
        %parallel_loop3A_653 = arith.constant 2048 : i32
        %parallel_loop3A_654 = arith.addi %parallel_loop3A_653, %parallel_loop3A_652 : i32
        %parallel_loop3A_655 = arith.index_cast %parallel_loop3A_654 : i32 to index
        %parallel_loop3A_656 = tpu.vector_load %arg8[%parallel_loop3A_655] {strides = array<i32>} : memref<21504xf32, #tpu.memory_space<vmem>>, vector<16xf32>,
        tpu.vector_store %arg8[%parallel_loop3A_655], %parallel_loop3A_566 {strides = array<i32>} : memref<21504xf32, #tpu.memory_space<vmem>>, vector<16xf32>,
        %parallel_loop3A_657 = arith.constant 16 : i32
        %parallel_loop3A_658 = arith.muli %parallel_loop3A_501, %parallel_loop3A_657 : i32
        %parallel_loop3A_659 = arith.constant 3072 : i32
        %parallel_loop3A_660 = arith.addi %parallel_loop3A_659, %parallel_loop3A_658 : i32
        %parallel_loop3A_661 = arith.index_cast %parallel_loop3A_660 : i32 to index
        %parallel_loop3A_662 = tpu.vector_load %arg8[%parallel_loop3A_661] {strides = array<i32>} : memref<21504xf32, #tpu.memory_space<vmem>>, vector<16xf32>,
        tpu.vector_store %arg8[%parallel_loop3A_661], %parallel_loop3A_570 {strides = array<i32>} : memref<21504xf32, #tpu.memory_space<vmem>>, vector<16xf32>,
        %parallel_loop3A_663 = arith.constant 16 : i32
        %parallel_loop3A_664 = arith.muli %parallel_loop3A_501, %parallel_loop3A_663 : i32
        %parallel_loop3A_665 = arith.constant 4096 : i32
        %parallel_loop3A_666 = arith.addi %parallel_loop3A_665, %parallel_loop3A_664 : i32
        %parallel_loop3A_667 = arith.index_cast %parallel_loop3A_666 : i32 to index
        %parallel_loop3A_668 = tpu.vector_load %arg8[%parallel_loop3A_667] {strides = array<i32>} : memref<21504xf32, #tpu.memory_space<vmem>>, vector<16xf32>,
        tpu.vector_store %arg8[%parallel_loop3A_667], %parallel_loop3A_574 {strides = array<i32>} : memref<21504xf32, #tpu.memory_space<vmem>>, vector<16xf32>,
        %parallel_loop3A_669 = arith.constant 16 : i32
        %parallel_loop3A_670 = arith.muli %parallel_loop3A_501, %parallel_loop3A_669 : i32
        %parallel_loop3A_671 = arith.constant 5120 : i32
        %parallel_loop3A_672 = arith.addi %parallel_loop3A_671, %parallel_loop3A_670 : i32
        %parallel_loop3A_673 = arith.index_cast %parallel_loop3A_672 : i32 to index
        %parallel_loop3A_674 = tpu.vector_load %arg8[%parallel_loop3A_673] {strides = array<i32>} : memref<21504xf32, #tpu.memory_space<vmem>>, vector<16xf32>,
        tpu.vector_store %arg8[%parallel_loop3A_673], %parallel_loop3A_578 {strides = array<i32>} : memref<21504xf32, #tpu.memory_space<vmem>>, vector<16xf32>,
        %parallel_loop3A_675 = arith.constant 16 : i32
        %parallel_loop3A_676 = arith.muli %parallel_loop3A_501, %parallel_loop3A_675 : i32
        %parallel_loop3A_677 = arith.constant 6144 : i32
        %parallel_loop3A_678 = arith.addi %parallel_loop3A_677, %parallel_loop3A_676 : i32
        %parallel_loop3A_679 = arith.index_cast %parallel_loop3A_678 : i32 to index
        %parallel_loop3A_680 = tpu.vector_load %arg8[%parallel_loop3A_679] {strides = array<i32>} : memref<21504xf32, #tpu.memory_space<vmem>>, vector<16xf32>,
        tpu.vector_store %arg8[%parallel_loop3A_679], %parallel_loop3A_582 {strides = array<i32>} : memref<21504xf32, #tpu.memory_space<vmem>>, vector<16xf32>,
        %parallel_loop3A_681 = arith.constant 16 : i32
        %parallel_loop3A_682 = arith.muli %parallel_loop3A_501, %parallel_loop3A_681 : i32
        %parallel_loop3A_683 = arith.constant 7168 : i32
        %parallel_loop3A_684 = arith.addi %parallel_loop3A_683, %parallel_loop3A_682 : i32
        %parallel_loop3A_685 = arith.index_cast %parallel_loop3A_684 : i32 to index
        %parallel_loop3A_686 = tpu.vector_load %arg8[%parallel_loop3A_685] {strides = array<i32>} : memref<21504xf32, #tpu.memory_space<vmem>>, vector<16xf32>,
        tpu.vector_store %arg8[%parallel_loop3A_685], %parallel_loop3A_586 {strides = array<i32>} : memref<21504xf32, #tpu.memory_space<vmem>>, vector<16xf32>,
        %parallel_loop3A_687 = arith.constant 16 : i32
        %parallel_loop3A_688 = arith.muli %parallel_loop3A_501, %parallel_loop3A_687 : i32
        %parallel_loop3A_689 = arith.constant 8192 : i32
        %parallel_loop3A_690 = arith.addi %parallel_loop3A_689, %parallel_loop3A_688 : i32
        %parallel_loop3A_691 = arith.index_cast %parallel_loop3A_690 : i32 to index
        %parallel_loop3A_692 = tpu.vector_load %arg8[%parallel_loop3A_691] {strides = array<i32>} : memref<21504xf32, #tpu.memory_space<vmem>>, vector<16xf32>,
        tpu.vector_store %arg8[%parallel_loop3A_691], %parallel_loop3A_590 {strides = array<i32>} : memref<21504xf32, #tpu.memory_space<vmem>>, vector<16xf32>,
        %parallel_loop3A_693 = arith.constant 16 : i32
        %parallel_loop3A_694 = arith.muli %parallel_loop3A_501, %parallel_loop3A_693 : i32
        %parallel_loop3A_695 = arith.constant 9216 : i32
        %parallel_loop3A_696 = arith.addi %parallel_loop3A_695, %parallel_loop3A_694 : i32
        %parallel_loop3A_697 = arith.index_cast %parallel_loop3A_696 : i32 to index
        %parallel_loop3A_698 = tpu.vector_load %arg8[%parallel_loop3A_697] {strides = array<i32>} : memref<21504xf32, #tpu.memory_space<vmem>>, vector<16xf32>,
        tpu.vector_store %arg8[%parallel_loop3A_697], %parallel_loop3A_594 {strides = array<i32>} : memref<21504xf32, #tpu.memory_space<vmem>>, vector<16xf32>,
        %parallel_loop3A_699 = arith.constant 16 : i32
        %parallel_loop3A_700 = arith.muli %parallel_loop3A_501, %parallel_loop3A_699 : i32
        %parallel_loop3A_701 = arith.constant 10240 : i32
        %parallel_loop3A_702 = arith.addi %parallel_loop3A_701, %parallel_loop3A_700 : i32
        %parallel_loop3A_703 = arith.index_cast %parallel_loop3A_702 : i32 to index
        %parallel_loop3A_704 = tpu.vector_load %arg8[%parallel_loop3A_703] {strides = array<i32>} : memref<21504xf32, #tpu.memory_space<vmem>>, vector<16xf32>,
        tpu.vector_store %arg8[%parallel_loop3A_703], %parallel_loop3A_598 {strides = array<i32>} : memref<21504xf32, #tpu.memory_space<vmem>>, vector<16xf32>,
        %parallel_loop3A_705 = arith.constant 16 : i32
        %parallel_loop3A_706 = arith.muli %parallel_loop3A_501, %parallel_loop3A_705 : i32
        %parallel_loop3A_707 = arith.constant 11264 : i32
        %parallel_loop3A_708 = arith.addi %parallel_loop3A_707, %parallel_loop3A_706 : i32
        %parallel_loop3A_709 = arith.index_cast %parallel_loop3A_708 : i32 to index
        %parallel_loop3A_710 = tpu.vector_load %arg8[%parallel_loop3A_709] {strides = array<i32>} : memref<21504xf32, #tpu.memory_space<vmem>>, vector<16xf32>,
        tpu.vector_store %arg8[%parallel_loop3A_709], %parallel_loop3A_602 {strides = array<i32>} : memref<21504xf32, #tpu.memory_space<vmem>>, vector<16xf32>,
        %parallel_loop3A_711 = arith.constant 16 : i32
        %parallel_loop3A_712 = arith.muli %parallel_loop3A_501, %parallel_loop3A_711 : i32
        %parallel_loop3A_713 = arith.constant 12288 : i32
        %parallel_loop3A_714 = arith.addi %parallel_loop3A_713, %parallel_loop3A_712 : i32
        %parallel_loop3A_715 = arith.index_cast %parallel_loop3A_714 : i32 to index
        %parallel_loop3A_716 = tpu.vector_load %arg8[%parallel_loop3A_715] {strides = array<i32>} : memref<21504xf32, #tpu.memory_space<vmem>>, vector<16xf32>,
        tpu.vector_store %arg8[%parallel_loop3A_715], %parallel_loop3A_606 {strides = array<i32>} : memref<21504xf32, #tpu.memory_space<vmem>>, vector<16xf32>,
        %parallel_loop3A_717 = arith.constant 16 : i32
        %parallel_loop3A_718 = arith.muli %parallel_loop3A_501, %parallel_loop3A_717 : i32
        %parallel_loop3A_719 = arith.constant 13312 : i32
        %parallel_loop3A_720 = arith.addi %parallel_loop3A_719, %parallel_loop3A_718 : i32
        %parallel_loop3A_721 = arith.index_cast %parallel_loop3A_720 : i32 to index
        %parallel_loop3A_722 = tpu.vector_load %arg8[%parallel_loop3A_721] {strides = array<i32>} : memref<21504xf32, #tpu.memory_space<vmem>>, vector<16xf32>,
        tpu.vector_store %arg8[%parallel_loop3A_721], %parallel_loop3A_610 {strides = array<i32>} : memref<21504xf32, #tpu.memory_space<vmem>>, vector<16xf32>,
        %parallel_loop3A_723 = arith.constant 16 : i32
        %parallel_loop3A_724 = arith.muli %parallel_loop3A_501, %parallel_loop3A_723 : i32
        %parallel_loop3A_725 = arith.constant 14336 : i32
        %parallel_loop3A_726 = arith.addi %parallel_loop3A_725, %parallel_loop3A_724 : i32
        %parallel_loop3A_727 = arith.index_cast %parallel_loop3A_726 : i32 to index
        %parallel_loop3A_728 = tpu.vector_load %arg8[%parallel_loop3A_727] {strides = array<i32>} : memref<21504xf32, #tpu.memory_space<vmem>>, vector<16xf32>,
        tpu.vector_store %arg8[%parallel_loop3A_727], %parallel_loop3A_614 {strides = array<i32>} : memref<21504xf32, #tpu.memory_space<vmem>>, vector<16xf32>,
        %parallel_loop3A_729 = arith.constant 16 : i32
        %parallel_loop3A_730 = arith.muli %parallel_loop3A_501, %parallel_loop3A_729 : i32
        %parallel_loop3A_731 = arith.constant 15360 : i32
        %parallel_loop3A_732 = arith.addi %parallel_loop3A_731, %parallel_loop3A_730 : i32
        %parallel_loop3A_733 = arith.index_cast %parallel_loop3A_732 : i32 to index
        %parallel_loop3A_734 = tpu.vector_load %arg8[%parallel_loop3A_733] {strides = array<i32>} : memref<21504xf32, #tpu.memory_space<vmem>>, vector<16xf32>,
        tpu.vector_store %arg8[%parallel_loop3A_733], %parallel_loop3A_618 {strides = array<i32>} : memref<21504xf32, #tpu.memory_space<vmem>>, vector<16xf32>,
        %parallel_loop3A_735 = arith.constant 16 : i32
        %parallel_loop3A_736 = arith.muli %parallel_loop3A_501, %parallel_loop3A_735 : i32
        %parallel_loop3A_737 = arith.constant 16384 : i32
        %parallel_loop3A_738 = arith.addi %parallel_loop3A_737, %parallel_loop3A_736 : i32
        %parallel_loop3A_739 = arith.index_cast %parallel_loop3A_738 : i32 to index
        %parallel_loop3A_740 = tpu.vector_load %arg8[%parallel_loop3A_739] {strides = array<i32>} : memref<21504xf32, #tpu.memory_space<vmem>>, vector<16xf32>,
        tpu.vector_store %arg8[%parallel_loop3A_739], %parallel_loop3A_622 {strides = array<i32>} : memref<21504xf32, #tpu.memory_space<vmem>>, vector<16xf32>,
        %parallel_loop3A_741 = arith.constant 16 : i32
        %parallel_loop3A_742 = arith.muli %parallel_loop3A_501, %parallel_loop3A_741 : i32
        %parallel_loop3A_743 = arith.constant 17408 : i32
        %parallel_loop3A_744 = arith.addi %parallel_loop3A_743, %parallel_loop3A_742 : i32
        %parallel_loop3A_745 = arith.index_cast %parallel_loop3A_744 : i32 to index
        %parallel_loop3A_746 = tpu.vector_load %arg8[%parallel_loop3A_745] {strides = array<i32>} : memref<21504xf32, #tpu.memory_space<vmem>>, vector<16xf32>,
        tpu.vector_store %arg8[%parallel_loop3A_745], %parallel_loop3A_626 {strides = array<i32>} : memref<21504xf32, #tpu.memory_space<vmem>>, vector<16xf32>,
        %parallel_loop3A_747 = arith.constant 16 : i32
        %parallel_loop3A_748 = arith.muli %parallel_loop3A_501, %parallel_loop3A_747 : i32
        %parallel_loop3A_749 = arith.constant 18432 : i32
        %parallel_loop3A_750 = arith.addi %parallel_loop3A_749, %parallel_loop3A_748 : i32
        %parallel_loop3A_751 = arith.index_cast %parallel_loop3A_750 : i32 to index
        %parallel_loop3A_752 = tpu.vector_load %arg8[%parallel_loop3A_751] {strides = array<i32>} : memref<21504xf32, #tpu.memory_space<vmem>>, vector<16xf32>,
        tpu.vector_store %arg8[%parallel_loop3A_751], %parallel_loop3A_630 {strides = array<i32>} : memref<21504xf32, #tpu.memory_space<vmem>>, vector<16xf32>,
        %parallel_loop3A_753 = arith.constant 16 : i32
        %parallel_loop3A_754 = arith.muli %parallel_loop3A_501, %parallel_loop3A_753 : i32
        %parallel_loop3A_755 = arith.constant 19456 : i32
        %parallel_loop3A_756 = arith.addi %parallel_loop3A_755, %parallel_loop3A_754 : i32
        %parallel_loop3A_757 = arith.index_cast %parallel_loop3A_756 : i32 to index
        %parallel_loop3A_758 = tpu.vector_load %arg8[%parallel_loop3A_757] {strides = array<i32>} : memref<21504xf32, #tpu.memory_space<vmem>>, vector<16xf32>,
        tpu.vector_store %arg8[%parallel_loop3A_757], %parallel_loop3A_634 {strides = array<i32>} : memref<21504xf32, #tpu.memory_space<vmem>>, vector<16xf32>,
        %parallel_loop3A_759 = arith.constant 16 : i32
        %parallel_loop3A_760 = arith.muli %parallel_loop3A_501, %parallel_loop3A_759 : i32
        %parallel_loop3A_761 = arith.constant 20480 : i32
        %parallel_loop3A_762 = arith.addi %parallel_loop3A_761, %parallel_loop3A_760 : i32
        %parallel_loop3A_763 = arith.index_cast %parallel_loop3A_762 : i32 to index
        %parallel_loop3A_764 = tpu.vector_load %arg8[%parallel_loop3A_763] {strides = array<i32>} : memref<21504xf32, #tpu.memory_space<vmem>>, vector<16xf32>,
        tpu.vector_store %arg8[%parallel_loop3A_763], %parallel_loop3A_638 {strides = array<i32>} : memref<21504xf32, #tpu.memory_space<vmem>>, vector<16xf32>,
        scf.yield %parallel_loop3A_502 : i32
      } {sc.loop_unroll_factor = 1 : i64, sc.parallel_access}
      %add3A_60 = arith.constant 0 : i32
      %add3A_61 = arith.addi %add3A_7, %add3A_60 : i32
      %mul3A_62 = arith.constant 128 : i32
      %mul3A_63 = arith.muli %scan3A_52, %mul3A_62 : i32
      %add3A_64 = arith.addi %mul3A_63, %add3A_61 : i32
      %mul3A_65 = arith.constant 1024 : i32
      %mul3A_66 = arith.muli %add3A_64, %mul3A_65 : i32
      %add3A_67 = arith.constant 0 : i32
      %add3A_68 = arith.addi %add3A_67, %mul3A_66 : i32
      %dma_start3A = arith.constant 0 : i32
      %dma_start3A_69 = tpu.memref_slice %arg8[%dma_start3A] : memref<21504xf32, #tpu.memory_space<vmem>> -> memref<1024xf32, #tpu.memory_space<vmem>>
      %dma_start3A_70 = tpu.memref_slice %arg4[%add3A_68] : memref<68812800xf32, #tpu.memory_space<hbm>> -> memref<1024xf32, #tpu.memory_space<hbm>>
      %dma_start3A_71 = tpu.memref_slice %arg4[%add3A_68] : memref<68812800xf32, #tpu.memory_space<hbm>> -> memref<1024xf32, #tpu.memory_space<hbm>>
      %dma_start3A_72 = arith.constant 0 : i32
      %dma_start3A_73 = tpu.memref_slice %arg8[%dma_start3A_72] : memref<21504xf32, #tpu.memory_space<vmem>> -> memref<1024xf32, #tpu.memory_space<vmem>>
      tpu.enqueue_dma source(%dma_start3A_73 : memref<1024xf32, #tpu.memory_space<vmem>>) target(%dma_start3A_71 : memref<1024xf32, #tpu.memory_space<hbm>>) target_semaphore(%arg10 : memref<!tpu.dma_semaphore, #tpu.memory_space<semaphore_mem>>)
      %mul3A_74 = arith.constant 1024 : i32
      %mul3A_75 = arith.muli %add3A_64, %mul3A_74 : i32
      %add3A_76 = arith.constant 3276800 : i32
      %add3A_77 = arith.addi %add3A_76, %mul3A_75 : i32
      %dma_start3A_78 = arith.constant 1024 : i32
      %dma_start3A_79 = tpu.memref_slice %arg8[%dma_start3A_78] : memref<21504xf32, #tpu.memory_space<vmem>> -> memref<1024xf32, #tpu.memory_space<vmem>>
      %dma_start3A_80 = tpu.memref_slice %arg4[%add3A_77] : memref<68812800xf32, #tpu.memory_space<hbm>> -> memref<1024xf32, #tpu.memory_space<hbm>>
      %dma_start3A_81 = tpu.memref_slice %arg4[%add3A_77] : memref<68812800xf32, #tpu.memory_space<hbm>> -> memref<1024xf32, #tpu.memory_space<hbm>>
      %dma_start3A_82 = arith.constant 1024 : i32
      %dma_start3A_83 = tpu.memref_slice %arg8[%dma_start3A_82] : memref<21504xf32, #tpu.memory_space<vmem>> -> memref<1024xf32, #tpu.memory_space<vmem>>
      tpu.enqueue_dma source(%dma_start3A_83 : memref<1024xf32, #tpu.memory_space<vmem>>) target(%dma_start3A_81 : memref<1024xf32, #tpu.memory_space<hbm>>) target_semaphore(%arg10 : memref<!tpu.dma_semaphore, #tpu.memory_space<semaphore_mem>>)
      %mul3A_84 = arith.constant 1024 : i32
      %mul3A_85 = arith.muli %add3A_64, %mul3A_84 : i32
      %add3A_86 = arith.constant 6553600 : i32
      %add3A_87 = arith.addi %add3A_86, %mul3A_85 : i32
      %dma_start3A_88 = arith.constant 2048 : i32
      %dma_start3A_89 = tpu.memref_slice %arg8[%dma_start3A_88] : memref<21504xf32, #tpu.memory_space<vmem>> -> memref<1024xf32, #tpu.memory_space<vmem>>
      %dma_start3A_90 = tpu.memref_slice %arg4[%add3A_87] : memref<68812800xf32, #tpu.memory_space<hbm>> -> memref<1024xf32, #tpu.memory_space<hbm>>
      %dma_start3A_91 = tpu.memref_slice %arg4[%add3A_87] : memref<68812800xf32, #tpu.memory_space<hbm>> -> memref<1024xf32, #tpu.memory_space<hbm>>
      %dma_start3A_92 = arith.constant 2048 : i32
      %dma_start3A_93 = tpu.memref_slice %arg8[%dma_start3A_92] : memref<21504xf32, #tpu.memory_space<vmem>> -> memref<1024xf32, #tpu.memory_space<vmem>>
      tpu.enqueue_dma source(%dma_start3A_93 : memref<1024xf32, #tpu.memory_space<vmem>>) target(%dma_start3A_91 : memref<1024xf32, #tpu.memory_space<hbm>>) target_semaphore(%arg10 : memref<!tpu.dma_semaphore, #tpu.memory_space<semaphore_mem>>)
      %mul3A_94 = arith.constant 1024 : i32
      %mul3A_95 = arith.muli %add3A_64, %mul3A_94 : i32
      %add3A_96 = arith.constant 9830400 : i32
      %add3A_97 = arith.addi %add3A_96, %mul3A_95 : i32
      %dma_start3A_98 = arith.constant 3072 : i32
      %dma_start3A_99 = tpu.memref_slice %arg8[%dma_start3A_98] : memref<21504xf32, #tpu.memory_space<vmem>> -> memref<1024xf32, #tpu.memory_space<vmem>>
      %dma_start3A_100 = tpu.memref_slice %arg4[%add3A_97] : memref<68812800xf32, #tpu.memory_space<hbm>> -> memref<1024xf32, #tpu.memory_space<hbm>>
      %dma_start3A_101 = tpu.memref_slice %arg4[%add3A_97] : memref<68812800xf32, #tpu.memory_space<hbm>> -> memref<1024xf32, #tpu.memory_space<hbm>>
      %dma_start3A_102 = arith.constant 3072 : i32
      %dma_start3A_103 = tpu.memref_slice %arg8[%dma_start3A_102] : memref<21504xf32, #tpu.memory_space<vmem>> -> memref<1024xf32, #tpu.memory_space<vmem>>
      tpu.enqueue_dma source(%dma_start3A_103 : memref<1024xf32, #tpu.memory_space<vmem>>) target(%dma_start3A_101 : memref<1024xf32, #tpu.memory_space<hbm>>) target_semaphore(%arg10 : memref<!tpu.dma_semaphore, #tpu.memory_space<semaphore_mem>>)
      %mul3A_104 = arith.constant 1024 : i32
      %mul3A_105 = arith.muli %add3A_64, %mul3A_104 : i32
      %add3A_106 = arith.constant 13107200 : i32
      %add3A_107 = arith.addi %add3A_106, %mul3A_105 : i32
      %dma_start3A_108 = arith.constant 4096 : i32
      %dma_start3A_109 = tpu.memref_slice %arg8[%dma_start3A_108] : memref<21504xf32, #tpu.memory_space<vmem>> -> memref<1024xf32, #tpu.memory_space<vmem>>
      %dma_start3A_110 = tpu.memref_slice %arg4[%add3A_107] : memref<68812800xf32, #tpu.memory_space<hbm>> -> memref<1024xf32, #tpu.memory_space<hbm>>
      %dma_start3A_111 = tpu.memref_slice %arg4[%add3A_107] : memref<68812800xf32, #tpu.memory_space<hbm>> -> memref<1024xf32, #tpu.memory_space<hbm>>
      %dma_start3A_112 = arith.constant 4096 : i32
      %dma_start3A_113 = tpu.memref_slice %arg8[%dma_start3A_112] : memref<21504xf32, #tpu.memory_space<vmem>> -> memref<1024xf32, #tpu.memory_space<vmem>>
      tpu.enqueue_dma source(%dma_start3A_113 : memref<1024xf32, #tpu.memory_space<vmem>>) target(%dma_start3A_111 : memref<1024xf32, #tpu.memory_space<hbm>>) target_semaphore(%arg10 : memref<!tpu.dma_semaphore, #tpu.memory_space<semaphore_mem>>)
      %mul3A_114 = arith.constant 1024 : i32
      %mul3A_115 = arith.muli %add3A_64, %mul3A_114 : i32
      %add3A_116 = arith.constant 16384000 : i32
      %add3A_117 = arith.addi %add3A_116, %mul3A_115 : i32
      %dma_start3A_118 = arith.constant 5120 : i32
      %dma_start3A_119 = tpu.memref_slice %arg8[%dma_start3A_118] : memref<21504xf32, #tpu.memory_space<vmem>> -> memref<1024xf32, #tpu.memory_space<vmem>>
      %dma_start3A_120 = tpu.memref_slice %arg4[%add3A_117] : memref<68812800xf32, #tpu.memory_space<hbm>> -> memref<1024xf32, #tpu.memory_space<hbm>>
      %dma_start3A_121 = tpu.memref_slice %arg4[%add3A_117] : memref<68812800xf32, #tpu.memory_space<hbm>> -> memref<1024xf32, #tpu.memory_space<hbm>>
      %dma_start3A_122 = arith.constant 5120 : i32
      %dma_start3A_123 = tpu.memref_slice %arg8[%dma_start3A_122] : memref<21504xf32, #tpu.memory_space<vmem>> -> memref<1024xf32, #tpu.memory_space<vmem>>
      tpu.enqueue_dma source(%dma_start3A_123 : memref<1024xf32, #tpu.memory_space<vmem>>) target(%dma_start3A_121 : memref<1024xf32, #tpu.memory_space<hbm>>) target_semaphore(%arg10 : memref<!tpu.dma_semaphore, #tpu.memory_space<semaphore_mem>>)
      %mul3A_124 = arith.constant 1024 : i32
      %mul3A_125 = arith.muli %add3A_64, %mul3A_124 : i32
      %add3A_126 = arith.constant 19660800 : i32
      %add3A_127 = arith.addi %add3A_126, %mul3A_125 : i32
      %dma_start3A_128 = arith.constant 6144 : i32
      %dma_start3A_129 = tpu.memref_slice %arg8[%dma_start3A_128] : memref<21504xf32, #tpu.memory_space<vmem>> -> memref<1024xf32, #tpu.memory_space<vmem>>
      %dma_start3A_130 = tpu.memref_slice %arg4[%add3A_127] : memref<68812800xf32, #tpu.memory_space<hbm>> -> memref<1024xf32, #tpu.memory_space<hbm>>
      %dma_start3A_131 = tpu.memref_slice %arg4[%add3A_127] : memref<68812800xf32, #tpu.memory_space<hbm>> -> memref<1024xf32, #tpu.memory_space<hbm>>
      %dma_start3A_132 = arith.constant 6144 : i32
      %dma_start3A_133 = tpu.memref_slice %arg8[%dma_start3A_132] : memref<21504xf32, #tpu.memory_space<vmem>> -> memref<1024xf32, #tpu.memory_space<vmem>>
      tpu.enqueue_dma source(%dma_start3A_133 : memref<1024xf32, #tpu.memory_space<vmem>>) target(%dma_start3A_131 : memref<1024xf32, #tpu.memory_space<hbm>>) target_semaphore(%arg10 : memref<!tpu.dma_semaphore, #tpu.memory_space<semaphore_mem>>)
      %mul3A_134 = arith.constant 1024 : i32
      %mul3A_135 = arith.muli %add3A_64, %mul3A_134 : i32
      %add3A_136 = arith.constant 22937600 : i32
      %add3A_137 = arith.addi %add3A_136, %mul3A_135 : i32
      %dma_start3A_138 = arith.constant 7168 : i32
      %dma_start3A_139 = tpu.memref_slice %arg8[%dma_start3A_138] : memref<21504xf32, #tpu.memory_space<vmem>> -> memref<1024xf32, #tpu.memory_space<vmem>>
      %dma_start3A_140 = tpu.memref_slice %arg4[%add3A_137] : memref<68812800xf32, #tpu.memory_space<hbm>> -> memref<1024xf32, #tpu.memory_space<hbm>>
      %dma_start3A_141 = tpu.memref_slice %arg4[%add3A_137] : memref<68812800xf32, #tpu.memory_space<hbm>> -> memref<1024xf32, #tpu.memory_space<hbm>>
      %dma_start3A_142 = arith.constant 7168 : i32
      %dma_start3A_143 = tpu.memref_slice %arg8[%dma_start3A_142] : memref<21504xf32, #tpu.memory_space<vmem>> -> memref<1024xf32, #tpu.memory_space<vmem>>
      tpu.enqueue_dma source(%dma_start3A_143 : memref<1024xf32, #tpu.memory_space<vmem>>) target(%dma_start3A_141 : memref<1024xf32, #tpu.memory_space<hbm>>) target_semaphore(%arg10 : memref<!tpu.dma_semaphore, #tpu.memory_space<semaphore_mem>>)
      %mul3A_144 = arith.constant 1024 : i32
      %mul3A_145 = arith.muli %add3A_64, %mul3A_144 : i32
      %add3A_146 = arith.constant 26214400 : i32
      %add3A_147 = arith.addi %add3A_146, %mul3A_145 : i32
      %dma_start3A_148 = arith.constant 8192 : i32
      %dma_start3A_149 = tpu.memref_slice %arg8[%dma_start3A_148] : memref<21504xf32, #tpu.memory_space<vmem>> -> memref<1024xf32, #tpu.memory_space<vmem>>
      %dma_start3A_150 = tpu.memref_slice %arg4[%add3A_147] : memref<68812800xf32, #tpu.memory_space<hbm>> -> memref<1024xf32, #tpu.memory_space<hbm>>
      %dma_start3A_151 = tpu.memref_slice %arg4[%add3A_147] : memref<68812800xf32, #tpu.memory_space<hbm>> -> memref<1024xf32, #tpu.memory_space<hbm>>
      %dma_start3A_152 = arith.constant 8192 : i32
      %dma_start3A_153 = tpu.memref_slice %arg8[%dma_start3A_152] : memref<21504xf32, #tpu.memory_space<vmem>> -> memref<1024xf32, #tpu.memory_space<vmem>>
      tpu.enqueue_dma source(%dma_start3A_153 : memref<1024xf32, #tpu.memory_space<vmem>>) target(%dma_start3A_151 : memref<1024xf32, #tpu.memory_space<hbm>>) target_semaphore(%arg10 : memref<!tpu.dma_semaphore, #tpu.memory_space<semaphore_mem>>)
      %mul3A_154 = arith.constant 1024 : i32
      %mul3A_155 = arith.muli %add3A_64, %mul3A_154 : i32
      %add3A_156 = arith.constant 29491200 : i32
      %add3A_157 = arith.addi %add3A_156, %mul3A_155 : i32
      %dma_start3A_158 = arith.constant 9216 : i32
      %dma_start3A_159 = tpu.memref_slice %arg8[%dma_start3A_158] : memref<21504xf32, #tpu.memory_space<vmem>> -> memref<1024xf32, #tpu.memory_space<vmem>>
      %dma_start3A_160 = tpu.memref_slice %arg4[%add3A_157] : memref<68812800xf32, #tpu.memory_space<hbm>> -> memref<1024xf32, #tpu.memory_space<hbm>>
      %dma_start3A_161 = tpu.memref_slice %arg4[%add3A_157] : memref<68812800xf32, #tpu.memory_space<hbm>> -> memref<1024xf32, #tpu.memory_space<hbm>>
      %dma_start3A_162 = arith.constant 9216 : i32
      %dma_start3A_163 = tpu.memref_slice %arg8[%dma_start3A_162] : memref<21504xf32, #tpu.memory_space<vmem>> -> memref<1024xf32, #tpu.memory_space<vmem>>
      tpu.enqueue_dma source(%dma_start3A_163 : memref<1024xf32, #tpu.memory_space<vmem>>) target(%dma_start3A_161 : memref<1024xf32, #tpu.memory_space<hbm>>) target_semaphore(%arg10 : memref<!tpu.dma_semaphore, #tpu.memory_space<semaphore_mem>>)
      %mul3A_164 = arith.constant 1024 : i32
      %mul3A_165 = arith.muli %add3A_64, %mul3A_164 : i32
      %add3A_166 = arith.constant 32768000 : i32
      %add3A_167 = arith.addi %add3A_166, %mul3A_165 : i32
      %dma_start3A_168 = arith.constant 10240 : i32
      %dma_start3A_169 = tpu.memref_slice %arg8[%dma_start3A_168] : memref<21504xf32, #tpu.memory_space<vmem>> -> memref<1024xf32, #tpu.memory_space<vmem>>
      %dma_start3A_170 = tpu.memref_slice %arg4[%add3A_167] : memref<68812800xf32, #tpu.memory_space<hbm>> -> memref<1024xf32, #tpu.memory_space<hbm>>
      %dma_start3A_171 = tpu.memref_slice %arg4[%add3A_167] : memref<68812800xf32, #tpu.memory_space<hbm>> -> memref<1024xf32, #tpu.memory_space<hbm>>
      %dma_start3A_172 = arith.constant 10240 : i32
      %dma_start3A_173 = tpu.memref_slice %arg8[%dma_start3A_172] : memref<21504xf32, #tpu.memory_space<vmem>> -> memref<1024xf32, #tpu.memory_space<vmem>>
      tpu.enqueue_dma source(%dma_start3A_173 : memref<1024xf32, #tpu.memory_space<vmem>>) target(%dma_start3A_171 : memref<1024xf32, #tpu.memory_space<hbm>>) target_semaphore(%arg10 : memref<!tpu.dma_semaphore, #tpu.memory_space<semaphore_mem>>)
      %mul3A_174 = arith.constant 1024 : i32
      %mul3A_175 = arith.muli %add3A_64, %mul3A_174 : i32
      %add3A_176 = arith.constant 36044800 : i32
      %add3A_177 = arith.addi %add3A_176, %mul3A_175 : i32
      %dma_start3A_178 = arith.constant 11264 : i32
      %dma_start3A_179 = tpu.memref_slice %arg8[%dma_start3A_178] : memref<21504xf32, #tpu.memory_space<vmem>> -> memref<1024xf32, #tpu.memory_space<vmem>>
      %dma_start3A_180 = tpu.memref_slice %arg4[%add3A_177] : memref<68812800xf32, #tpu.memory_space<hbm>> -> memref<1024xf32, #tpu.memory_space<hbm>>
      %dma_start3A_181 = tpu.memref_slice %arg4[%add3A_177] : memref<68812800xf32, #tpu.memory_space<hbm>> -> memref<1024xf32, #tpu.memory_space<hbm>>
      %dma_start3A_182 = arith.constant 11264 : i32
      %dma_start3A_183 = tpu.memref_slice %arg8[%dma_start3A_182] : memref<21504xf32, #tpu.memory_space<vmem>> -> memref<1024xf32, #tpu.memory_space<vmem>>
      tpu.enqueue_dma source(%dma_start3A_183 : memref<1024xf32, #tpu.memory_space<vmem>>) target(%dma_start3A_181 : memref<1024xf32, #tpu.memory_space<hbm>>) target_semaphore(%arg10 : memref<!tpu.dma_semaphore, #tpu.memory_space<semaphore_mem>>)
      %mul3A_184 = arith.constant 1024 : i32
      %mul3A_185 = arith.muli %add3A_64, %mul3A_184 : i32
      %add3A_186 = arith.constant 39321600 : i32
      %add3A_187 = arith.addi %add3A_186, %mul3A_185 : i32
      %dma_start3A_188 = arith.constant 12288 : i32
      %dma_start3A_189 = tpu.memref_slice %arg8[%dma_start3A_188] : memref<21504xf32, #tpu.memory_space<vmem>> -> memref<1024xf32, #tpu.memory_space<vmem>>
      %dma_start3A_190 = tpu.memref_slice %arg4[%add3A_187] : memref<68812800xf32, #tpu.memory_space<hbm>> -> memref<1024xf32, #tpu.memory_space<hbm>>
      %dma_start3A_191 = tpu.memref_slice %arg4[%add3A_187] : memref<68812800xf32, #tpu.memory_space<hbm>> -> memref<1024xf32, #tpu.memory_space<hbm>>
      %dma_start3A_192 = arith.constant 12288 : i32
      %dma_start3A_193 = tpu.memref_slice %arg8[%dma_start3A_192] : memref<21504xf32, #tpu.memory_space<vmem>> -> memref<1024xf32, #tpu.memory_space<vmem>>
      tpu.enqueue_dma source(%dma_start3A_193 : memref<1024xf32, #tpu.memory_space<vmem>>) target(%dma_start3A_191 : memref<1024xf32, #tpu.memory_space<hbm>>) target_semaphore(%arg10 : memref<!tpu.dma_semaphore, #tpu.memory_space<semaphore_mem>>)
      %mul3A_194 = arith.constant 1024 : i32
      %mul3A_195 = arith.muli %add3A_64, %mul3A_194 : i32
      %add3A_196 = arith.constant 42598400 : i32
      %add3A_197 = arith.addi %add3A_196, %mul3A_195 : i32
      %dma_start3A_198 = arith.constant 13312 : i32
      %dma_start3A_199 = tpu.memref_slice %arg8[%dma_start3A_198] : memref<21504xf32, #tpu.memory_space<vmem>> -> memref<1024xf32, #tpu.memory_space<vmem>>
      %dma_start3A_200 = tpu.memref_slice %arg4[%add3A_197] : memref<68812800xf32, #tpu.memory_space<hbm>> -> memref<1024xf32, #tpu.memory_space<hbm>>
      %dma_start3A_201 = tpu.memref_slice %arg4[%add3A_197] : memref<68812800xf32, #tpu.memory_space<hbm>> -> memref<1024xf32, #tpu.memory_space<hbm>>
      %dma_start3A_202 = arith.constant 13312 : i32
      %dma_start3A_203 = tpu.memref_slice %arg8[%dma_start3A_202] : memref<21504xf32, #tpu.memory_space<vmem>> -> memref<1024xf32, #tpu.memory_space<vmem>>
      tpu.enqueue_dma source(%dma_start3A_203 : memref<1024xf32, #tpu.memory_space<vmem>>) target(%dma_start3A_201 : memref<1024xf32, #tpu.memory_space<hbm>>) target_semaphore(%arg10 : memref<!tpu.dma_semaphore, #tpu.memory_space<semaphore_mem>>)
      %mul3A_204 = arith.constant 1024 : i32
      %mul3A_205 = arith.muli %add3A_64, %mul3A_204 : i32
      %add3A_206 = arith.constant 45875200 : i32
      %add3A_207 = arith.addi %add3A_206, %mul3A_205 : i32
      %dma_start3A_208 = arith.constant 14336 : i32
      %dma_start3A_209 = tpu.memref_slice %arg8[%dma_start3A_208] : memref<21504xf32, #tpu.memory_space<vmem>> -> memref<1024xf32, #tpu.memory_space<vmem>>
      %dma_start3A_210 = tpu.memref_slice %arg4[%add3A_207] : memref<68812800xf32, #tpu.memory_space<hbm>> -> memref<1024xf32, #tpu.memory_space<hbm>>
      %dma_start3A_211 = tpu.memref_slice %arg4[%add3A_207] : memref<68812800xf32, #tpu.memory_space<hbm>> -> memref<1024xf32, #tpu.memory_space<hbm>>
      %dma_start3A_212 = arith.constant 14336 : i32
      %dma_start3A_213 = tpu.memref_slice %arg8[%dma_start3A_212] : memref<21504xf32, #tpu.memory_space<vmem>> -> memref<1024xf32, #tpu.memory_space<vmem>>
      tpu.enqueue_dma source(%dma_start3A_213 : memref<1024xf32, #tpu.memory_space<vmem>>) target(%dma_start3A_211 : memref<1024xf32, #tpu.memory_space<hbm>>) target_semaphore(%arg10 : memref<!tpu.dma_semaphore, #tpu.memory_space<semaphore_mem>>)
      %mul3A_214 = arith.constant 1024 : i32
      %mul3A_215 = arith.muli %add3A_64, %mul3A_214 : i32
      %add3A_216 = arith.constant 49152000 : i32
      %add3A_217 = arith.addi %add3A_216, %mul3A_215 : i32
      %dma_start3A_218 = arith.constant 15360 : i32
      %dma_start3A_219 = tpu.memref_slice %arg8[%dma_start3A_218] : memref<21504xf32, #tpu.memory_space<vmem>> -> memref<1024xf32, #tpu.memory_space<vmem>>
      %dma_start3A_220 = tpu.memref_slice %arg4[%add3A_217] : memref<68812800xf32, #tpu.memory_space<hbm>> -> memref<1024xf32, #tpu.memory_space<hbm>>
      %dma_start3A_221 = tpu.memref_slice %arg4[%add3A_217] : memref<68812800xf32, #tpu.memory_space<hbm>> -> memref<1024xf32, #tpu.memory_space<hbm>>
      %dma_start3A_222 = arith.constant 15360 : i32
      %dma_start3A_223 = tpu.memref_slice %arg8[%dma_start3A_222] : memref<21504xf32, #tpu.memory_space<vmem>> -> memref<1024xf32, #tpu.memory_space<vmem>>
      tpu.enqueue_dma source(%dma_start3A_223 : memref<1024xf32, #tpu.memory_space<vmem>>) target(%dma_start3A_221 : memref<1024xf32, #tpu.memory_space<hbm>>) target_semaphore(%arg10 : memref<!tpu.dma_semaphore, #tpu.memory_space<semaphore_mem>>)
      %mul3A_224 = arith.constant 1024 : i32
      %mul3A_225 = arith.muli %add3A_64, %mul3A_224 : i32
      %add3A_226 = arith.constant 52428800 : i32
      %add3A_227 = arith.addi %add3A_226, %mul3A_225 : i32
      %dma_start3A_228 = arith.constant 16384 : i32
      %dma_start3A_229 = tpu.memref_slice %arg8[%dma_start3A_228] : memref<21504xf32, #tpu.memory_space<vmem>> -> memref<1024xf32, #tpu.memory_space<vmem>>
      %dma_start3A_230 = tpu.memref_slice %arg4[%add3A_227] : memref<68812800xf32, #tpu.memory_space<hbm>> -> memref<1024xf32, #tpu.memory_space<hbm>>
      %dma_start3A_231 = tpu.memref_slice %arg4[%add3A_227] : memref<68812800xf32, #tpu.memory_space<hbm>> -> memref<1024xf32, #tpu.memory_space<hbm>>
      %dma_start3A_232 = arith.constant 16384 : i32
      %dma_start3A_233 = tpu.memref_slice %arg8[%dma_start3A_232] : memref<21504xf32, #tpu.memory_space<vmem>> -> memref<1024xf32, #tpu.memory_space<vmem>>
      tpu.enqueue_dma source(%dma_start3A_233 : memref<1024xf32, #tpu.memory_space<vmem>>) target(%dma_start3A_231 : memref<1024xf32, #tpu.memory_space<hbm>>) target_semaphore(%arg10 : memref<!tpu.dma_semaphore, #tpu.memory_space<semaphore_mem>>)
      %mul3A_234 = arith.constant 1024 : i32
      %mul3A_235 = arith.muli %add3A_64, %mul3A_234 : i32
      %add3A_236 = arith.constant 55705600 : i32
      %add3A_237 = arith.addi %add3A_236, %mul3A_235 : i32
      %dma_start3A_238 = arith.constant 17408 : i32
      %dma_start3A_239 = tpu.memref_slice %arg8[%dma_start3A_238] : memref<21504xf32, #tpu.memory_space<vmem>> -> memref<1024xf32, #tpu.memory_space<vmem>>
      %dma_start3A_240 = tpu.memref_slice %arg4[%add3A_237] : memref<68812800xf32, #tpu.memory_space<hbm>> -> memref<1024xf32, #tpu.memory_space<hbm>>
      %dma_start3A_241 = tpu.memref_slice %arg4[%add3A_237] : memref<68812800xf32, #tpu.memory_space<hbm>> -> memref<1024xf32, #tpu.memory_space<hbm>>
      %dma_start3A_242 = arith.constant 17408 : i32
      %dma_start3A_243 = tpu.memref_slice %arg8[%dma_start3A_242] : memref<21504xf32, #tpu.memory_space<vmem>> -> memref<1024xf32, #tpu.memory_space<vmem>>
      tpu.enqueue_dma source(%dma_start3A_243 : memref<1024xf32, #tpu.memory_space<vmem>>) target(%dma_start3A_241 : memref<1024xf32, #tpu.memory_space<hbm>>) target_semaphore(%arg10 : memref<!tpu.dma_semaphore, #tpu.memory_space<semaphore_mem>>)
      %mul3A_244 = arith.constant 1024 : i32
      %mul3A_245 = arith.muli %add3A_64, %mul3A_244 : i32
      %add3A_246 = arith.constant 58982400 : i32
      %add3A_247 = arith.addi %add3A_246, %mul3A_245 : i32
      %dma_start3A_248 = arith.constant 18432 : i32
      %dma_start3A_249 = tpu.memref_slice %arg8[%dma_start3A_248] : memref<21504xf32, #tpu.memory_space<vmem>> -> memref<1024xf32, #tpu.memory_space<vmem>>
      %dma_start3A_250 = tpu.memref_slice %arg4[%add3A_247] : memref<68812800xf32, #tpu.memory_space<hbm>> -> memref<1024xf32, #tpu.memory_space<hbm>>
      %dma_start3A_251 = tpu.memref_slice %arg4[%add3A_247] : memref<68812800xf32, #tpu.memory_space<hbm>> -> memref<1024xf32, #tpu.memory_space<hbm>>
      %dma_start3A_252 = arith.constant 18432 : i32
      %dma_start3A_253 = tpu.memref_slice %arg8[%dma_start3A_252] : memref<21504xf32, #tpu.memory_space<vmem>> -> memref<1024xf32, #tpu.memory_space<vmem>>
      tpu.enqueue_dma source(%dma_start3A_253 : memref<1024xf32, #tpu.memory_space<vmem>>) target(%dma_start3A_251 : memref<1024xf32, #tpu.memory_space<hbm>>) target_semaphore(%arg10 : memref<!tpu.dma_semaphore, #tpu.memory_space<semaphore_mem>>)
      %mul3A_254 = arith.constant 1024 : i32
      %mul3A_255 = arith.muli %add3A_64, %mul3A_254 : i32
      %add3A_256 = arith.constant 62259200 : i32
      %add3A_257 = arith.addi %add3A_256, %mul3A_255 : i32
      %dma_start3A_258 = arith.constant 19456 : i32
      %dma_start3A_259 = tpu.memref_slice %arg8[%dma_start3A_258] : memref<21504xf32, #tpu.memory_space<vmem>> -> memref<1024xf32, #tpu.memory_space<vmem>>
      %dma_start3A_260 = tpu.memref_slice %arg4[%add3A_257] : memref<68812800xf32, #tpu.memory_space<hbm>> -> memref<1024xf32, #tpu.memory_space<hbm>>
      %dma_start3A_261 = tpu.memref_slice %arg4[%add3A_257] : memref<68812800xf32, #tpu.memory_space<hbm>> -> memref<1024xf32, #tpu.memory_space<hbm>>
      %dma_start3A_262 = arith.constant 19456 : i32
      %dma_start3A_263 = tpu.memref_slice %arg8[%dma_start3A_262] : memref<21504xf32, #tpu.memory_space<vmem>> -> memref<1024xf32, #tpu.memory_space<vmem>>
      tpu.enqueue_dma source(%dma_start3A_263 : memref<1024xf32, #tpu.memory_space<vmem>>) target(%dma_start3A_261 : memref<1024xf32, #tpu.memory_space<hbm>>) target_semaphore(%arg10 : memref<!tpu.dma_semaphore, #tpu.memory_space<semaphore_mem>>)
      %mul3A_264 = arith.constant 1024 : i32
      %mul3A_265 = arith.muli %add3A_64, %mul3A_264 : i32
      %add3A_266 = arith.constant 65536000 : i32
      %add3A_267 = arith.addi %add3A_266, %mul3A_265 : i32
      %dma_start3A_268 = arith.constant 20480 : i32
      %dma_start3A_269 = tpu.memref_slice %arg8[%dma_start3A_268] : memref<21504xf32, #tpu.memory_space<vmem>> -> memref<1024xf32, #tpu.memory_space<vmem>>
      %dma_start3A_270 = tpu.memref_slice %arg4[%add3A_267] : memref<68812800xf32, #tpu.memory_space<hbm>> -> memref<1024xf32, #tpu.memory_space<hbm>>
      %dma_start3A_271 = tpu.memref_slice %arg4[%add3A_267] : memref<68812800xf32, #tpu.memory_space<hbm>> -> memref<1024xf32, #tpu.memory_space<hbm>>
      %dma_start3A_272 = arith.constant 20480 : i32
      %dma_start3A_273 = tpu.memref_slice %arg8[%dma_start3A_272] : memref<21504xf32, #tpu.memory_space<vmem>> -> memref<1024xf32, #tpu.memory_space<vmem>>
      tpu.enqueue_dma source(%dma_start3A_273 : memref<1024xf32, #tpu.memory_space<vmem>>) target(%dma_start3A_271 : memref<1024xf32, #tpu.memory_space<hbm>>) target_semaphore(%arg10 : memref<!tpu.dma_semaphore, #tpu.memory_space<semaphore_mem>>)
      %ge3A_274 = arith.constant 1 : i32
      %ge3A_275 = arith.cmpi sge, %scan3A_52, %ge3A_274 : i32
      %or3A_276 = arith.constant false
      %or3A_277 = arith.ori %ge3A_275, %or3A_276 : i1
      %convert_element_type3A_278 = arith.extui %or3A_277 : i1 to i32
      %cond3A_279 = arith.constant 0 : i32
      %cond3A_280 = arith.cmpi ne, %convert_element_type3A_278, %cond3A_279 : i32
      scf.if %cond3A_280 {
        %dma_wait3A_501 = arith.constant 0 : i32
        %dma_wait3A_502 = tpu.memref_slice %arg4[%dma_wait3A_501] : memref<68812800xf32, #tpu.memory_space<hbm>> -> memref<21504xf32, #tpu.memory_space<hbm>>
        %dma_wait3A_503 = arith.constant 0 : i32
        %dma_wait3A_504 = tpu.memref_slice %arg4[%dma_wait3A_503] : memref<68812800xf32, #tpu.memory_space<hbm>> -> memref<21504xf32, #tpu.memory_space<hbm>>
        tpu.wait_dma2 semaphore(%arg11 : memref<!tpu.dma_semaphore, #tpu.memory_space<semaphore_mem>>) src(%dma_wait3A_504 : memref<21504xf32, #tpu.memory_space<hbm>>) dst(%arg9 : memref<21504xf32, #tpu.memory_space<vmem>>)
      } else {
      }
      %parallel_loop3A_281 = arith.constant 0 : i32
      %parallel_loop3A_282 = arith.constant 64 : i32
      %parallel_loop3A_283 = arith.constant 1 : i32
      %parallel_loop3A_284 = arith.constant 0 : i32
      %parallel_loop3A_285 = scf.for %parallel_loop3A_501 = %parallel_loop3A_281 to %parallel_loop3A_282 step %parallel_loop3A_283 iter_args(%parallel_loop3A_502 = %parallel_loop3A_284) -> (i32)  : i32 {
        %parallel_loop3A_503 = arith.constant 8 : i32
        %parallel_loop3A_504 = arith.divsi %parallel_loop3A_501, %parallel_loop3A_503 : i32
        %parallel_loop3A_505 = arith.constant 0 : i32
        %parallel_loop3A_506 = arith.cmpi sgt, %parallel_loop3A_501, %parallel_loop3A_505 : i32
        %parallel_loop3A_507 = arith.extui %parallel_loop3A_506 : i1 to i32
        %parallel_loop3A_508 = arith.constant 0 : i32
        %parallel_loop3A_509 = arith.cmpi slt, %parallel_loop3A_501, %parallel_loop3A_508 : i32
        %parallel_loop3A_510 = arith.extui %parallel_loop3A_509 : i1 to i32
        %parallel_loop3A_511 = arith.subi %parallel_loop3A_507, %parallel_loop3A_510 : i32
        %parallel_loop3A_512 = arith.constant 0 : i32
        %parallel_loop3A_513 = arith.cmpi sgt, %parallel_loop3A_503, %parallel_loop3A_512 : i32
        %parallel_loop3A_514 = arith.extui %parallel_loop3A_513 : i1 to i32
        %parallel_loop3A_515 = arith.constant 0 : i32
        %parallel_loop3A_516 = arith.cmpi slt, %parallel_loop3A_503, %parallel_loop3A_515 : i32
        %parallel_loop3A_517 = arith.extui %parallel_loop3A_516 : i1 to i32
        %parallel_loop3A_518 = arith.subi %parallel_loop3A_514, %parallel_loop3A_517 : i32
        %parallel_loop3A_519 = arith.cmpi ne, %parallel_loop3A_511, %parallel_loop3A_518 : i32
        %parallel_loop3A_520 = arith.remsi %parallel_loop3A_501, %parallel_loop3A_503 : i32
        %parallel_loop3A_521 = arith.constant 0 : i32
        %parallel_loop3A_522 = arith.cmpi ne, %parallel_loop3A_520, %parallel_loop3A_521 : i32
        %parallel_loop3A_523 = arith.andi %parallel_loop3A_519, %parallel_loop3A_522 : i1
        %parallel_loop3A_524 = arith.constant 1 : i32
        %parallel_loop3A_525 = arith.subi %parallel_loop3A_504, %parallel_loop3A_524 : i32
        %parallel_loop3A_526 = arith.select %parallel_loop3A_523, %parallel_loop3A_525, %parallel_loop3A_504 : i32
        %parallel_loop3A_527 = arith.constant 8 : i32
        %parallel_loop3A_528 = arith.constant 0 : i32
        %parallel_loop3A_529 = arith.cmpi eq, %parallel_loop3A_527, %parallel_loop3A_528 : i32
        %parallel_loop3A_530 = arith.constant 1 : i32
        %parallel_loop3A_531 = arith.select %parallel_loop3A_529, %parallel_loop3A_530, %parallel_loop3A_527 : i32
        %parallel_loop3A_532 = arith.remsi %parallel_loop3A_501, %parallel_loop3A_531 : i32
        %parallel_loop3A_533 = arith.constant 0 : i32
        %parallel_loop3A_534 = arith.cmpi ne, %parallel_loop3A_532, %parallel_loop3A_533 : i32
        %parallel_loop3A_535 = arith.constant 0 : i32
        %parallel_loop3A_536 = arith.cmpi slt, %parallel_loop3A_532, %parallel_loop3A_535 : i32
        %parallel_loop3A_537 = arith.constant 0 : i32
        %parallel_loop3A_538 = arith.cmpi slt, %parallel_loop3A_531, %parallel_loop3A_537 : i32
        %parallel_loop3A_539 = arith.xori %parallel_loop3A_536, %parallel_loop3A_538 : i1
        %parallel_loop3A_540 = arith.andi %parallel_loop3A_539, %parallel_loop3A_534 : i1
        %parallel_loop3A_541 = arith.addi %parallel_loop3A_532, %parallel_loop3A_531 : i32
        %parallel_loop3A_542 = arith.select %parallel_loop3A_540, %parallel_loop3A_541, %parallel_loop3A_532 : i32
        %parallel_loop3A_543 = arith.constant 8 : i32
        %parallel_loop3A_544 = arith.muli %scan3A_52, %parallel_loop3A_543 : i32
        %parallel_loop3A_545 = arith.constant 3200 : i32
        %parallel_loop3A_546 = arith.muli %parallel_loop3A_542, %parallel_loop3A_545 : i32
        %parallel_loop3A_547 = arith.addi %parallel_loop3A_546, %parallel_loop3A_526 : i32
        %parallel_loop3A_548 = arith.addi %parallel_loop3A_544, %parallel_loop3A_547 : i32
        %parallel_loop3A_549 = vector.broadcast %parallel_loop3A_548 : i32 to vector<16xi32>
        %parallel_loop3A_550 = arith.addi %mul3A_5, %parallel_loop3A_549 : vector<16xi32>
        %parallel_loop3A_551 = tpu.vector_load_idx %arg7[%parallel_loop3A_550] : memref<25600xi32, #tpu.memory_space<vmem>>[vector<16xi32>], vector<16xi32>,
        %parallel_loop3A_552 = arith.constant 21 : i32
        %parallel_loop3A_553 = vector.broadcast %parallel_loop3A_552 : i32 to vector<16xi32>
        %parallel_loop3A_554 = arith.muli %parallel_loop3A_551, %parallel_loop3A_553 : vector<16xi32>
        %parallel_loop3A_555 = arith.constant 0 : i32
        %parallel_loop3A_556 = vector.broadcast %parallel_loop3A_555 : i32 to vector<16xi32>
        %parallel_loop3A_557 = arith.addi %parallel_loop3A_554, %parallel_loop3A_556 : vector<16xi32>
        %parallel_loop3A_558 = tpu.vector_load_idx %arg5[%parallel_loop3A_557] : memref<440xf32, #tpu.memory_space<vmem>>[vector<16xi32>], vector<16xf32>,
        %parallel_loop3A_559 = arith.constant 1 : i32
        %parallel_loop3A_560 = vector.broadcast %parallel_loop3A_559 : i32 to vector<16xi32>
        %parallel_loop3A_561 = arith.addi %parallel_loop3A_554, %parallel_loop3A_560 : vector<16xi32>
        %parallel_loop3A_562 = tpu.vector_load_idx %arg5[%parallel_loop3A_561] : memref<440xf32, #tpu.memory_space<vmem>>[vector<16xi32>], vector<16xf32>,
        %parallel_loop3A_563 = arith.constant 2 : i32
        %parallel_loop3A_564 = vector.broadcast %parallel_loop3A_563 : i32 to vector<16xi32>
        %parallel_loop3A_565 = arith.addi %parallel_loop3A_554, %parallel_loop3A_564 : vector<16xi32>
        %parallel_loop3A_566 = tpu.vector_load_idx %arg5[%parallel_loop3A_565] : memref<440xf32, #tpu.memory_space<vmem>>[vector<16xi32>], vector<16xf32>,
        %parallel_loop3A_567 = arith.constant 3 : i32
        %parallel_loop3A_568 = vector.broadcast %parallel_loop3A_567 : i32 to vector<16xi32>
        %parallel_loop3A_569 = arith.addi %parallel_loop3A_554, %parallel_loop3A_568 : vector<16xi32>
        %parallel_loop3A_570 = tpu.vector_load_idx %arg5[%parallel_loop3A_569] : memref<440xf32, #tpu.memory_space<vmem>>[vector<16xi32>], vector<16xf32>,
        %parallel_loop3A_571 = arith.constant 4 : i32
        %parallel_loop3A_572 = vector.broadcast %parallel_loop3A_571 : i32 to vector<16xi32>
        %parallel_loop3A_573 = arith.addi %parallel_loop3A_554, %parallel_loop3A_572 : vector<16xi32>
        %parallel_loop3A_574 = tpu.vector_load_idx %arg5[%parallel_loop3A_573] : memref<440xf32, #tpu.memory_space<vmem>>[vector<16xi32>], vector<16xf32>,
        %parallel_loop3A_575 = arith.constant 5 : i32
        %parallel_loop3A_576 = vector.broadcast %parallel_loop3A_575 : i32 to vector<16xi32>
        %parallel_loop3A_577 = arith.addi %parallel_loop3A_554, %parallel_loop3A_576 : vector<16xi32>
        %parallel_loop3A_578 = tpu.vector_load_idx %arg5[%parallel_loop3A_577] : memref<440xf32, #tpu.memory_space<vmem>>[vector<16xi32>], vector<16xf32>,
        %parallel_loop3A_579 = arith.constant 6 : i32
        %parallel_loop3A_580 = vector.broadcast %parallel_loop3A_579 : i32 to vector<16xi32>
        %parallel_loop3A_581 = arith.addi %parallel_loop3A_554, %parallel_loop3A_580 : vector<16xi32>
        %parallel_loop3A_582 = tpu.vector_load_idx %arg5[%parallel_loop3A_581] : memref<440xf32, #tpu.memory_space<vmem>>[vector<16xi32>], vector<16xf32>,
        %parallel_loop3A_583 = arith.constant 7 : i32
        %parallel_loop3A_584 = vector.broadcast %parallel_loop3A_583 : i32 to vector<16xi32>
        %parallel_loop3A_585 = arith.addi %parallel_loop3A_554, %parallel_loop3A_584 : vector<16xi32>
        %parallel_loop3A_586 = tpu.vector_load_idx %arg5[%parallel_loop3A_585] : memref<440xf32, #tpu.memory_space<vmem>>[vector<16xi32>], vector<16xf32>,
        %parallel_loop3A_587 = arith.constant 8 : i32
        %parallel_loop3A_588 = vector.broadcast %parallel_loop3A_587 : i32 to vector<16xi32>
        %parallel_loop3A_589 = arith.addi %parallel_loop3A_554, %parallel_loop3A_588 : vector<16xi32>
        %parallel_loop3A_590 = tpu.vector_load_idx %arg5[%parallel_loop3A_589] : memref<440xf32, #tpu.memory_space<vmem>>[vector<16xi32>], vector<16xf32>,
        %parallel_loop3A_591 = arith.constant 9 : i32
        %parallel_loop3A_592 = vector.broadcast %parallel_loop3A_591 : i32 to vector<16xi32>
        %parallel_loop3A_593 = arith.addi %parallel_loop3A_554, %parallel_loop3A_592 : vector<16xi32>
        %parallel_loop3A_594 = tpu.vector_load_idx %arg5[%parallel_loop3A_593] : memref<440xf32, #tpu.memory_space<vmem>>[vector<16xi32>], vector<16xf32>,
        %parallel_loop3A_595 = arith.constant 10 : i32
        %parallel_loop3A_596 = vector.broadcast %parallel_loop3A_595 : i32 to vector<16xi32>
        %parallel_loop3A_597 = arith.addi %parallel_loop3A_554, %parallel_loop3A_596 : vector<16xi32>
        %parallel_loop3A_598 = tpu.vector_load_idx %arg5[%parallel_loop3A_597] : memref<440xf32, #tpu.memory_space<vmem>>[vector<16xi32>], vector<16xf32>,
        %parallel_loop3A_599 = arith.constant 11 : i32
        %parallel_loop3A_600 = vector.broadcast %parallel_loop3A_599 : i32 to vector<16xi32>
        %parallel_loop3A_601 = arith.addi %parallel_loop3A_554, %parallel_loop3A_600 : vector<16xi32>
        %parallel_loop3A_602 = tpu.vector_load_idx %arg5[%parallel_loop3A_601] : memref<440xf32, #tpu.memory_space<vmem>>[vector<16xi32>], vector<16xf32>,
        %parallel_loop3A_603 = arith.constant 12 : i32
        %parallel_loop3A_604 = vector.broadcast %parallel_loop3A_603 : i32 to vector<16xi32>
        %parallel_loop3A_605 = arith.addi %parallel_loop3A_554, %parallel_loop3A_604 : vector<16xi32>
        %parallel_loop3A_606 = tpu.vector_load_idx %arg5[%parallel_loop3A_605] : memref<440xf32, #tpu.memory_space<vmem>>[vector<16xi32>], vector<16xf32>,
        %parallel_loop3A_607 = arith.constant 13 : i32
        %parallel_loop3A_608 = vector.broadcast %parallel_loop3A_607 : i32 to vector<16xi32>
        %parallel_loop3A_609 = arith.addi %parallel_loop3A_554, %parallel_loop3A_608 : vector<16xi32>
        %parallel_loop3A_610 = tpu.vector_load_idx %arg5[%parallel_loop3A_609] : memref<440xf32, #tpu.memory_space<vmem>>[vector<16xi32>], vector<16xf32>,
        %parallel_loop3A_611 = arith.constant 14 : i32
        %parallel_loop3A_612 = vector.broadcast %parallel_loop3A_611 : i32 to vector<16xi32>
        %parallel_loop3A_613 = arith.addi %parallel_loop3A_554, %parallel_loop3A_612 : vector<16xi32>
        %parallel_loop3A_614 = tpu.vector_load_idx %arg5[%parallel_loop3A_613] : memref<440xf32, #tpu.memory_space<vmem>>[vector<16xi32>], vector<16xf32>,
        %parallel_loop3A_615 = arith.constant 15 : i32
        %parallel_loop3A_616 = vector.broadcast %parallel_loop3A_615 : i32 to vector<16xi32>
        %parallel_loop3A_617 = arith.addi %parallel_loop3A_554, %parallel_loop3A_616 : vector<16xi32>
        %parallel_loop3A_618 = tpu.vector_load_idx %arg5[%parallel_loop3A_617] : memref<440xf32, #tpu.memory_space<vmem>>[vector<16xi32>], vector<16xf32>,
        %parallel_loop3A_619 = arith.constant 16 : i32
        %parallel_loop3A_620 = vector.broadcast %parallel_loop3A_619 : i32 to vector<16xi32>
        %parallel_loop3A_621 = arith.addi %parallel_loop3A_554, %parallel_loop3A_620 : vector<16xi32>
        %parallel_loop3A_622 = tpu.vector_load_idx %arg5[%parallel_loop3A_621] : memref<440xf32, #tpu.memory_space<vmem>>[vector<16xi32>], vector<16xf32>,
        %parallel_loop3A_623 = arith.constant 17 : i32
        %parallel_loop3A_624 = vector.broadcast %parallel_loop3A_623 : i32 to vector<16xi32>
        %parallel_loop3A_625 = arith.addi %parallel_loop3A_554, %parallel_loop3A_624 : vector<16xi32>
        %parallel_loop3A_626 = tpu.vector_load_idx %arg5[%parallel_loop3A_625] : memref<440xf32, #tpu.memory_space<vmem>>[vector<16xi32>], vector<16xf32>,
        %parallel_loop3A_627 = arith.constant 18 : i32
        %parallel_loop3A_628 = vector.broadcast %parallel_loop3A_627 : i32 to vector<16xi32>
        %parallel_loop3A_629 = arith.addi %parallel_loop3A_554, %parallel_loop3A_628 : vector<16xi32>
        %parallel_loop3A_630 = tpu.vector_load_idx %arg5[%parallel_loop3A_629] : memref<440xf32, #tpu.memory_space<vmem>>[vector<16xi32>], vector<16xf32>,
        %parallel_loop3A_631 = arith.constant 19 : i32
        %parallel_loop3A_632 = vector.broadcast %parallel_loop3A_631 : i32 to vector<16xi32>
        %parallel_loop3A_633 = arith.addi %parallel_loop3A_554, %parallel_loop3A_632 : vector<16xi32>
        %parallel_loop3A_634 = tpu.vector_load_idx %arg5[%parallel_loop3A_633] : memref<440xf32, #tpu.memory_space<vmem>>[vector<16xi32>], vector<16xf32>,
        %parallel_loop3A_635 = arith.constant 20 : i32
        %parallel_loop3A_636 = vector.broadcast %parallel_loop3A_635 : i32 to vector<16xi32>
        %parallel_loop3A_637 = arith.addi %parallel_loop3A_554, %parallel_loop3A_636 : vector<16xi32>
        %parallel_loop3A_638 = tpu.vector_load_idx %arg5[%parallel_loop3A_637] : memref<440xf32, #tpu.memory_space<vmem>>[vector<16xi32>], vector<16xf32>,
        %parallel_loop3A_639 = arith.constant 16 : i32
        %parallel_loop3A_640 = arith.muli %parallel_loop3A_501, %parallel_loop3A_639 : i32
        %parallel_loop3A_641 = arith.constant 0 : i32
        %parallel_loop3A_642 = arith.addi %parallel_loop3A_641, %parallel_loop3A_640 : i32
        %parallel_loop3A_643 = arith.index_cast %parallel_loop3A_642 : i32 to index
        %parallel_loop3A_644 = tpu.vector_load %arg9[%parallel_loop3A_643] {strides = array<i32>} : memref<21504xf32, #tpu.memory_space<vmem>>, vector<16xf32>,
        tpu.vector_store %arg9[%parallel_loop3A_643], %parallel_loop3A_558 {strides = array<i32>} : memref<21504xf32, #tpu.memory_space<vmem>>, vector<16xf32>,
        %parallel_loop3A_645 = arith.constant 16 : i32
        %parallel_loop3A_646 = arith.muli %parallel_loop3A_501, %parallel_loop3A_645 : i32
        %parallel_loop3A_647 = arith.constant 1024 : i32
        %parallel_loop3A_648 = arith.addi %parallel_loop3A_647, %parallel_loop3A_646 : i32
        %parallel_loop3A_649 = arith.index_cast %parallel_loop3A_648 : i32 to index
        %parallel_loop3A_650 = tpu.vector_load %arg9[%parallel_loop3A_649] {strides = array<i32>} : memref<21504xf32, #tpu.memory_space<vmem>>, vector<16xf32>,
        tpu.vector_store %arg9[%parallel_loop3A_649], %parallel_loop3A_562 {strides = array<i32>} : memref<21504xf32, #tpu.memory_space<vmem>>, vector<16xf32>,
        %parallel_loop3A_651 = arith.constant 16 : i32
        %parallel_loop3A_652 = arith.muli %parallel_loop3A_501, %parallel_loop3A_651 : i32
        %parallel_loop3A_653 = arith.constant 2048 : i32
        %parallel_loop3A_654 = arith.addi %parallel_loop3A_653, %parallel_loop3A_652 : i32
        %parallel_loop3A_655 = arith.index_cast %parallel_loop3A_654 : i32 to index
        %parallel_loop3A_656 = tpu.vector_load %arg9[%parallel_loop3A_655] {strides = array<i32>} : memref<21504xf32, #tpu.memory_space<vmem>>, vector<16xf32>,
        tpu.vector_store %arg9[%parallel_loop3A_655], %parallel_loop3A_566 {strides = array<i32>} : memref<21504xf32, #tpu.memory_space<vmem>>, vector<16xf32>,
        %parallel_loop3A_657 = arith.constant 16 : i32
        %parallel_loop3A_658 = arith.muli %parallel_loop3A_501, %parallel_loop3A_657 : i32
        %parallel_loop3A_659 = arith.constant 3072 : i32
        %parallel_loop3A_660 = arith.addi %parallel_loop3A_659, %parallel_loop3A_658 : i32
        %parallel_loop3A_661 = arith.index_cast %parallel_loop3A_660 : i32 to index
        %parallel_loop3A_662 = tpu.vector_load %arg9[%parallel_loop3A_661] {strides = array<i32>} : memref<21504xf32, #tpu.memory_space<vmem>>, vector<16xf32>,
        tpu.vector_store %arg9[%parallel_loop3A_661], %parallel_loop3A_570 {strides = array<i32>} : memref<21504xf32, #tpu.memory_space<vmem>>, vector<16xf32>,
        %parallel_loop3A_663 = arith.constant 16 : i32
        %parallel_loop3A_664 = arith.muli %parallel_loop3A_501, %parallel_loop3A_663 : i32
        %parallel_loop3A_665 = arith.constant 4096 : i32
        %parallel_loop3A_666 = arith.addi %parallel_loop3A_665, %parallel_loop3A_664 : i32
        %parallel_loop3A_667 = arith.index_cast %parallel_loop3A_666 : i32 to index
        %parallel_loop3A_668 = tpu.vector_load %arg9[%parallel_loop3A_667] {strides = array<i32>} : memref<21504xf32, #tpu.memory_space<vmem>>, vector<16xf32>,
        tpu.vector_store %arg9[%parallel_loop3A_667], %parallel_loop3A_574 {strides = array<i32>} : memref<21504xf32, #tpu.memory_space<vmem>>, vector<16xf32>,
        %parallel_loop3A_669 = arith.constant 16 : i32
        %parallel_loop3A_670 = arith.muli %parallel_loop3A_501, %parallel_loop3A_669 : i32
        %parallel_loop3A_671 = arith.constant 5120 : i32
        %parallel_loop3A_672 = arith.addi %parallel_loop3A_671, %parallel_loop3A_670 : i32
        %parallel_loop3A_673 = arith.index_cast %parallel_loop3A_672 : i32 to index
        %parallel_loop3A_674 = tpu.vector_load %arg9[%parallel_loop3A_673] {strides = array<i32>} : memref<21504xf32, #tpu.memory_space<vmem>>, vector<16xf32>,
        tpu.vector_store %arg9[%parallel_loop3A_673], %parallel_loop3A_578 {strides = array<i32>} : memref<21504xf32, #tpu.memory_space<vmem>>, vector<16xf32>,
        %parallel_loop3A_675 = arith.constant 16 : i32
        %parallel_loop3A_676 = arith.muli %parallel_loop3A_501, %parallel_loop3A_675 : i32
        %parallel_loop3A_677 = arith.constant 6144 : i32
        %parallel_loop3A_678 = arith.addi %parallel_loop3A_677, %parallel_loop3A_676 : i32
        %parallel_loop3A_679 = arith.index_cast %parallel_loop3A_678 : i32 to index
        %parallel_loop3A_680 = tpu.vector_load %arg9[%parallel_loop3A_679] {strides = array<i32>} : memref<21504xf32, #tpu.memory_space<vmem>>, vector<16xf32>,
        tpu.vector_store %arg9[%parallel_loop3A_679], %parallel_loop3A_582 {strides = array<i32>} : memref<21504xf32, #tpu.memory_space<vmem>>, vector<16xf32>,
        %parallel_loop3A_681 = arith.constant 16 : i32
        %parallel_loop3A_682 = arith.muli %parallel_loop3A_501, %parallel_loop3A_681 : i32
        %parallel_loop3A_683 = arith.constant 7168 : i32
        %parallel_loop3A_684 = arith.addi %parallel_loop3A_683, %parallel_loop3A_682 : i32
        %parallel_loop3A_685 = arith.index_cast %parallel_loop3A_684 : i32 to index
        %parallel_loop3A_686 = tpu.vector_load %arg9[%parallel_loop3A_685] {strides = array<i32>} : memref<21504xf32, #tpu.memory_space<vmem>>, vector<16xf32>,
        tpu.vector_store %arg9[%parallel_loop3A_685], %parallel_loop3A_586 {strides = array<i32>} : memref<21504xf32, #tpu.memory_space<vmem>>, vector<16xf32>,
        %parallel_loop3A_687 = arith.constant 16 : i32
        %parallel_loop3A_688 = arith.muli %parallel_loop3A_501, %parallel_loop3A_687 : i32
        %parallel_loop3A_689 = arith.constant 8192 : i32
        %parallel_loop3A_690 = arith.addi %parallel_loop3A_689, %parallel_loop3A_688 : i32
        %parallel_loop3A_691 = arith.index_cast %parallel_loop3A_690 : i32 to index
        %parallel_loop3A_692 = tpu.vector_load %arg9[%parallel_loop3A_691] {strides = array<i32>} : memref<21504xf32, #tpu.memory_space<vmem>>, vector<16xf32>,
        tpu.vector_store %arg9[%parallel_loop3A_691], %parallel_loop3A_590 {strides = array<i32>} : memref<21504xf32, #tpu.memory_space<vmem>>, vector<16xf32>,
        %parallel_loop3A_693 = arith.constant 16 : i32
        %parallel_loop3A_694 = arith.muli %parallel_loop3A_501, %parallel_loop3A_693 : i32
        %parallel_loop3A_695 = arith.constant 9216 : i32
        %parallel_loop3A_696 = arith.addi %parallel_loop3A_695, %parallel_loop3A_694 : i32
        %parallel_loop3A_697 = arith.index_cast %parallel_loop3A_696 : i32 to index
        %parallel_loop3A_698 = tpu.vector_load %arg9[%parallel_loop3A_697] {strides = array<i32>} : memref<21504xf32, #tpu.memory_space<vmem>>, vector<16xf32>,
        tpu.vector_store %arg9[%parallel_loop3A_697], %parallel_loop3A_594 {strides = array<i32>} : memref<21504xf32, #tpu.memory_space<vmem>>, vector<16xf32>,
        %parallel_loop3A_699 = arith.constant 16 : i32
        %parallel_loop3A_700 = arith.muli %parallel_loop3A_501, %parallel_loop3A_699 : i32
        %parallel_loop3A_701 = arith.constant 10240 : i32
        %parallel_loop3A_702 = arith.addi %parallel_loop3A_701, %parallel_loop3A_700 : i32
        %parallel_loop3A_703 = arith.index_cast %parallel_loop3A_702 : i32 to index
        %parallel_loop3A_704 = tpu.vector_load %arg9[%parallel_loop3A_703] {strides = array<i32>} : memref<21504xf32, #tpu.memory_space<vmem>>, vector<16xf32>,
        tpu.vector_store %arg9[%parallel_loop3A_703], %parallel_loop3A_598 {strides = array<i32>} : memref<21504xf32, #tpu.memory_space<vmem>>, vector<16xf32>,
        %parallel_loop3A_705 = arith.constant 16 : i32
        %parallel_loop3A_706 = arith.muli %parallel_loop3A_501, %parallel_loop3A_705 : i32
        %parallel_loop3A_707 = arith.constant 11264 : i32
        %parallel_loop3A_708 = arith.addi %parallel_loop3A_707, %parallel_loop3A_706 : i32
        %parallel_loop3A_709 = arith.index_cast %parallel_loop3A_708 : i32 to index
        %parallel_loop3A_710 = tpu.vector_load %arg9[%parallel_loop3A_709] {strides = array<i32>} : memref<21504xf32, #tpu.memory_space<vmem>>, vector<16xf32>,
        tpu.vector_store %arg9[%parallel_loop3A_709], %parallel_loop3A_602 {strides = array<i32>} : memref<21504xf32, #tpu.memory_space<vmem>>, vector<16xf32>,
        %parallel_loop3A_711 = arith.constant 16 : i32
        %parallel_loop3A_712 = arith.muli %parallel_loop3A_501, %parallel_loop3A_711 : i32
        %parallel_loop3A_713 = arith.constant 12288 : i32
        %parallel_loop3A_714 = arith.addi %parallel_loop3A_713, %parallel_loop3A_712 : i32
        %parallel_loop3A_715 = arith.index_cast %parallel_loop3A_714 : i32 to index
        %parallel_loop3A_716 = tpu.vector_load %arg9[%parallel_loop3A_715] {strides = array<i32>} : memref<21504xf32, #tpu.memory_space<vmem>>, vector<16xf32>,
        tpu.vector_store %arg9[%parallel_loop3A_715], %parallel_loop3A_606 {strides = array<i32>} : memref<21504xf32, #tpu.memory_space<vmem>>, vector<16xf32>,
        %parallel_loop3A_717 = arith.constant 16 : i32
        %parallel_loop3A_718 = arith.muli %parallel_loop3A_501, %parallel_loop3A_717 : i32
        %parallel_loop3A_719 = arith.constant 13312 : i32
        %parallel_loop3A_720 = arith.addi %parallel_loop3A_719, %parallel_loop3A_718 : i32
        %parallel_loop3A_721 = arith.index_cast %parallel_loop3A_720 : i32 to index
        %parallel_loop3A_722 = tpu.vector_load %arg9[%parallel_loop3A_721] {strides = array<i32>} : memref<21504xf32, #tpu.memory_space<vmem>>, vector<16xf32>,
        tpu.vector_store %arg9[%parallel_loop3A_721], %parallel_loop3A_610 {strides = array<i32>} : memref<21504xf32, #tpu.memory_space<vmem>>, vector<16xf32>,
        %parallel_loop3A_723 = arith.constant 16 : i32
        %parallel_loop3A_724 = arith.muli %parallel_loop3A_501, %parallel_loop3A_723 : i32
        %parallel_loop3A_725 = arith.constant 14336 : i32
        %parallel_loop3A_726 = arith.addi %parallel_loop3A_725, %parallel_loop3A_724 : i32
        %parallel_loop3A_727 = arith.index_cast %parallel_loop3A_726 : i32 to index
        %parallel_loop3A_728 = tpu.vector_load %arg9[%parallel_loop3A_727] {strides = array<i32>} : memref<21504xf32, #tpu.memory_space<vmem>>, vector<16xf32>,
        tpu.vector_store %arg9[%parallel_loop3A_727], %parallel_loop3A_614 {strides = array<i32>} : memref<21504xf32, #tpu.memory_space<vmem>>, vector<16xf32>,
        %parallel_loop3A_729 = arith.constant 16 : i32
        %parallel_loop3A_730 = arith.muli %parallel_loop3A_501, %parallel_loop3A_729 : i32
        %parallel_loop3A_731 = arith.constant 15360 : i32
        %parallel_loop3A_732 = arith.addi %parallel_loop3A_731, %parallel_loop3A_730 : i32
        %parallel_loop3A_733 = arith.index_cast %parallel_loop3A_732 : i32 to index
        %parallel_loop3A_734 = tpu.vector_load %arg9[%parallel_loop3A_733] {strides = array<i32>} : memref<21504xf32, #tpu.memory_space<vmem>>, vector<16xf32>,
        tpu.vector_store %arg9[%parallel_loop3A_733], %parallel_loop3A_618 {strides = array<i32>} : memref<21504xf32, #tpu.memory_space<vmem>>, vector<16xf32>,
        %parallel_loop3A_735 = arith.constant 16 : i32
        %parallel_loop3A_736 = arith.muli %parallel_loop3A_501, %parallel_loop3A_735 : i32
        %parallel_loop3A_737 = arith.constant 16384 : i32
        %parallel_loop3A_738 = arith.addi %parallel_loop3A_737, %parallel_loop3A_736 : i32
        %parallel_loop3A_739 = arith.index_cast %parallel_loop3A_738 : i32 to index
        %parallel_loop3A_740 = tpu.vector_load %arg9[%parallel_loop3A_739] {strides = array<i32>} : memref<21504xf32, #tpu.memory_space<vmem>>, vector<16xf32>,
        tpu.vector_store %arg9[%parallel_loop3A_739], %parallel_loop3A_622 {strides = array<i32>} : memref<21504xf32, #tpu.memory_space<vmem>>, vector<16xf32>,
        %parallel_loop3A_741 = arith.constant 16 : i32
        %parallel_loop3A_742 = arith.muli %parallel_loop3A_501, %parallel_loop3A_741 : i32
        %parallel_loop3A_743 = arith.constant 17408 : i32
        %parallel_loop3A_744 = arith.addi %parallel_loop3A_743, %parallel_loop3A_742 : i32
        %parallel_loop3A_745 = arith.index_cast %parallel_loop3A_744 : i32 to index
        %parallel_loop3A_746 = tpu.vector_load %arg9[%parallel_loop3A_745] {strides = array<i32>} : memref<21504xf32, #tpu.memory_space<vmem>>, vector<16xf32>,
        tpu.vector_store %arg9[%parallel_loop3A_745], %parallel_loop3A_626 {strides = array<i32>} : memref<21504xf32, #tpu.memory_space<vmem>>, vector<16xf32>,
        %parallel_loop3A_747 = arith.constant 16 : i32
        %parallel_loop3A_748 = arith.muli %parallel_loop3A_501, %parallel_loop3A_747 : i32
        %parallel_loop3A_749 = arith.constant 18432 : i32
        %parallel_loop3A_750 = arith.addi %parallel_loop3A_749, %parallel_loop3A_748 : i32
        %parallel_loop3A_751 = arith.index_cast %parallel_loop3A_750 : i32 to index
        %parallel_loop3A_752 = tpu.vector_load %arg9[%parallel_loop3A_751] {strides = array<i32>} : memref<21504xf32, #tpu.memory_space<vmem>>, vector<16xf32>,
        tpu.vector_store %arg9[%parallel_loop3A_751], %parallel_loop3A_630 {strides = array<i32>} : memref<21504xf32, #tpu.memory_space<vmem>>, vector<16xf32>,
        %parallel_loop3A_753 = arith.constant 16 : i32
        %parallel_loop3A_754 = arith.muli %parallel_loop3A_501, %parallel_loop3A_753 : i32
        %parallel_loop3A_755 = arith.constant 19456 : i32
        %parallel_loop3A_756 = arith.addi %parallel_loop3A_755, %parallel_loop3A_754 : i32
        %parallel_loop3A_757 = arith.index_cast %parallel_loop3A_756 : i32 to index
        %parallel_loop3A_758 = tpu.vector_load %arg9[%parallel_loop3A_757] {strides = array<i32>} : memref<21504xf32, #tpu.memory_space<vmem>>, vector<16xf32>,
        tpu.vector_store %arg9[%parallel_loop3A_757], %parallel_loop3A_634 {strides = array<i32>} : memref<21504xf32, #tpu.memory_space<vmem>>, vector<16xf32>,
        %parallel_loop3A_759 = arith.constant 16 : i32
        %parallel_loop3A_760 = arith.muli %parallel_loop3A_501, %parallel_loop3A_759 : i32
        %parallel_loop3A_761 = arith.constant 20480 : i32
        %parallel_loop3A_762 = arith.addi %parallel_loop3A_761, %parallel_loop3A_760 : i32
        %parallel_loop3A_763 = arith.index_cast %parallel_loop3A_762 : i32 to index
        %parallel_loop3A_764 = tpu.vector_load %arg9[%parallel_loop3A_763] {strides = array<i32>} : memref<21504xf32, #tpu.memory_space<vmem>>, vector<16xf32>,
        tpu.vector_store %arg9[%parallel_loop3A_763], %parallel_loop3A_638 {strides = array<i32>} : memref<21504xf32, #tpu.memory_space<vmem>>, vector<16xf32>,
        scf.yield %parallel_loop3A_502 : i32
      } {sc.loop_unroll_factor = 1 : i64, sc.parallel_access}
      %add3A_286 = arith.constant 1 : i32
      %add3A_287 = arith.addi %add3A_7, %add3A_286 : i32
      %mul3A_288 = arith.constant 128 : i32
      %mul3A_289 = arith.muli %scan3A_52, %mul3A_288 : i32
      %add3A_290 = arith.addi %mul3A_289, %add3A_287 : i32
      %mul3A_291 = arith.constant 1024 : i32
      %mul3A_292 = arith.muli %add3A_290, %mul3A_291 : i32
      %add3A_293 = arith.constant 0 : i32
      %add3A_294 = arith.addi %add3A_293, %mul3A_292 : i32
      %dma_start3A_295 = arith.constant 0 : i32
      %dma_start3A_296 = tpu.memref_slice %arg9[%dma_start3A_295] : memref<21504xf32, #tpu.memory_space<vmem>> -> memref<1024xf32, #tpu.memory_space<vmem>>
      %dma_start3A_297 = tpu.memref_slice %arg4[%add3A_294] : memref<68812800xf32, #tpu.memory_space<hbm>> -> memref<1024xf32, #tpu.memory_space<hbm>>
      %dma_start3A_298 = tpu.memref_slice %arg4[%add3A_294] : memref<68812800xf32, #tpu.memory_space<hbm>> -> memref<1024xf32, #tpu.memory_space<hbm>>
      %dma_start3A_299 = arith.constant 0 : i32
      %dma_start3A_300 = tpu.memref_slice %arg9[%dma_start3A_299] : memref<21504xf32, #tpu.memory_space<vmem>> -> memref<1024xf32, #tpu.memory_space<vmem>>
      tpu.enqueue_dma source(%dma_start3A_300 : memref<1024xf32, #tpu.memory_space<vmem>>) target(%dma_start3A_298 : memref<1024xf32, #tpu.memory_space<hbm>>) target_semaphore(%arg11 : memref<!tpu.dma_semaphore, #tpu.memory_space<semaphore_mem>>)
      %mul3A_301 = arith.constant 1024 : i32
      %mul3A_302 = arith.muli %add3A_290, %mul3A_301 : i32
      %add3A_303 = arith.constant 3276800 : i32
      %add3A_304 = arith.addi %add3A_303, %mul3A_302 : i32
      %dma_start3A_305 = arith.constant 1024 : i32
      %dma_start3A_306 = tpu.memref_slice %arg9[%dma_start3A_305] : memref<21504xf32, #tpu.memory_space<vmem>> -> memref<1024xf32, #tpu.memory_space<vmem>>
      %dma_start3A_307 = tpu.memref_slice %arg4[%add3A_304] : memref<68812800xf32, #tpu.memory_space<hbm>> -> memref<1024xf32, #tpu.memory_space<hbm>>
      %dma_start3A_308 = tpu.memref_slice %arg4[%add3A_304] : memref<68812800xf32, #tpu.memory_space<hbm>> -> memref<1024xf32, #tpu.memory_space<hbm>>
      %dma_start3A_309 = arith.constant 1024 : i32
      %dma_start3A_310 = tpu.memref_slice %arg9[%dma_start3A_309] : memref<21504xf32, #tpu.memory_space<vmem>> -> memref<1024xf32, #tpu.memory_space<vmem>>
      tpu.enqueue_dma source(%dma_start3A_310 : memref<1024xf32, #tpu.memory_space<vmem>>) target(%dma_start3A_308 : memref<1024xf32, #tpu.memory_space<hbm>>) target_semaphore(%arg11 : memref<!tpu.dma_semaphore, #tpu.memory_space<semaphore_mem>>)
      %mul3A_311 = arith.constant 1024 : i32
      %mul3A_312 = arith.muli %add3A_290, %mul3A_311 : i32
      %add3A_313 = arith.constant 6553600 : i32
      %add3A_314 = arith.addi %add3A_313, %mul3A_312 : i32
      %dma_start3A_315 = arith.constant 2048 : i32
      %dma_start3A_316 = tpu.memref_slice %arg9[%dma_start3A_315] : memref<21504xf32, #tpu.memory_space<vmem>> -> memref<1024xf32, #tpu.memory_space<vmem>>
      %dma_start3A_317 = tpu.memref_slice %arg4[%add3A_314] : memref<68812800xf32, #tpu.memory_space<hbm>> -> memref<1024xf32, #tpu.memory_space<hbm>>
      %dma_start3A_318 = tpu.memref_slice %arg4[%add3A_314] : memref<68812800xf32, #tpu.memory_space<hbm>> -> memref<1024xf32, #tpu.memory_space<hbm>>
      %dma_start3A_319 = arith.constant 2048 : i32
      %dma_start3A_320 = tpu.memref_slice %arg9[%dma_start3A_319] : memref<21504xf32, #tpu.memory_space<vmem>> -> memref<1024xf32, #tpu.memory_space<vmem>>
      tpu.enqueue_dma source(%dma_start3A_320 : memref<1024xf32, #tpu.memory_space<vmem>>) target(%dma_start3A_318 : memref<1024xf32, #tpu.memory_space<hbm>>) target_semaphore(%arg11 : memref<!tpu.dma_semaphore, #tpu.memory_space<semaphore_mem>>)
      %mul3A_321 = arith.constant 1024 : i32
      %mul3A_322 = arith.muli %add3A_290, %mul3A_321 : i32
      %add3A_323 = arith.constant 9830400 : i32
      %add3A_324 = arith.addi %add3A_323, %mul3A_322 : i32
      %dma_start3A_325 = arith.constant 3072 : i32
      %dma_start3A_326 = tpu.memref_slice %arg9[%dma_start3A_325] : memref<21504xf32, #tpu.memory_space<vmem>> -> memref<1024xf32, #tpu.memory_space<vmem>>
      %dma_start3A_327 = tpu.memref_slice %arg4[%add3A_324] : memref<68812800xf32, #tpu.memory_space<hbm>> -> memref<1024xf32, #tpu.memory_space<hbm>>
      %dma_start3A_328 = tpu.memref_slice %arg4[%add3A_324] : memref<68812800xf32, #tpu.memory_space<hbm>> -> memref<1024xf32, #tpu.memory_space<hbm>>
      %dma_start3A_329 = arith.constant 3072 : i32
      %dma_start3A_330 = tpu.memref_slice %arg9[%dma_start3A_329] : memref<21504xf32, #tpu.memory_space<vmem>> -> memref<1024xf32, #tpu.memory_space<vmem>>
      tpu.enqueue_dma source(%dma_start3A_330 : memref<1024xf32, #tpu.memory_space<vmem>>) target(%dma_start3A_328 : memref<1024xf32, #tpu.memory_space<hbm>>) target_semaphore(%arg11 : memref<!tpu.dma_semaphore, #tpu.memory_space<semaphore_mem>>)
      %mul3A_331 = arith.constant 1024 : i32
      %mul3A_332 = arith.muli %add3A_290, %mul3A_331 : i32
      %add3A_333 = arith.constant 13107200 : i32
      %add3A_334 = arith.addi %add3A_333, %mul3A_332 : i32
      %dma_start3A_335 = arith.constant 4096 : i32
      %dma_start3A_336 = tpu.memref_slice %arg9[%dma_start3A_335] : memref<21504xf32, #tpu.memory_space<vmem>> -> memref<1024xf32, #tpu.memory_space<vmem>>
      %dma_start3A_337 = tpu.memref_slice %arg4[%add3A_334] : memref<68812800xf32, #tpu.memory_space<hbm>> -> memref<1024xf32, #tpu.memory_space<hbm>>
      %dma_start3A_338 = tpu.memref_slice %arg4[%add3A_334] : memref<68812800xf32, #tpu.memory_space<hbm>> -> memref<1024xf32, #tpu.memory_space<hbm>>
      %dma_start3A_339 = arith.constant 4096 : i32
      %dma_start3A_340 = tpu.memref_slice %arg9[%dma_start3A_339] : memref<21504xf32, #tpu.memory_space<vmem>> -> memref<1024xf32, #tpu.memory_space<vmem>>
      tpu.enqueue_dma source(%dma_start3A_340 : memref<1024xf32, #tpu.memory_space<vmem>>) target(%dma_start3A_338 : memref<1024xf32, #tpu.memory_space<hbm>>) target_semaphore(%arg11 : memref<!tpu.dma_semaphore, #tpu.memory_space<semaphore_mem>>)
      %mul3A_341 = arith.constant 1024 : i32
      %mul3A_342 = arith.muli %add3A_290, %mul3A_341 : i32
      %add3A_343 = arith.constant 16384000 : i32
      %add3A_344 = arith.addi %add3A_343, %mul3A_342 : i32
      %dma_start3A_345 = arith.constant 5120 : i32
      %dma_start3A_346 = tpu.memref_slice %arg9[%dma_start3A_345] : memref<21504xf32, #tpu.memory_space<vmem>> -> memref<1024xf32, #tpu.memory_space<vmem>>
      %dma_start3A_347 = tpu.memref_slice %arg4[%add3A_344] : memref<68812800xf32, #tpu.memory_space<hbm>> -> memref<1024xf32, #tpu.memory_space<hbm>>
      %dma_start3A_348 = tpu.memref_slice %arg4[%add3A_344] : memref<68812800xf32, #tpu.memory_space<hbm>> -> memref<1024xf32, #tpu.memory_space<hbm>>
      %dma_start3A_349 = arith.constant 5120 : i32
      %dma_start3A_350 = tpu.memref_slice %arg9[%dma_start3A_349] : memref<21504xf32, #tpu.memory_space<vmem>> -> memref<1024xf32, #tpu.memory_space<vmem>>
      tpu.enqueue_dma source(%dma_start3A_350 : memref<1024xf32, #tpu.memory_space<vmem>>) target(%dma_start3A_348 : memref<1024xf32, #tpu.memory_space<hbm>>) target_semaphore(%arg11 : memref<!tpu.dma_semaphore, #tpu.memory_space<semaphore_mem>>)
      %mul3A_351 = arith.constant 1024 : i32
      %mul3A_352 = arith.muli %add3A_290, %mul3A_351 : i32
      %add3A_353 = arith.constant 19660800 : i32
      %add3A_354 = arith.addi %add3A_353, %mul3A_352 : i32
      %dma_start3A_355 = arith.constant 6144 : i32
      %dma_start3A_356 = tpu.memref_slice %arg9[%dma_start3A_355] : memref<21504xf32, #tpu.memory_space<vmem>> -> memref<1024xf32, #tpu.memory_space<vmem>>
      %dma_start3A_357 = tpu.memref_slice %arg4[%add3A_354] : memref<68812800xf32, #tpu.memory_space<hbm>> -> memref<1024xf32, #tpu.memory_space<hbm>>
      %dma_start3A_358 = tpu.memref_slice %arg4[%add3A_354] : memref<68812800xf32, #tpu.memory_space<hbm>> -> memref<1024xf32, #tpu.memory_space<hbm>>
      %dma_start3A_359 = arith.constant 6144 : i32
      %dma_start3A_360 = tpu.memref_slice %arg9[%dma_start3A_359] : memref<21504xf32, #tpu.memory_space<vmem>> -> memref<1024xf32, #tpu.memory_space<vmem>>
      tpu.enqueue_dma source(%dma_start3A_360 : memref<1024xf32, #tpu.memory_space<vmem>>) target(%dma_start3A_358 : memref<1024xf32, #tpu.memory_space<hbm>>) target_semaphore(%arg11 : memref<!tpu.dma_semaphore, #tpu.memory_space<semaphore_mem>>)
      %mul3A_361 = arith.constant 1024 : i32
      %mul3A_362 = arith.muli %add3A_290, %mul3A_361 : i32
      %add3A_363 = arith.constant 22937600 : i32
      %add3A_364 = arith.addi %add3A_363, %mul3A_362 : i32
      %dma_start3A_365 = arith.constant 7168 : i32
      %dma_start3A_366 = tpu.memref_slice %arg9[%dma_start3A_365] : memref<21504xf32, #tpu.memory_space<vmem>> -> memref<1024xf32, #tpu.memory_space<vmem>>
      %dma_start3A_367 = tpu.memref_slice %arg4[%add3A_364] : memref<68812800xf32, #tpu.memory_space<hbm>> -> memref<1024xf32, #tpu.memory_space<hbm>>
      %dma_start3A_368 = tpu.memref_slice %arg4[%add3A_364] : memref<68812800xf32, #tpu.memory_space<hbm>> -> memref<1024xf32, #tpu.memory_space<hbm>>
      %dma_start3A_369 = arith.constant 7168 : i32
      %dma_start3A_370 = tpu.memref_slice %arg9[%dma_start3A_369] : memref<21504xf32, #tpu.memory_space<vmem>> -> memref<1024xf32, #tpu.memory_space<vmem>>
      tpu.enqueue_dma source(%dma_start3A_370 : memref<1024xf32, #tpu.memory_space<vmem>>) target(%dma_start3A_368 : memref<1024xf32, #tpu.memory_space<hbm>>) target_semaphore(%arg11 : memref<!tpu.dma_semaphore, #tpu.memory_space<semaphore_mem>>)
      %mul3A_371 = arith.constant 1024 : i32
      %mul3A_372 = arith.muli %add3A_290, %mul3A_371 : i32
      %add3A_373 = arith.constant 26214400 : i32
      %add3A_374 = arith.addi %add3A_373, %mul3A_372 : i32
      %dma_start3A_375 = arith.constant 8192 : i32
      %dma_start3A_376 = tpu.memref_slice %arg9[%dma_start3A_375] : memref<21504xf32, #tpu.memory_space<vmem>> -> memref<1024xf32, #tpu.memory_space<vmem>>
      %dma_start3A_377 = tpu.memref_slice %arg4[%add3A_374] : memref<68812800xf32, #tpu.memory_space<hbm>> -> memref<1024xf32, #tpu.memory_space<hbm>>
      %dma_start3A_378 = tpu.memref_slice %arg4[%add3A_374] : memref<68812800xf32, #tpu.memory_space<hbm>> -> memref<1024xf32, #tpu.memory_space<hbm>>
      %dma_start3A_379 = arith.constant 8192 : i32
      %dma_start3A_380 = tpu.memref_slice %arg9[%dma_start3A_379] : memref<21504xf32, #tpu.memory_space<vmem>> -> memref<1024xf32, #tpu.memory_space<vmem>>
      tpu.enqueue_dma source(%dma_start3A_380 : memref<1024xf32, #tpu.memory_space<vmem>>) target(%dma_start3A_378 : memref<1024xf32, #tpu.memory_space<hbm>>) target_semaphore(%arg11 : memref<!tpu.dma_semaphore, #tpu.memory_space<semaphore_mem>>)
      %mul3A_381 = arith.constant 1024 : i32
      %mul3A_382 = arith.muli %add3A_290, %mul3A_381 : i32
      %add3A_383 = arith.constant 29491200 : i32
      %add3A_384 = arith.addi %add3A_383, %mul3A_382 : i32
      %dma_start3A_385 = arith.constant 9216 : i32
      %dma_start3A_386 = tpu.memref_slice %arg9[%dma_start3A_385] : memref<21504xf32, #tpu.memory_space<vmem>> -> memref<1024xf32, #tpu.memory_space<vmem>>
      %dma_start3A_387 = tpu.memref_slice %arg4[%add3A_384] : memref<68812800xf32, #tpu.memory_space<hbm>> -> memref<1024xf32, #tpu.memory_space<hbm>>
      %dma_start3A_388 = tpu.memref_slice %arg4[%add3A_384] : memref<68812800xf32, #tpu.memory_space<hbm>> -> memref<1024xf32, #tpu.memory_space<hbm>>
      %dma_start3A_389 = arith.constant 9216 : i32
      %dma_start3A_390 = tpu.memref_slice %arg9[%dma_start3A_389] : memref<21504xf32, #tpu.memory_space<vmem>> -> memref<1024xf32, #tpu.memory_space<vmem>>
      tpu.enqueue_dma source(%dma_start3A_390 : memref<1024xf32, #tpu.memory_space<vmem>>) target(%dma_start3A_388 : memref<1024xf32, #tpu.memory_space<hbm>>) target_semaphore(%arg11 : memref<!tpu.dma_semaphore, #tpu.memory_space<semaphore_mem>>)
      %mul3A_391 = arith.constant 1024 : i32
      %mul3A_392 = arith.muli %add3A_290, %mul3A_391 : i32
      %add3A_393 = arith.constant 32768000 : i32
      %add3A_394 = arith.addi %add3A_393, %mul3A_392 : i32
      %dma_start3A_395 = arith.constant 10240 : i32
      %dma_start3A_396 = tpu.memref_slice %arg9[%dma_start3A_395] : memref<21504xf32, #tpu.memory_space<vmem>> -> memref<1024xf32, #tpu.memory_space<vmem>>
      %dma_start3A_397 = tpu.memref_slice %arg4[%add3A_394] : memref<68812800xf32, #tpu.memory_space<hbm>> -> memref<1024xf32, #tpu.memory_space<hbm>>
      %dma_start3A_398 = tpu.memref_slice %arg4[%add3A_394] : memref<68812800xf32, #tpu.memory_space<hbm>> -> memref<1024xf32, #tpu.memory_space<hbm>>
      %dma_start3A_399 = arith.constant 10240 : i32
      %dma_start3A_400 = tpu.memref_slice %arg9[%dma_start3A_399] : memref<21504xf32, #tpu.memory_space<vmem>> -> memref<1024xf32, #tpu.memory_space<vmem>>
      tpu.enqueue_dma source(%dma_start3A_400 : memref<1024xf32, #tpu.memory_space<vmem>>) target(%dma_start3A_398 : memref<1024xf32, #tpu.memory_space<hbm>>) target_semaphore(%arg11 : memref<!tpu.dma_semaphore, #tpu.memory_space<semaphore_mem>>)
      %mul3A_401 = arith.constant 1024 : i32
      %mul3A_402 = arith.muli %add3A_290, %mul3A_401 : i32
      %add3A_403 = arith.constant 36044800 : i32
      %add3A_404 = arith.addi %add3A_403, %mul3A_402 : i32
      %dma_start3A_405 = arith.constant 11264 : i32
      %dma_start3A_406 = tpu.memref_slice %arg9[%dma_start3A_405] : memref<21504xf32, #tpu.memory_space<vmem>> -> memref<1024xf32, #tpu.memory_space<vmem>>
      %dma_start3A_407 = tpu.memref_slice %arg4[%add3A_404] : memref<68812800xf32, #tpu.memory_space<hbm>> -> memref<1024xf32, #tpu.memory_space<hbm>>
      %dma_start3A_408 = tpu.memref_slice %arg4[%add3A_404] : memref<68812800xf32, #tpu.memory_space<hbm>> -> memref<1024xf32, #tpu.memory_space<hbm>>
      %dma_start3A_409 = arith.constant 11264 : i32
      %dma_start3A_410 = tpu.memref_slice %arg9[%dma_start3A_409] : memref<21504xf32, #tpu.memory_space<vmem>> -> memref<1024xf32, #tpu.memory_space<vmem>>
      tpu.enqueue_dma source(%dma_start3A_410 : memref<1024xf32, #tpu.memory_space<vmem>>) target(%dma_start3A_408 : memref<1024xf32, #tpu.memory_space<hbm>>) target_semaphore(%arg11 : memref<!tpu.dma_semaphore, #tpu.memory_space<semaphore_mem>>)
      %mul3A_411 = arith.constant 1024 : i32
      %mul3A_412 = arith.muli %add3A_290, %mul3A_411 : i32
      %add3A_413 = arith.constant 39321600 : i32
      %add3A_414 = arith.addi %add3A_413, %mul3A_412 : i32
      %dma_start3A_415 = arith.constant 12288 : i32
      %dma_start3A_416 = tpu.memref_slice %arg9[%dma_start3A_415] : memref<21504xf32, #tpu.memory_space<vmem>> -> memref<1024xf32, #tpu.memory_space<vmem>>
      %dma_start3A_417 = tpu.memref_slice %arg4[%add3A_414] : memref<68812800xf32, #tpu.memory_space<hbm>> -> memref<1024xf32, #tpu.memory_space<hbm>>
      %dma_start3A_418 = tpu.memref_slice %arg4[%add3A_414] : memref<68812800xf32, #tpu.memory_space<hbm>> -> memref<1024xf32, #tpu.memory_space<hbm>>
      %dma_start3A_419 = arith.constant 12288 : i32
      %dma_start3A_420 = tpu.memref_slice %arg9[%dma_start3A_419] : memref<21504xf32, #tpu.memory_space<vmem>> -> memref<1024xf32, #tpu.memory_space<vmem>>
      tpu.enqueue_dma source(%dma_start3A_420 : memref<1024xf32, #tpu.memory_space<vmem>>) target(%dma_start3A_418 : memref<1024xf32, #tpu.memory_space<hbm>>) target_semaphore(%arg11 : memref<!tpu.dma_semaphore, #tpu.memory_space<semaphore_mem>>)
      %mul3A_421 = arith.constant 1024 : i32
      %mul3A_422 = arith.muli %add3A_290, %mul3A_421 : i32
      %add3A_423 = arith.constant 42598400 : i32
      %add3A_424 = arith.addi %add3A_423, %mul3A_422 : i32
      %dma_start3A_425 = arith.constant 13312 : i32
      %dma_start3A_426 = tpu.memref_slice %arg9[%dma_start3A_425] : memref<21504xf32, #tpu.memory_space<vmem>> -> memref<1024xf32, #tpu.memory_space<vmem>>
      %dma_start3A_427 = tpu.memref_slice %arg4[%add3A_424] : memref<68812800xf32, #tpu.memory_space<hbm>> -> memref<1024xf32, #tpu.memory_space<hbm>>
      %dma_start3A_428 = tpu.memref_slice %arg4[%add3A_424] : memref<68812800xf32, #tpu.memory_space<hbm>> -> memref<1024xf32, #tpu.memory_space<hbm>>
      %dma_start3A_429 = arith.constant 13312 : i32
      %dma_start3A_430 = tpu.memref_slice %arg9[%dma_start3A_429] : memref<21504xf32, #tpu.memory_space<vmem>> -> memref<1024xf32, #tpu.memory_space<vmem>>
      tpu.enqueue_dma source(%dma_start3A_430 : memref<1024xf32, #tpu.memory_space<vmem>>) target(%dma_start3A_428 : memref<1024xf32, #tpu.memory_space<hbm>>) target_semaphore(%arg11 : memref<!tpu.dma_semaphore, #tpu.memory_space<semaphore_mem>>)
      %mul3A_431 = arith.constant 1024 : i32
      %mul3A_432 = arith.muli %add3A_290, %mul3A_431 : i32
      %add3A_433 = arith.constant 45875200 : i32
      %add3A_434 = arith.addi %add3A_433, %mul3A_432 : i32
      %dma_start3A_435 = arith.constant 14336 : i32
      %dma_start3A_436 = tpu.memref_slice %arg9[%dma_start3A_435] : memref<21504xf32, #tpu.memory_space<vmem>> -> memref<1024xf32, #tpu.memory_space<vmem>>
      %dma_start3A_437 = tpu.memref_slice %arg4[%add3A_434] : memref<68812800xf32, #tpu.memory_space<hbm>> -> memref<1024xf32, #tpu.memory_space<hbm>>
      %dma_start3A_438 = tpu.memref_slice %arg4[%add3A_434] : memref<68812800xf32, #tpu.memory_space<hbm>> -> memref<1024xf32, #tpu.memory_space<hbm>>
      %dma_start3A_439 = arith.constant 14336 : i32
      %dma_start3A_440 = tpu.memref_slice %arg9[%dma_start3A_439] : memref<21504xf32, #tpu.memory_space<vmem>> -> memref<1024xf32, #tpu.memory_space<vmem>>
      tpu.enqueue_dma source(%dma_start3A_440 : memref<1024xf32, #tpu.memory_space<vmem>>) target(%dma_start3A_438 : memref<1024xf32, #tpu.memory_space<hbm>>) target_semaphore(%arg11 : memref<!tpu.dma_semaphore, #tpu.memory_space<semaphore_mem>>)
      %mul3A_441 = arith.constant 1024 : i32
      %mul3A_442 = arith.muli %add3A_290, %mul3A_441 : i32
      %add3A_443 = arith.constant 49152000 : i32
      %add3A_444 = arith.addi %add3A_443, %mul3A_442 : i32
      %dma_start3A_445 = arith.constant 15360 : i32
      %dma_start3A_446 = tpu.memref_slice %arg9[%dma_start3A_445] : memref<21504xf32, #tpu.memory_space<vmem>> -> memref<1024xf32, #tpu.memory_space<vmem>>
      %dma_start3A_447 = tpu.memref_slice %arg4[%add3A_444] : memref<68812800xf32, #tpu.memory_space<hbm>> -> memref<1024xf32, #tpu.memory_space<hbm>>
      %dma_start3A_448 = tpu.memref_slice %arg4[%add3A_444] : memref<68812800xf32, #tpu.memory_space<hbm>> -> memref<1024xf32, #tpu.memory_space<hbm>>
      %dma_start3A_449 = arith.constant 15360 : i32
      %dma_start3A_450 = tpu.memref_slice %arg9[%dma_start3A_449] : memref<21504xf32, #tpu.memory_space<vmem>> -> memref<1024xf32, #tpu.memory_space<vmem>>
      tpu.enqueue_dma source(%dma_start3A_450 : memref<1024xf32, #tpu.memory_space<vmem>>) target(%dma_start3A_448 : memref<1024xf32, #tpu.memory_space<hbm>>) target_semaphore(%arg11 : memref<!tpu.dma_semaphore, #tpu.memory_space<semaphore_mem>>)
      %mul3A_451 = arith.constant 1024 : i32
      %mul3A_452 = arith.muli %add3A_290, %mul3A_451 : i32
      %add3A_453 = arith.constant 52428800 : i32
      %add3A_454 = arith.addi %add3A_453, %mul3A_452 : i32
      %dma_start3A_455 = arith.constant 16384 : i32
      %dma_start3A_456 = tpu.memref_slice %arg9[%dma_start3A_455] : memref<21504xf32, #tpu.memory_space<vmem>> -> memref<1024xf32, #tpu.memory_space<vmem>>
      %dma_start3A_457 = tpu.memref_slice %arg4[%add3A_454] : memref<68812800xf32, #tpu.memory_space<hbm>> -> memref<1024xf32, #tpu.memory_space<hbm>>
      %dma_start3A_458 = tpu.memref_slice %arg4[%add3A_454] : memref<68812800xf32, #tpu.memory_space<hbm>> -> memref<1024xf32, #tpu.memory_space<hbm>>
      %dma_start3A_459 = arith.constant 16384 : i32
      %dma_start3A_460 = tpu.memref_slice %arg9[%dma_start3A_459] : memref<21504xf32, #tpu.memory_space<vmem>> -> memref<1024xf32, #tpu.memory_space<vmem>>
      tpu.enqueue_dma source(%dma_start3A_460 : memref<1024xf32, #tpu.memory_space<vmem>>) target(%dma_start3A_458 : memref<1024xf32, #tpu.memory_space<hbm>>) target_semaphore(%arg11 : memref<!tpu.dma_semaphore, #tpu.memory_space<semaphore_mem>>)
      %mul3A_461 = arith.constant 1024 : i32
      %mul3A_462 = arith.muli %add3A_290, %mul3A_461 : i32
      %add3A_463 = arith.constant 55705600 : i32
      %add3A_464 = arith.addi %add3A_463, %mul3A_462 : i32
      %dma_start3A_465 = arith.constant 17408 : i32
      %dma_start3A_466 = tpu.memref_slice %arg9[%dma_start3A_465] : memref<21504xf32, #tpu.memory_space<vmem>> -> memref<1024xf32, #tpu.memory_space<vmem>>
      %dma_start3A_467 = tpu.memref_slice %arg4[%add3A_464] : memref<68812800xf32, #tpu.memory_space<hbm>> -> memref<1024xf32, #tpu.memory_space<hbm>>
      %dma_start3A_468 = tpu.memref_slice %arg4[%add3A_464] : memref<68812800xf32, #tpu.memory_space<hbm>> -> memref<1024xf32, #tpu.memory_space<hbm>>
      %dma_start3A_469 = arith.constant 17408 : i32
      %dma_start3A_470 = tpu.memref_slice %arg9[%dma_start3A_469] : memref<21504xf32, #tpu.memory_space<vmem>> -> memref<1024xf32, #tpu.memory_space<vmem>>
      tpu.enqueue_dma source(%dma_start3A_470 : memref<1024xf32, #tpu.memory_space<vmem>>) target(%dma_start3A_468 : memref<1024xf32, #tpu.memory_space<hbm>>) target_semaphore(%arg11 : memref<!tpu.dma_semaphore, #tpu.memory_space<semaphore_mem>>)
      %mul3A_471 = arith.constant 1024 : i32
      %mul3A_472 = arith.muli %add3A_290, %mul3A_471 : i32
      %add3A_473 = arith.constant 58982400 : i32
      %add3A_474 = arith.addi %add3A_473, %mul3A_472 : i32
      %dma_start3A_475 = arith.constant 18432 : i32
      %dma_start3A_476 = tpu.memref_slice %arg9[%dma_start3A_475] : memref<21504xf32, #tpu.memory_space<vmem>> -> memref<1024xf32, #tpu.memory_space<vmem>>
      %dma_start3A_477 = tpu.memref_slice %arg4[%add3A_474] : memref<68812800xf32, #tpu.memory_space<hbm>> -> memref<1024xf32, #tpu.memory_space<hbm>>
      %dma_start3A_478 = tpu.memref_slice %arg4[%add3A_474] : memref<68812800xf32, #tpu.memory_space<hbm>> -> memref<1024xf32, #tpu.memory_space<hbm>>
      %dma_start3A_479 = arith.constant 18432 : i32
      %dma_start3A_480 = tpu.memref_slice %arg9[%dma_start3A_479] : memref<21504xf32, #tpu.memory_space<vmem>> -> memref<1024xf32, #tpu.memory_space<vmem>>
      tpu.enqueue_dma source(%dma_start3A_480 : memref<1024xf32, #tpu.memory_space<vmem>>) target(%dma_start3A_478 : memref<1024xf32, #tpu.memory_space<hbm>>) target_semaphore(%arg11 : memref<!tpu.dma_semaphore, #tpu.memory_space<semaphore_mem>>)
      %mul3A_481 = arith.constant 1024 : i32
      %mul3A_482 = arith.muli %add3A_290, %mul3A_481 : i32
      %add3A_483 = arith.constant 62259200 : i32
      %add3A_484 = arith.addi %add3A_483, %mul3A_482 : i32
      %dma_start3A_485 = arith.constant 19456 : i32
      %dma_start3A_486 = tpu.memref_slice %arg9[%dma_start3A_485] : memref<21504xf32, #tpu.memory_space<vmem>> -> memref<1024xf32, #tpu.memory_space<vmem>>
      %dma_start3A_487 = tpu.memref_slice %arg4[%add3A_484] : memref<68812800xf32, #tpu.memory_space<hbm>> -> memref<1024xf32, #tpu.memory_space<hbm>>
      %dma_start3A_488 = tpu.memref_slice %arg4[%add3A_484] : memref<68812800xf32, #tpu.memory_space<hbm>> -> memref<1024xf32, #tpu.memory_space<hbm>>
      %dma_start3A_489 = arith.constant 19456 : i32
      %dma_start3A_490 = tpu.memref_slice %arg9[%dma_start3A_489] : memref<21504xf32, #tpu.memory_space<vmem>> -> memref<1024xf32, #tpu.memory_space<vmem>>
      tpu.enqueue_dma source(%dma_start3A_490 : memref<1024xf32, #tpu.memory_space<vmem>>) target(%dma_start3A_488 : memref<1024xf32, #tpu.memory_space<hbm>>) target_semaphore(%arg11 : memref<!tpu.dma_semaphore, #tpu.memory_space<semaphore_mem>>)
      %mul3A_491 = arith.constant 1024 : i32
      %mul3A_492 = arith.muli %add3A_290, %mul3A_491 : i32
      %add3A_493 = arith.constant 65536000 : i32
      %add3A_494 = arith.addi %add3A_493, %mul3A_492 : i32
      %dma_start3A_495 = arith.constant 20480 : i32
      %dma_start3A_496 = tpu.memref_slice %arg9[%dma_start3A_495] : memref<21504xf32, #tpu.memory_space<vmem>> -> memref<1024xf32, #tpu.memory_space<vmem>>
      %dma_start3A_497 = tpu.memref_slice %arg4[%add3A_494] : memref<68812800xf32, #tpu.memory_space<hbm>> -> memref<1024xf32, #tpu.memory_space<hbm>>
      %dma_start3A_498 = tpu.memref_slice %arg4[%add3A_494] : memref<68812800xf32, #tpu.memory_space<hbm>> -> memref<1024xf32, #tpu.memory_space<hbm>>
      %dma_start3A_499 = arith.constant 20480 : i32
      %dma_start3A_500 = tpu.memref_slice %arg9[%dma_start3A_499] : memref<21504xf32, #tpu.memory_space<vmem>> -> memref<1024xf32, #tpu.memory_space<vmem>>
      tpu.enqueue_dma source(%dma_start3A_500 : memref<1024xf32, #tpu.memory_space<vmem>>) target(%dma_start3A_498 : memref<1024xf32, #tpu.memory_space<hbm>>) target_semaphore(%arg11 : memref<!tpu.dma_semaphore, #tpu.memory_space<semaphore_mem>>)
    }
    %scan3A_24 = arith.constant 25 : i32
    %add3A_25 = arith.constant 2 : i32
    %add3A_26 = arith.addi %mul3A_2, %add3A_25 : i32
    %add3A_27 = arith.constant 0 : i32
    %add3A_28 = arith.addi %add3A_26, %add3A_27 : i32
    %mul3A_29 = arith.constant 128 : i32
    %mul3A_30 = arith.muli %add3A_28, %mul3A_29 : i32
    %mul3A_31 = arith.constant 200 : i32
    %mul3A_32 = arith.muli %mul3A_30, %mul3A_31 : i32
    "tpu.region"() ({
      %run_scoped3A = tpu.sem_alloc : memref<!tpu.dma_semaphore, #tpu.memory_space<semaphore_mem>>
      %dma_start3A = tpu.memref_slice %arg2[%mul3A_32] : memref<3276800xi32, #tpu.memory_space<hbm>> -> memref<25600xi32, #tpu.memory_space<hbm>>
      %dma_start3A_52 = tpu.memref_slice %arg2[%mul3A_32] : memref<3276800xi32, #tpu.memory_space<hbm>> -> memref<25600xi32, #tpu.memory_space<hbm>>
      tpu.enqueue_dma source(%dma_start3A_52 : memref<25600xi32, #tpu.memory_space<hbm>>) target(%arg6 : memref<25600xi32, #tpu.memory_space<vmem>>) target_semaphore(%run_scoped3A : memref<!tpu.dma_semaphore, #tpu.memory_space<semaphore_mem>>)
      %dma_wait3A_53 = tpu.memref_slice %arg2[%mul3A_32] : memref<3276800xi32, #tpu.memory_space<hbm>> -> memref<25600xi32, #tpu.memory_space<hbm>>
      %dma_wait3A_54 = tpu.memref_slice %arg2[%mul3A_32] : memref<3276800xi32, #tpu.memory_space<hbm>> -> memref<25600xi32, #tpu.memory_space<hbm>>
      tpu.wait_dma2 semaphore(%run_scoped3A : memref<!tpu.dma_semaphore, #tpu.memory_space<semaphore_mem>>) src(%dma_wait3A_54 : memref<25600xi32, #tpu.memory_space<hbm>>) dst(%arg6 : memref<25600xi32, #tpu.memory_space<vmem>>)
      tpu.yield
    }) : () -> ()
    %add3A_33 = arith.constant 1 : i32
    %add3A_34 = arith.addi %add3A_26, %add3A_33 : i32
    %mul3A_35 = arith.constant 128 : i32
    %mul3A_36 = arith.muli %add3A_34, %mul3A_35 : i32
    %mul3A_37 = arith.constant 200 : i32
    %mul3A_38 = arith.muli %mul3A_36, %mul3A_37 : i32
    "tpu.region"() ({
      %run_scoped3A = tpu.sem_alloc : memref<!tpu.dma_semaphore, #tpu.memory_space<semaphore_mem>>
      %dma_start3A = tpu.memref_slice %arg2[%mul3A_38] : memref<3276800xi32, #tpu.memory_space<hbm>> -> memref<25600xi32, #tpu.memory_space<hbm>>
      %dma_start3A_52 = tpu.memref_slice %arg2[%mul3A_38] : memref<3276800xi32, #tpu.memory_space<hbm>> -> memref<25600xi32, #tpu.memory_space<hbm>>
      tpu.enqueue_dma source(%dma_start3A_52 : memref<25600xi32, #tpu.memory_space<hbm>>) target(%arg7 : memref<25600xi32, #tpu.memory_space<vmem>>) target_semaphore(%run_scoped3A : memref<!tpu.dma_semaphore, #tpu.memory_space<semaphore_mem>>)
      %dma_wait3A_53 = tpu.memref_slice %arg2[%mul3A_38] : memref<3276800xi32, #tpu.memory_space<hbm>> -> memref<25600xi32, #tpu.memory_space<hbm>>
      %dma_wait3A_54 = tpu.memref_slice %arg2[%mul3A_38] : memref<3276800xi32, #tpu.memory_space<hbm>> -> memref<25600xi32, #tpu.memory_space<hbm>>
      tpu.wait_dma2 semaphore(%run_scoped3A : memref<!tpu.dma_semaphore, #tpu.memory_space<semaphore_mem>>) src(%dma_wait3A_54 : memref<25600xi32, #tpu.memory_space<hbm>>) dst(%arg7 : memref<25600xi32, #tpu.memory_space<vmem>>)
      tpu.yield
    }) : () -> ()
    %scan3A_39 = arith.constant 0 : i32
    %scan3A_40 = arith.constant 0 : i32
    %scan3A_41 = arith.constant 25 : i32
    %scan3A_42 = arith.addi %scan3A_40, %scan3A_41 : i32
    %scan3A_43 = arith.constant 1 : i32
    scf.for %scan3A_52 = %scan3A_40 to %scan3A_42 step %scan3A_43  : i32 {
      %ge3A = arith.constant 1 : i32
      %ge3A_53 = arith.cmpi sge, %scan3A_52, %ge3A : i32
      %or3A = arith.constant true
      %or3A_54 = arith.ori %ge3A_53, %or3A : i1
      %convert_element_type3A = arith.extui %or3A_54 : i1 to i32
      %cond3A = arith.constant 0 : i32
      %cond3A_55 = arith.cmpi ne, %convert_element_type3A, %cond3A : i32
      scf.if %cond3A_55 {
        %dma_wait3A_501 = arith.constant 0 : i32
        %dma_wait3A_502 = tpu.memref_slice %arg4[%dma_wait3A_501] : memref<68812800xf32, #tpu.memory_space<hbm>> -> memref<21504xf32, #tpu.memory_space<hbm>>
        %dma_wait3A_503 = arith.constant 0 : i32
        %dma_wait3A_504 = tpu.memref_slice %arg4[%dma_wait3A_503] : memref<68812800xf32, #tpu.memory_space<hbm>> -> memref<21504xf32, #tpu.memory_space<hbm>>
        tpu.wait_dma2 semaphore(%arg10 : memref<!tpu.dma_semaphore, #tpu.memory_space<semaphore_mem>>) src(%dma_wait3A_504 : memref<21504xf32, #tpu.memory_space<hbm>>) dst(%arg8 : memref<21504xf32, #tpu.memory_space<vmem>>)
      } else {
      }
      %parallel_loop3A = arith.constant 0 : i32
      %parallel_loop3A_56 = arith.constant 64 : i32
      %parallel_loop3A_57 = arith.constant 1 : i32
      %parallel_loop3A_58 = arith.constant 0 : i32
      %parallel_loop3A_59 = scf.for %parallel_loop3A_501 = %parallel_loop3A to %parallel_loop3A_56 step %parallel_loop3A_57 iter_args(%parallel_loop3A_502 = %parallel_loop3A_58) -> (i32)  : i32 {
        %parallel_loop3A_503 = arith.constant 8 : i32
        %parallel_loop3A_504 = arith.divsi %parallel_loop3A_501, %parallel_loop3A_503 : i32
        %parallel_loop3A_505 = arith.constant 0 : i32
        %parallel_loop3A_506 = arith.cmpi sgt, %parallel_loop3A_501, %parallel_loop3A_505 : i32
        %parallel_loop3A_507 = arith.extui %parallel_loop3A_506 : i1 to i32
        %parallel_loop3A_508 = arith.constant 0 : i32
        %parallel_loop3A_509 = arith.cmpi slt, %parallel_loop3A_501, %parallel_loop3A_508 : i32
        %parallel_loop3A_510 = arith.extui %parallel_loop3A_509 : i1 to i32
        %parallel_loop3A_511 = arith.subi %parallel_loop3A_507, %parallel_loop3A_510 : i32
        %parallel_loop3A_512 = arith.constant 0 : i32
        %parallel_loop3A_513 = arith.cmpi sgt, %parallel_loop3A_503, %parallel_loop3A_512 : i32
        %parallel_loop3A_514 = arith.extui %parallel_loop3A_513 : i1 to i32
        %parallel_loop3A_515 = arith.constant 0 : i32
        %parallel_loop3A_516 = arith.cmpi slt, %parallel_loop3A_503, %parallel_loop3A_515 : i32
        %parallel_loop3A_517 = arith.extui %parallel_loop3A_516 : i1 to i32
        %parallel_loop3A_518 = arith.subi %parallel_loop3A_514, %parallel_loop3A_517 : i32
        %parallel_loop3A_519 = arith.cmpi ne, %parallel_loop3A_511, %parallel_loop3A_518 : i32
        %parallel_loop3A_520 = arith.remsi %parallel_loop3A_501, %parallel_loop3A_503 : i32
        %parallel_loop3A_521 = arith.constant 0 : i32
        %parallel_loop3A_522 = arith.cmpi ne, %parallel_loop3A_520, %parallel_loop3A_521 : i32
        %parallel_loop3A_523 = arith.andi %parallel_loop3A_519, %parallel_loop3A_522 : i1
        %parallel_loop3A_524 = arith.constant 1 : i32
        %parallel_loop3A_525 = arith.subi %parallel_loop3A_504, %parallel_loop3A_524 : i32
        %parallel_loop3A_526 = arith.select %parallel_loop3A_523, %parallel_loop3A_525, %parallel_loop3A_504 : i32
        %parallel_loop3A_527 = arith.constant 8 : i32
        %parallel_loop3A_528 = arith.constant 0 : i32
        %parallel_loop3A_529 = arith.cmpi eq, %parallel_loop3A_527, %parallel_loop3A_528 : i32
        %parallel_loop3A_530 = arith.constant 1 : i32
        %parallel_loop3A_531 = arith.select %parallel_loop3A_529, %parallel_loop3A_530, %parallel_loop3A_527 : i32
        %parallel_loop3A_532 = arith.remsi %parallel_loop3A_501, %parallel_loop3A_531 : i32
        %parallel_loop3A_533 = arith.constant 0 : i32
        %parallel_loop3A_534 = arith.cmpi ne, %parallel_loop3A_532, %parallel_loop3A_533 : i32
        %parallel_loop3A_535 = arith.constant 0 : i32
        %parallel_loop3A_536 = arith.cmpi slt, %parallel_loop3A_532, %parallel_loop3A_535 : i32
        %parallel_loop3A_537 = arith.constant 0 : i32
        %parallel_loop3A_538 = arith.cmpi slt, %parallel_loop3A_531, %parallel_loop3A_537 : i32
        %parallel_loop3A_539 = arith.xori %parallel_loop3A_536, %parallel_loop3A_538 : i1
        %parallel_loop3A_540 = arith.andi %parallel_loop3A_539, %parallel_loop3A_534 : i1
        %parallel_loop3A_541 = arith.addi %parallel_loop3A_532, %parallel_loop3A_531 : i32
        %parallel_loop3A_542 = arith.select %parallel_loop3A_540, %parallel_loop3A_541, %parallel_loop3A_532 : i32
        %parallel_loop3A_543 = arith.constant 8 : i32
        %parallel_loop3A_544 = arith.muli %scan3A_52, %parallel_loop3A_543 : i32
        %parallel_loop3A_545 = arith.constant 3200 : i32
        %parallel_loop3A_546 = arith.muli %parallel_loop3A_542, %parallel_loop3A_545 : i32
        %parallel_loop3A_547 = arith.addi %parallel_loop3A_546, %parallel_loop3A_526 : i32
        %parallel_loop3A_548 = arith.addi %parallel_loop3A_544, %parallel_loop3A_547 : i32
        %parallel_loop3A_549 = vector.broadcast %parallel_loop3A_548 : i32 to vector<16xi32>
        %parallel_loop3A_550 = arith.addi %mul3A_5, %parallel_loop3A_549 : vector<16xi32>
        %parallel_loop3A_551 = tpu.vector_load_idx %arg6[%parallel_loop3A_550] : memref<25600xi32, #tpu.memory_space<vmem>>[vector<16xi32>], vector<16xi32>,
        %parallel_loop3A_552 = arith.constant 21 : i32
        %parallel_loop3A_553 = vector.broadcast %parallel_loop3A_552 : i32 to vector<16xi32>
        %parallel_loop3A_554 = arith.muli %parallel_loop3A_551, %parallel_loop3A_553 : vector<16xi32>
        %parallel_loop3A_555 = arith.constant 0 : i32
        %parallel_loop3A_556 = vector.broadcast %parallel_loop3A_555 : i32 to vector<16xi32>
        %parallel_loop3A_557 = arith.addi %parallel_loop3A_554, %parallel_loop3A_556 : vector<16xi32>
        %parallel_loop3A_558 = tpu.vector_load_idx %arg5[%parallel_loop3A_557] : memref<440xf32, #tpu.memory_space<vmem>>[vector<16xi32>], vector<16xf32>,
        %parallel_loop3A_559 = arith.constant 1 : i32
        %parallel_loop3A_560 = vector.broadcast %parallel_loop3A_559 : i32 to vector<16xi32>
        %parallel_loop3A_561 = arith.addi %parallel_loop3A_554, %parallel_loop3A_560 : vector<16xi32>
        %parallel_loop3A_562 = tpu.vector_load_idx %arg5[%parallel_loop3A_561] : memref<440xf32, #tpu.memory_space<vmem>>[vector<16xi32>], vector<16xf32>,
        %parallel_loop3A_563 = arith.constant 2 : i32
        %parallel_loop3A_564 = vector.broadcast %parallel_loop3A_563 : i32 to vector<16xi32>
        %parallel_loop3A_565 = arith.addi %parallel_loop3A_554, %parallel_loop3A_564 : vector<16xi32>
        %parallel_loop3A_566 = tpu.vector_load_idx %arg5[%parallel_loop3A_565] : memref<440xf32, #tpu.memory_space<vmem>>[vector<16xi32>], vector<16xf32>,
        %parallel_loop3A_567 = arith.constant 3 : i32
        %parallel_loop3A_568 = vector.broadcast %parallel_loop3A_567 : i32 to vector<16xi32>
        %parallel_loop3A_569 = arith.addi %parallel_loop3A_554, %parallel_loop3A_568 : vector<16xi32>
        %parallel_loop3A_570 = tpu.vector_load_idx %arg5[%parallel_loop3A_569] : memref<440xf32, #tpu.memory_space<vmem>>[vector<16xi32>], vector<16xf32>,
        %parallel_loop3A_571 = arith.constant 4 : i32
        %parallel_loop3A_572 = vector.broadcast %parallel_loop3A_571 : i32 to vector<16xi32>
        %parallel_loop3A_573 = arith.addi %parallel_loop3A_554, %parallel_loop3A_572 : vector<16xi32>
        %parallel_loop3A_574 = tpu.vector_load_idx %arg5[%parallel_loop3A_573] : memref<440xf32, #tpu.memory_space<vmem>>[vector<16xi32>], vector<16xf32>,
        %parallel_loop3A_575 = arith.constant 5 : i32
        %parallel_loop3A_576 = vector.broadcast %parallel_loop3A_575 : i32 to vector<16xi32>
        %parallel_loop3A_577 = arith.addi %parallel_loop3A_554, %parallel_loop3A_576 : vector<16xi32>
        %parallel_loop3A_578 = tpu.vector_load_idx %arg5[%parallel_loop3A_577] : memref<440xf32, #tpu.memory_space<vmem>>[vector<16xi32>], vector<16xf32>,
        %parallel_loop3A_579 = arith.constant 6 : i32
        %parallel_loop3A_580 = vector.broadcast %parallel_loop3A_579 : i32 to vector<16xi32>
        %parallel_loop3A_581 = arith.addi %parallel_loop3A_554, %parallel_loop3A_580 : vector<16xi32>
        %parallel_loop3A_582 = tpu.vector_load_idx %arg5[%parallel_loop3A_581] : memref<440xf32, #tpu.memory_space<vmem>>[vector<16xi32>], vector<16xf32>,
        %parallel_loop3A_583 = arith.constant 7 : i32
        %parallel_loop3A_584 = vector.broadcast %parallel_loop3A_583 : i32 to vector<16xi32>
        %parallel_loop3A_585 = arith.addi %parallel_loop3A_554, %parallel_loop3A_584 : vector<16xi32>
        %parallel_loop3A_586 = tpu.vector_load_idx %arg5[%parallel_loop3A_585] : memref<440xf32, #tpu.memory_space<vmem>>[vector<16xi32>], vector<16xf32>,
        %parallel_loop3A_587 = arith.constant 8 : i32
        %parallel_loop3A_588 = vector.broadcast %parallel_loop3A_587 : i32 to vector<16xi32>
        %parallel_loop3A_589 = arith.addi %parallel_loop3A_554, %parallel_loop3A_588 : vector<16xi32>
        %parallel_loop3A_590 = tpu.vector_load_idx %arg5[%parallel_loop3A_589] : memref<440xf32, #tpu.memory_space<vmem>>[vector<16xi32>], vector<16xf32>,
        %parallel_loop3A_591 = arith.constant 9 : i32
        %parallel_loop3A_592 = vector.broadcast %parallel_loop3A_591 : i32 to vector<16xi32>
        %parallel_loop3A_593 = arith.addi %parallel_loop3A_554, %parallel_loop3A_592 : vector<16xi32>
        %parallel_loop3A_594 = tpu.vector_load_idx %arg5[%parallel_loop3A_593] : memref<440xf32, #tpu.memory_space<vmem>>[vector<16xi32>], vector<16xf32>,
        %parallel_loop3A_595 = arith.constant 10 : i32
        %parallel_loop3A_596 = vector.broadcast %parallel_loop3A_595 : i32 to vector<16xi32>
        %parallel_loop3A_597 = arith.addi %parallel_loop3A_554, %parallel_loop3A_596 : vector<16xi32>
        %parallel_loop3A_598 = tpu.vector_load_idx %arg5[%parallel_loop3A_597] : memref<440xf32, #tpu.memory_space<vmem>>[vector<16xi32>], vector<16xf32>,
        %parallel_loop3A_599 = arith.constant 11 : i32
        %parallel_loop3A_600 = vector.broadcast %parallel_loop3A_599 : i32 to vector<16xi32>
        %parallel_loop3A_601 = arith.addi %parallel_loop3A_554, %parallel_loop3A_600 : vector<16xi32>
        %parallel_loop3A_602 = tpu.vector_load_idx %arg5[%parallel_loop3A_601] : memref<440xf32, #tpu.memory_space<vmem>>[vector<16xi32>], vector<16xf32>,
        %parallel_loop3A_603 = arith.constant 12 : i32
        %parallel_loop3A_604 = vector.broadcast %parallel_loop3A_603 : i32 to vector<16xi32>
        %parallel_loop3A_605 = arith.addi %parallel_loop3A_554, %parallel_loop3A_604 : vector<16xi32>
        %parallel_loop3A_606 = tpu.vector_load_idx %arg5[%parallel_loop3A_605] : memref<440xf32, #tpu.memory_space<vmem>>[vector<16xi32>], vector<16xf32>,
        %parallel_loop3A_607 = arith.constant 13 : i32
        %parallel_loop3A_608 = vector.broadcast %parallel_loop3A_607 : i32 to vector<16xi32>
        %parallel_loop3A_609 = arith.addi %parallel_loop3A_554, %parallel_loop3A_608 : vector<16xi32>
        %parallel_loop3A_610 = tpu.vector_load_idx %arg5[%parallel_loop3A_609] : memref<440xf32, #tpu.memory_space<vmem>>[vector<16xi32>], vector<16xf32>,
        %parallel_loop3A_611 = arith.constant 14 : i32
        %parallel_loop3A_612 = vector.broadcast %parallel_loop3A_611 : i32 to vector<16xi32>
        %parallel_loop3A_613 = arith.addi %parallel_loop3A_554, %parallel_loop3A_612 : vector<16xi32>
        %parallel_loop3A_614 = tpu.vector_load_idx %arg5[%parallel_loop3A_613] : memref<440xf32, #tpu.memory_space<vmem>>[vector<16xi32>], vector<16xf32>,
        %parallel_loop3A_615 = arith.constant 15 : i32
        %parallel_loop3A_616 = vector.broadcast %parallel_loop3A_615 : i32 to vector<16xi32>
        %parallel_loop3A_617 = arith.addi %parallel_loop3A_554, %parallel_loop3A_616 : vector<16xi32>
        %parallel_loop3A_618 = tpu.vector_load_idx %arg5[%parallel_loop3A_617] : memref<440xf32, #tpu.memory_space<vmem>>[vector<16xi32>], vector<16xf32>,
        %parallel_loop3A_619 = arith.constant 16 : i32
        %parallel_loop3A_620 = vector.broadcast %parallel_loop3A_619 : i32 to vector<16xi32>
        %parallel_loop3A_621 = arith.addi %parallel_loop3A_554, %parallel_loop3A_620 : vector<16xi32>
        %parallel_loop3A_622 = tpu.vector_load_idx %arg5[%parallel_loop3A_621] : memref<440xf32, #tpu.memory_space<vmem>>[vector<16xi32>], vector<16xf32>,
        %parallel_loop3A_623 = arith.constant 17 : i32
        %parallel_loop3A_624 = vector.broadcast %parallel_loop3A_623 : i32 to vector<16xi32>
        %parallel_loop3A_625 = arith.addi %parallel_loop3A_554, %parallel_loop3A_624 : vector<16xi32>
        %parallel_loop3A_626 = tpu.vector_load_idx %arg5[%parallel_loop3A_625] : memref<440xf32, #tpu.memory_space<vmem>>[vector<16xi32>], vector<16xf32>,
        %parallel_loop3A_627 = arith.constant 18 : i32
        %parallel_loop3A_628 = vector.broadcast %parallel_loop3A_627 : i32 to vector<16xi32>
        %parallel_loop3A_629 = arith.addi %parallel_loop3A_554, %parallel_loop3A_628 : vector<16xi32>
        %parallel_loop3A_630 = tpu.vector_load_idx %arg5[%parallel_loop3A_629] : memref<440xf32, #tpu.memory_space<vmem>>[vector<16xi32>], vector<16xf32>,
        %parallel_loop3A_631 = arith.constant 19 : i32
        %parallel_loop3A_632 = vector.broadcast %parallel_loop3A_631 : i32 to vector<16xi32>
        %parallel_loop3A_633 = arith.addi %parallel_loop3A_554, %parallel_loop3A_632 : vector<16xi32>
        %parallel_loop3A_634 = tpu.vector_load_idx %arg5[%parallel_loop3A_633] : memref<440xf32, #tpu.memory_space<vmem>>[vector<16xi32>], vector<16xf32>,
        %parallel_loop3A_635 = arith.constant 20 : i32
        %parallel_loop3A_636 = vector.broadcast %parallel_loop3A_635 : i32 to vector<16xi32>
        %parallel_loop3A_637 = arith.addi %parallel_loop3A_554, %parallel_loop3A_636 : vector<16xi32>
        %parallel_loop3A_638 = tpu.vector_load_idx %arg5[%parallel_loop3A_637] : memref<440xf32, #tpu.memory_space<vmem>>[vector<16xi32>], vector<16xf32>,
        %parallel_loop3A_639 = arith.constant 16 : i32
        %parallel_loop3A_640 = arith.muli %parallel_loop3A_501, %parallel_loop3A_639 : i32
        %parallel_loop3A_641 = arith.constant 0 : i32
        %parallel_loop3A_642 = arith.addi %parallel_loop3A_641, %parallel_loop3A_640 : i32
        %parallel_loop3A_643 = arith.index_cast %parallel_loop3A_642 : i32 to index
        %parallel_loop3A_644 = tpu.vector_load %arg8[%parallel_loop3A_643] {strides = array<i32>} : memref<21504xf32, #tpu.memory_space<vmem>>, vector<16xf32>,
        tpu.vector_store %arg8[%parallel_loop3A_643], %parallel_loop3A_558 {strides = array<i32>} : memref<21504xf32, #tpu.memory_space<vmem>>, vector<16xf32>,
        %parallel_loop3A_645 = arith.constant 16 : i32
        %parallel_loop3A_646 = arith.muli %parallel_loop3A_501, %parallel_loop3A_645 : i32
        %parallel_loop3A_647 = arith.constant 1024 : i32
        %parallel_loop3A_648 = arith.addi %parallel_loop3A_647, %parallel_loop3A_646 : i32
        %parallel_loop3A_649 = arith.index_cast %parallel_loop3A_648 : i32 to index
        %parallel_loop3A_650 = tpu.vector_load %arg8[%parallel_loop3A_649] {strides = array<i32>} : memref<21504xf32, #tpu.memory_space<vmem>>, vector<16xf32>,
        tpu.vector_store %arg8[%parallel_loop3A_649], %parallel_loop3A_562 {strides = array<i32>} : memref<21504xf32, #tpu.memory_space<vmem>>, vector<16xf32>,
        %parallel_loop3A_651 = arith.constant 16 : i32
        %parallel_loop3A_652 = arith.muli %parallel_loop3A_501, %parallel_loop3A_651 : i32
        %parallel_loop3A_653 = arith.constant 2048 : i32
        %parallel_loop3A_654 = arith.addi %parallel_loop3A_653, %parallel_loop3A_652 : i32
        %parallel_loop3A_655 = arith.index_cast %parallel_loop3A_654 : i32 to index
        %parallel_loop3A_656 = tpu.vector_load %arg8[%parallel_loop3A_655] {strides = array<i32>} : memref<21504xf32, #tpu.memory_space<vmem>>, vector<16xf32>,
        tpu.vector_store %arg8[%parallel_loop3A_655], %parallel_loop3A_566 {strides = array<i32>} : memref<21504xf32, #tpu.memory_space<vmem>>, vector<16xf32>,
        %parallel_loop3A_657 = arith.constant 16 : i32
        %parallel_loop3A_658 = arith.muli %parallel_loop3A_501, %parallel_loop3A_657 : i32
        %parallel_loop3A_659 = arith.constant 3072 : i32
        %parallel_loop3A_660 = arith.addi %parallel_loop3A_659, %parallel_loop3A_658 : i32
        %parallel_loop3A_661 = arith.index_cast %parallel_loop3A_660 : i32 to index
        %parallel_loop3A_662 = tpu.vector_load %arg8[%parallel_loop3A_661] {strides = array<i32>} : memref<21504xf32, #tpu.memory_space<vmem>>, vector<16xf32>,
        tpu.vector_store %arg8[%parallel_loop3A_661], %parallel_loop3A_570 {strides = array<i32>} : memref<21504xf32, #tpu.memory_space<vmem>>, vector<16xf32>,
        %parallel_loop3A_663 = arith.constant 16 : i32
        %parallel_loop3A_664 = arith.muli %parallel_loop3A_501, %parallel_loop3A_663 : i32
        %parallel_loop3A_665 = arith.constant 4096 : i32
        %parallel_loop3A_666 = arith.addi %parallel_loop3A_665, %parallel_loop3A_664 : i32
        %parallel_loop3A_667 = arith.index_cast %parallel_loop3A_666 : i32 to index
        %parallel_loop3A_668 = tpu.vector_load %arg8[%parallel_loop3A_667] {strides = array<i32>} : memref<21504xf32, #tpu.memory_space<vmem>>, vector<16xf32>,
        tpu.vector_store %arg8[%parallel_loop3A_667], %parallel_loop3A_574 {strides = array<i32>} : memref<21504xf32, #tpu.memory_space<vmem>>, vector<16xf32>,
        %parallel_loop3A_669 = arith.constant 16 : i32
        %parallel_loop3A_670 = arith.muli %parallel_loop3A_501, %parallel_loop3A_669 : i32
        %parallel_loop3A_671 = arith.constant 5120 : i32
        %parallel_loop3A_672 = arith.addi %parallel_loop3A_671, %parallel_loop3A_670 : i32
        %parallel_loop3A_673 = arith.index_cast %parallel_loop3A_672 : i32 to index
        %parallel_loop3A_674 = tpu.vector_load %arg8[%parallel_loop3A_673] {strides = array<i32>} : memref<21504xf32, #tpu.memory_space<vmem>>, vector<16xf32>,
        tpu.vector_store %arg8[%parallel_loop3A_673], %parallel_loop3A_578 {strides = array<i32>} : memref<21504xf32, #tpu.memory_space<vmem>>, vector<16xf32>,
        %parallel_loop3A_675 = arith.constant 16 : i32
        %parallel_loop3A_676 = arith.muli %parallel_loop3A_501, %parallel_loop3A_675 : i32
        %parallel_loop3A_677 = arith.constant 6144 : i32
        %parallel_loop3A_678 = arith.addi %parallel_loop3A_677, %parallel_loop3A_676 : i32
        %parallel_loop3A_679 = arith.index_cast %parallel_loop3A_678 : i32 to index
        %parallel_loop3A_680 = tpu.vector_load %arg8[%parallel_loop3A_679] {strides = array<i32>} : memref<21504xf32, #tpu.memory_space<vmem>>, vector<16xf32>,
        tpu.vector_store %arg8[%parallel_loop3A_679], %parallel_loop3A_582 {strides = array<i32>} : memref<21504xf32, #tpu.memory_space<vmem>>, vector<16xf32>,
        %parallel_loop3A_681 = arith.constant 16 : i32
        %parallel_loop3A_682 = arith.muli %parallel_loop3A_501, %parallel_loop3A_681 : i32
        %parallel_loop3A_683 = arith.constant 7168 : i32
        %parallel_loop3A_684 = arith.addi %parallel_loop3A_683, %parallel_loop3A_682 : i32
        %parallel_loop3A_685 = arith.index_cast %parallel_loop3A_684 : i32 to index
        %parallel_loop3A_686 = tpu.vector_load %arg8[%parallel_loop3A_685] {strides = array<i32>} : memref<21504xf32, #tpu.memory_space<vmem>>, vector<16xf32>,
        tpu.vector_store %arg8[%parallel_loop3A_685], %parallel_loop3A_586 {strides = array<i32>} : memref<21504xf32, #tpu.memory_space<vmem>>, vector<16xf32>,
        %parallel_loop3A_687 = arith.constant 16 : i32
        %parallel_loop3A_688 = arith.muli %parallel_loop3A_501, %parallel_loop3A_687 : i32
        %parallel_loop3A_689 = arith.constant 8192 : i32
        %parallel_loop3A_690 = arith.addi %parallel_loop3A_689, %parallel_loop3A_688 : i32
        %parallel_loop3A_691 = arith.index_cast %parallel_loop3A_690 : i32 to index
        %parallel_loop3A_692 = tpu.vector_load %arg8[%parallel_loop3A_691] {strides = array<i32>} : memref<21504xf32, #tpu.memory_space<vmem>>, vector<16xf32>,
        tpu.vector_store %arg8[%parallel_loop3A_691], %parallel_loop3A_590 {strides = array<i32>} : memref<21504xf32, #tpu.memory_space<vmem>>, vector<16xf32>,
        %parallel_loop3A_693 = arith.constant 16 : i32
        %parallel_loop3A_694 = arith.muli %parallel_loop3A_501, %parallel_loop3A_693 : i32
        %parallel_loop3A_695 = arith.constant 9216 : i32
        %parallel_loop3A_696 = arith.addi %parallel_loop3A_695, %parallel_loop3A_694 : i32
        %parallel_loop3A_697 = arith.index_cast %parallel_loop3A_696 : i32 to index
        %parallel_loop3A_698 = tpu.vector_load %arg8[%parallel_loop3A_697] {strides = array<i32>} : memref<21504xf32, #tpu.memory_space<vmem>>, vector<16xf32>,
        tpu.vector_store %arg8[%parallel_loop3A_697], %parallel_loop3A_594 {strides = array<i32>} : memref<21504xf32, #tpu.memory_space<vmem>>, vector<16xf32>,
        %parallel_loop3A_699 = arith.constant 16 : i32
        %parallel_loop3A_700 = arith.muli %parallel_loop3A_501, %parallel_loop3A_699 : i32
        %parallel_loop3A_701 = arith.constant 10240 : i32
        %parallel_loop3A_702 = arith.addi %parallel_loop3A_701, %parallel_loop3A_700 : i32
        %parallel_loop3A_703 = arith.index_cast %parallel_loop3A_702 : i32 to index
        %parallel_loop3A_704 = tpu.vector_load %arg8[%parallel_loop3A_703] {strides = array<i32>} : memref<21504xf32, #tpu.memory_space<vmem>>, vector<16xf32>,
        tpu.vector_store %arg8[%parallel_loop3A_703], %parallel_loop3A_598 {strides = array<i32>} : memref<21504xf32, #tpu.memory_space<vmem>>, vector<16xf32>,
        %parallel_loop3A_705 = arith.constant 16 : i32
        %parallel_loop3A_706 = arith.muli %parallel_loop3A_501, %parallel_loop3A_705 : i32
        %parallel_loop3A_707 = arith.constant 11264 : i32
        %parallel_loop3A_708 = arith.addi %parallel_loop3A_707, %parallel_loop3A_706 : i32
        %parallel_loop3A_709 = arith.index_cast %parallel_loop3A_708 : i32 to index
        %parallel_loop3A_710 = tpu.vector_load %arg8[%parallel_loop3A_709] {strides = array<i32>} : memref<21504xf32, #tpu.memory_space<vmem>>, vector<16xf32>,
        tpu.vector_store %arg8[%parallel_loop3A_709], %parallel_loop3A_602 {strides = array<i32>} : memref<21504xf32, #tpu.memory_space<vmem>>, vector<16xf32>,
        %parallel_loop3A_711 = arith.constant 16 : i32
        %parallel_loop3A_712 = arith.muli %parallel_loop3A_501, %parallel_loop3A_711 : i32
        %parallel_loop3A_713 = arith.constant 12288 : i32
        %parallel_loop3A_714 = arith.addi %parallel_loop3A_713, %parallel_loop3A_712 : i32
        %parallel_loop3A_715 = arith.index_cast %parallel_loop3A_714 : i32 to index
        %parallel_loop3A_716 = tpu.vector_load %arg8[%parallel_loop3A_715] {strides = array<i32>} : memref<21504xf32, #tpu.memory_space<vmem>>, vector<16xf32>,
        tpu.vector_store %arg8[%parallel_loop3A_715], %parallel_loop3A_606 {strides = array<i32>} : memref<21504xf32, #tpu.memory_space<vmem>>, vector<16xf32>,
        %parallel_loop3A_717 = arith.constant 16 : i32
        %parallel_loop3A_718 = arith.muli %parallel_loop3A_501, %parallel_loop3A_717 : i32
        %parallel_loop3A_719 = arith.constant 13312 : i32
        %parallel_loop3A_720 = arith.addi %parallel_loop3A_719, %parallel_loop3A_718 : i32
        %parallel_loop3A_721 = arith.index_cast %parallel_loop3A_720 : i32 to index
        %parallel_loop3A_722 = tpu.vector_load %arg8[%parallel_loop3A_721] {strides = array<i32>} : memref<21504xf32, #tpu.memory_space<vmem>>, vector<16xf32>,
        tpu.vector_store %arg8[%parallel_loop3A_721], %parallel_loop3A_610 {strides = array<i32>} : memref<21504xf32, #tpu.memory_space<vmem>>, vector<16xf32>,
        %parallel_loop3A_723 = arith.constant 16 : i32
        %parallel_loop3A_724 = arith.muli %parallel_loop3A_501, %parallel_loop3A_723 : i32
        %parallel_loop3A_725 = arith.constant 14336 : i32
        %parallel_loop3A_726 = arith.addi %parallel_loop3A_725, %parallel_loop3A_724 : i32
        %parallel_loop3A_727 = arith.index_cast %parallel_loop3A_726 : i32 to index
        %parallel_loop3A_728 = tpu.vector_load %arg8[%parallel_loop3A_727] {strides = array<i32>} : memref<21504xf32, #tpu.memory_space<vmem>>, vector<16xf32>,
        tpu.vector_store %arg8[%parallel_loop3A_727], %parallel_loop3A_614 {strides = array<i32>} : memref<21504xf32, #tpu.memory_space<vmem>>, vector<16xf32>,
        %parallel_loop3A_729 = arith.constant 16 : i32
        %parallel_loop3A_730 = arith.muli %parallel_loop3A_501, %parallel_loop3A_729 : i32
        %parallel_loop3A_731 = arith.constant 15360 : i32
        %parallel_loop3A_732 = arith.addi %parallel_loop3A_731, %parallel_loop3A_730 : i32
        %parallel_loop3A_733 = arith.index_cast %parallel_loop3A_732 : i32 to index
        %parallel_loop3A_734 = tpu.vector_load %arg8[%parallel_loop3A_733] {strides = array<i32>} : memref<21504xf32, #tpu.memory_space<vmem>>, vector<16xf32>,
        tpu.vector_store %arg8[%parallel_loop3A_733], %parallel_loop3A_618 {strides = array<i32>} : memref<21504xf32, #tpu.memory_space<vmem>>, vector<16xf32>,
        %parallel_loop3A_735 = arith.constant 16 : i32
        %parallel_loop3A_736 = arith.muli %parallel_loop3A_501, %parallel_loop3A_735 : i32
        %parallel_loop3A_737 = arith.constant 16384 : i32
        %parallel_loop3A_738 = arith.addi %parallel_loop3A_737, %parallel_loop3A_736 : i32
        %parallel_loop3A_739 = arith.index_cast %parallel_loop3A_738 : i32 to index
        %parallel_loop3A_740 = tpu.vector_load %arg8[%parallel_loop3A_739] {strides = array<i32>} : memref<21504xf32, #tpu.memory_space<vmem>>, vector<16xf32>,
        tpu.vector_store %arg8[%parallel_loop3A_739], %parallel_loop3A_622 {strides = array<i32>} : memref<21504xf32, #tpu.memory_space<vmem>>, vector<16xf32>,
        %parallel_loop3A_741 = arith.constant 16 : i32
        %parallel_loop3A_742 = arith.muli %parallel_loop3A_501, %parallel_loop3A_741 : i32
        %parallel_loop3A_743 = arith.constant 17408 : i32
        %parallel_loop3A_744 = arith.addi %parallel_loop3A_743, %parallel_loop3A_742 : i32
        %parallel_loop3A_745 = arith.index_cast %parallel_loop3A_744 : i32 to index
        %parallel_loop3A_746 = tpu.vector_load %arg8[%parallel_loop3A_745] {strides = array<i32>} : memref<21504xf32, #tpu.memory_space<vmem>>, vector<16xf32>,
        tpu.vector_store %arg8[%parallel_loop3A_745], %parallel_loop3A_626 {strides = array<i32>} : memref<21504xf32, #tpu.memory_space<vmem>>, vector<16xf32>,
        %parallel_loop3A_747 = arith.constant 16 : i32
        %parallel_loop3A_748 = arith.muli %parallel_loop3A_501, %parallel_loop3A_747 : i32
        %parallel_loop3A_749 = arith.constant 18432 : i32
        %parallel_loop3A_750 = arith.addi %parallel_loop3A_749, %parallel_loop3A_748 : i32
        %parallel_loop3A_751 = arith.index_cast %parallel_loop3A_750 : i32 to index
        %parallel_loop3A_752 = tpu.vector_load %arg8[%parallel_loop3A_751] {strides = array<i32>} : memref<21504xf32, #tpu.memory_space<vmem>>, vector<16xf32>,
        tpu.vector_store %arg8[%parallel_loop3A_751], %parallel_loop3A_630 {strides = array<i32>} : memref<21504xf32, #tpu.memory_space<vmem>>, vector<16xf32>,
        %parallel_loop3A_753 = arith.constant 16 : i32
        %parallel_loop3A_754 = arith.muli %parallel_loop3A_501, %parallel_loop3A_753 : i32
        %parallel_loop3A_755 = arith.constant 19456 : i32
        %parallel_loop3A_756 = arith.addi %parallel_loop3A_755, %parallel_loop3A_754 : i32
        %parallel_loop3A_757 = arith.index_cast %parallel_loop3A_756 : i32 to index
        %parallel_loop3A_758 = tpu.vector_load %arg8[%parallel_loop3A_757] {strides = array<i32>} : memref<21504xf32, #tpu.memory_space<vmem>>, vector<16xf32>,
        tpu.vector_store %arg8[%parallel_loop3A_757], %parallel_loop3A_634 {strides = array<i32>} : memref<21504xf32, #tpu.memory_space<vmem>>, vector<16xf32>,
        %parallel_loop3A_759 = arith.constant 16 : i32
        %parallel_loop3A_760 = arith.muli %parallel_loop3A_501, %parallel_loop3A_759 : i32
        %parallel_loop3A_761 = arith.constant 20480 : i32
        %parallel_loop3A_762 = arith.addi %parallel_loop3A_761, %parallel_loop3A_760 : i32
        %parallel_loop3A_763 = arith.index_cast %parallel_loop3A_762 : i32 to index
        %parallel_loop3A_764 = tpu.vector_load %arg8[%parallel_loop3A_763] {strides = array<i32>} : memref<21504xf32, #tpu.memory_space<vmem>>, vector<16xf32>,
        tpu.vector_store %arg8[%parallel_loop3A_763], %parallel_loop3A_638 {strides = array<i32>} : memref<21504xf32, #tpu.memory_space<vmem>>, vector<16xf32>,
        scf.yield %parallel_loop3A_502 : i32
      } {sc.loop_unroll_factor = 1 : i64, sc.parallel_access}
      %add3A_60 = arith.constant 0 : i32
      %add3A_61 = arith.addi %add3A_26, %add3A_60 : i32
      %mul3A_62 = arith.constant 128 : i32
      %mul3A_63 = arith.muli %scan3A_52, %mul3A_62 : i32
      %add3A_64 = arith.addi %mul3A_63, %add3A_61 : i32
      %mul3A_65 = arith.constant 1024 : i32
      %mul3A_66 = arith.muli %add3A_64, %mul3A_65 : i32
      %add3A_67 = arith.constant 0 : i32
      %add3A_68 = arith.addi %add3A_67, %mul3A_66 : i32
      %dma_start3A = arith.constant 0 : i32
      %dma_start3A_69 = tpu.memref_slice %arg8[%dma_start3A] : memref<21504xf32, #tpu.memory_space<vmem>> -> memref<1024xf32, #tpu.memory_space<vmem>>
      %dma_start3A_70 = tpu.memref_slice %arg4[%add3A_68] : memref<68812800xf32, #tpu.memory_space<hbm>> -> memref<1024xf32, #tpu.memory_space<hbm>>
      %dma_start3A_71 = tpu.memref_slice %arg4[%add3A_68] : memref<68812800xf32, #tpu.memory_space<hbm>> -> memref<1024xf32, #tpu.memory_space<hbm>>
      %dma_start3A_72 = arith.constant 0 : i32
      %dma_start3A_73 = tpu.memref_slice %arg8[%dma_start3A_72] : memref<21504xf32, #tpu.memory_space<vmem>> -> memref<1024xf32, #tpu.memory_space<vmem>>
      tpu.enqueue_dma source(%dma_start3A_73 : memref<1024xf32, #tpu.memory_space<vmem>>) target(%dma_start3A_71 : memref<1024xf32, #tpu.memory_space<hbm>>) target_semaphore(%arg10 : memref<!tpu.dma_semaphore, #tpu.memory_space<semaphore_mem>>)
      %mul3A_74 = arith.constant 1024 : i32
      %mul3A_75 = arith.muli %add3A_64, %mul3A_74 : i32
      %add3A_76 = arith.constant 3276800 : i32
      %add3A_77 = arith.addi %add3A_76, %mul3A_75 : i32
      %dma_start3A_78 = arith.constant 1024 : i32
      %dma_start3A_79 = tpu.memref_slice %arg8[%dma_start3A_78] : memref<21504xf32, #tpu.memory_space<vmem>> -> memref<1024xf32, #tpu.memory_space<vmem>>
      %dma_start3A_80 = tpu.memref_slice %arg4[%add3A_77] : memref<68812800xf32, #tpu.memory_space<hbm>> -> memref<1024xf32, #tpu.memory_space<hbm>>
      %dma_start3A_81 = tpu.memref_slice %arg4[%add3A_77] : memref<68812800xf32, #tpu.memory_space<hbm>> -> memref<1024xf32, #tpu.memory_space<hbm>>
      %dma_start3A_82 = arith.constant 1024 : i32
      %dma_start3A_83 = tpu.memref_slice %arg8[%dma_start3A_82] : memref<21504xf32, #tpu.memory_space<vmem>> -> memref<1024xf32, #tpu.memory_space<vmem>>
      tpu.enqueue_dma source(%dma_start3A_83 : memref<1024xf32, #tpu.memory_space<vmem>>) target(%dma_start3A_81 : memref<1024xf32, #tpu.memory_space<hbm>>) target_semaphore(%arg10 : memref<!tpu.dma_semaphore, #tpu.memory_space<semaphore_mem>>)
      %mul3A_84 = arith.constant 1024 : i32
      %mul3A_85 = arith.muli %add3A_64, %mul3A_84 : i32
      %add3A_86 = arith.constant 6553600 : i32
      %add3A_87 = arith.addi %add3A_86, %mul3A_85 : i32
      %dma_start3A_88 = arith.constant 2048 : i32
      %dma_start3A_89 = tpu.memref_slice %arg8[%dma_start3A_88] : memref<21504xf32, #tpu.memory_space<vmem>> -> memref<1024xf32, #tpu.memory_space<vmem>>
      %dma_start3A_90 = tpu.memref_slice %arg4[%add3A_87] : memref<68812800xf32, #tpu.memory_space<hbm>> -> memref<1024xf32, #tpu.memory_space<hbm>>
      %dma_start3A_91 = tpu.memref_slice %arg4[%add3A_87] : memref<68812800xf32, #tpu.memory_space<hbm>> -> memref<1024xf32, #tpu.memory_space<hbm>>
      %dma_start3A_92 = arith.constant 2048 : i32
      %dma_start3A_93 = tpu.memref_slice %arg8[%dma_start3A_92] : memref<21504xf32, #tpu.memory_space<vmem>> -> memref<1024xf32, #tpu.memory_space<vmem>>
      tpu.enqueue_dma source(%dma_start3A_93 : memref<1024xf32, #tpu.memory_space<vmem>>) target(%dma_start3A_91 : memref<1024xf32, #tpu.memory_space<hbm>>) target_semaphore(%arg10 : memref<!tpu.dma_semaphore, #tpu.memory_space<semaphore_mem>>)
      %mul3A_94 = arith.constant 1024 : i32
      %mul3A_95 = arith.muli %add3A_64, %mul3A_94 : i32
      %add3A_96 = arith.constant 9830400 : i32
      %add3A_97 = arith.addi %add3A_96, %mul3A_95 : i32
      %dma_start3A_98 = arith.constant 3072 : i32
      %dma_start3A_99 = tpu.memref_slice %arg8[%dma_start3A_98] : memref<21504xf32, #tpu.memory_space<vmem>> -> memref<1024xf32, #tpu.memory_space<vmem>>
      %dma_start3A_100 = tpu.memref_slice %arg4[%add3A_97] : memref<68812800xf32, #tpu.memory_space<hbm>> -> memref<1024xf32, #tpu.memory_space<hbm>>
      %dma_start3A_101 = tpu.memref_slice %arg4[%add3A_97] : memref<68812800xf32, #tpu.memory_space<hbm>> -> memref<1024xf32, #tpu.memory_space<hbm>>
      %dma_start3A_102 = arith.constant 3072 : i32
      %dma_start3A_103 = tpu.memref_slice %arg8[%dma_start3A_102] : memref<21504xf32, #tpu.memory_space<vmem>> -> memref<1024xf32, #tpu.memory_space<vmem>>
      tpu.enqueue_dma source(%dma_start3A_103 : memref<1024xf32, #tpu.memory_space<vmem>>) target(%dma_start3A_101 : memref<1024xf32, #tpu.memory_space<hbm>>) target_semaphore(%arg10 : memref<!tpu.dma_semaphore, #tpu.memory_space<semaphore_mem>>)
      %mul3A_104 = arith.constant 1024 : i32
      %mul3A_105 = arith.muli %add3A_64, %mul3A_104 : i32
      %add3A_106 = arith.constant 13107200 : i32
      %add3A_107 = arith.addi %add3A_106, %mul3A_105 : i32
      %dma_start3A_108 = arith.constant 4096 : i32
      %dma_start3A_109 = tpu.memref_slice %arg8[%dma_start3A_108] : memref<21504xf32, #tpu.memory_space<vmem>> -> memref<1024xf32, #tpu.memory_space<vmem>>
      %dma_start3A_110 = tpu.memref_slice %arg4[%add3A_107] : memref<68812800xf32, #tpu.memory_space<hbm>> -> memref<1024xf32, #tpu.memory_space<hbm>>
      %dma_start3A_111 = tpu.memref_slice %arg4[%add3A_107] : memref<68812800xf32, #tpu.memory_space<hbm>> -> memref<1024xf32, #tpu.memory_space<hbm>>
      %dma_start3A_112 = arith.constant 4096 : i32
      %dma_start3A_113 = tpu.memref_slice %arg8[%dma_start3A_112] : memref<21504xf32, #tpu.memory_space<vmem>> -> memref<1024xf32, #tpu.memory_space<vmem>>
      tpu.enqueue_dma source(%dma_start3A_113 : memref<1024xf32, #tpu.memory_space<vmem>>) target(%dma_start3A_111 : memref<1024xf32, #tpu.memory_space<hbm>>) target_semaphore(%arg10 : memref<!tpu.dma_semaphore, #tpu.memory_space<semaphore_mem>>)
      %mul3A_114 = arith.constant 1024 : i32
      %mul3A_115 = arith.muli %add3A_64, %mul3A_114 : i32
      %add3A_116 = arith.constant 16384000 : i32
      %add3A_117 = arith.addi %add3A_116, %mul3A_115 : i32
      %dma_start3A_118 = arith.constant 5120 : i32
      %dma_start3A_119 = tpu.memref_slice %arg8[%dma_start3A_118] : memref<21504xf32, #tpu.memory_space<vmem>> -> memref<1024xf32, #tpu.memory_space<vmem>>
      %dma_start3A_120 = tpu.memref_slice %arg4[%add3A_117] : memref<68812800xf32, #tpu.memory_space<hbm>> -> memref<1024xf32, #tpu.memory_space<hbm>>
      %dma_start3A_121 = tpu.memref_slice %arg4[%add3A_117] : memref<68812800xf32, #tpu.memory_space<hbm>> -> memref<1024xf32, #tpu.memory_space<hbm>>
      %dma_start3A_122 = arith.constant 5120 : i32
      %dma_start3A_123 = tpu.memref_slice %arg8[%dma_start3A_122] : memref<21504xf32, #tpu.memory_space<vmem>> -> memref<1024xf32, #tpu.memory_space<vmem>>
      tpu.enqueue_dma source(%dma_start3A_123 : memref<1024xf32, #tpu.memory_space<vmem>>) target(%dma_start3A_121 : memref<1024xf32, #tpu.memory_space<hbm>>) target_semaphore(%arg10 : memref<!tpu.dma_semaphore, #tpu.memory_space<semaphore_mem>>)
      %mul3A_124 = arith.constant 1024 : i32
      %mul3A_125 = arith.muli %add3A_64, %mul3A_124 : i32
      %add3A_126 = arith.constant 19660800 : i32
      %add3A_127 = arith.addi %add3A_126, %mul3A_125 : i32
      %dma_start3A_128 = arith.constant 6144 : i32
      %dma_start3A_129 = tpu.memref_slice %arg8[%dma_start3A_128] : memref<21504xf32, #tpu.memory_space<vmem>> -> memref<1024xf32, #tpu.memory_space<vmem>>
      %dma_start3A_130 = tpu.memref_slice %arg4[%add3A_127] : memref<68812800xf32, #tpu.memory_space<hbm>> -> memref<1024xf32, #tpu.memory_space<hbm>>
      %dma_start3A_131 = tpu.memref_slice %arg4[%add3A_127] : memref<68812800xf32, #tpu.memory_space<hbm>> -> memref<1024xf32, #tpu.memory_space<hbm>>
      %dma_start3A_132 = arith.constant 6144 : i32
      %dma_start3A_133 = tpu.memref_slice %arg8[%dma_start3A_132] : memref<21504xf32, #tpu.memory_space<vmem>> -> memref<1024xf32, #tpu.memory_space<vmem>>
      tpu.enqueue_dma source(%dma_start3A_133 : memref<1024xf32, #tpu.memory_space<vmem>>) target(%dma_start3A_131 : memref<1024xf32, #tpu.memory_space<hbm>>) target_semaphore(%arg10 : memref<!tpu.dma_semaphore, #tpu.memory_space<semaphore_mem>>)
      %mul3A_134 = arith.constant 1024 : i32
      %mul3A_135 = arith.muli %add3A_64, %mul3A_134 : i32
      %add3A_136 = arith.constant 22937600 : i32
      %add3A_137 = arith.addi %add3A_136, %mul3A_135 : i32
      %dma_start3A_138 = arith.constant 7168 : i32
      %dma_start3A_139 = tpu.memref_slice %arg8[%dma_start3A_138] : memref<21504xf32, #tpu.memory_space<vmem>> -> memref<1024xf32, #tpu.memory_space<vmem>>
      %dma_start3A_140 = tpu.memref_slice %arg4[%add3A_137] : memref<68812800xf32, #tpu.memory_space<hbm>> -> memref<1024xf32, #tpu.memory_space<hbm>>
      %dma_start3A_141 = tpu.memref_slice %arg4[%add3A_137] : memref<68812800xf32, #tpu.memory_space<hbm>> -> memref<1024xf32, #tpu.memory_space<hbm>>
      %dma_start3A_142 = arith.constant 7168 : i32
      %dma_start3A_143 = tpu.memref_slice %arg8[%dma_start3A_142] : memref<21504xf32, #tpu.memory_space<vmem>> -> memref<1024xf32, #tpu.memory_space<vmem>>
      tpu.enqueue_dma source(%dma_start3A_143 : memref<1024xf32, #tpu.memory_space<vmem>>) target(%dma_start3A_141 : memref<1024xf32, #tpu.memory_space<hbm>>) target_semaphore(%arg10 : memref<!tpu.dma_semaphore, #tpu.memory_space<semaphore_mem>>)
      %mul3A_144 = arith.constant 1024 : i32
      %mul3A_145 = arith.muli %add3A_64, %mul3A_144 : i32
      %add3A_146 = arith.constant 26214400 : i32
      %add3A_147 = arith.addi %add3A_146, %mul3A_145 : i32
      %dma_start3A_148 = arith.constant 8192 : i32
      %dma_start3A_149 = tpu.memref_slice %arg8[%dma_start3A_148] : memref<21504xf32, #tpu.memory_space<vmem>> -> memref<1024xf32, #tpu.memory_space<vmem>>
      %dma_start3A_150 = tpu.memref_slice %arg4[%add3A_147] : memref<68812800xf32, #tpu.memory_space<hbm>> -> memref<1024xf32, #tpu.memory_space<hbm>>
      %dma_start3A_151 = tpu.memref_slice %arg4[%add3A_147] : memref<68812800xf32, #tpu.memory_space<hbm>> -> memref<1024xf32, #tpu.memory_space<hbm>>
      %dma_start3A_152 = arith.constant 8192 : i32
      %dma_start3A_153 = tpu.memref_slice %arg8[%dma_start3A_152] : memref<21504xf32, #tpu.memory_space<vmem>> -> memref<1024xf32, #tpu.memory_space<vmem>>
      tpu.enqueue_dma source(%dma_start3A_153 : memref<1024xf32, #tpu.memory_space<vmem>>) target(%dma_start3A_151 : memref<1024xf32, #tpu.memory_space<hbm>>) target_semaphore(%arg10 : memref<!tpu.dma_semaphore, #tpu.memory_space<semaphore_mem>>)
      %mul3A_154 = arith.constant 1024 : i32
      %mul3A_155 = arith.muli %add3A_64, %mul3A_154 : i32
      %add3A_156 = arith.constant 29491200 : i32
      %add3A_157 = arith.addi %add3A_156, %mul3A_155 : i32
      %dma_start3A_158 = arith.constant 9216 : i32
      %dma_start3A_159 = tpu.memref_slice %arg8[%dma_start3A_158] : memref<21504xf32, #tpu.memory_space<vmem>> -> memref<1024xf32, #tpu.memory_space<vmem>>
      %dma_start3A_160 = tpu.memref_slice %arg4[%add3A_157] : memref<68812800xf32, #tpu.memory_space<hbm>> -> memref<1024xf32, #tpu.memory_space<hbm>>
      %dma_start3A_161 = tpu.memref_slice %arg4[%add3A_157] : memref<68812800xf32, #tpu.memory_space<hbm>> -> memref<1024xf32, #tpu.memory_space<hbm>>
      %dma_start3A_162 = arith.constant 9216 : i32
      %dma_start3A_163 = tpu.memref_slice %arg8[%dma_start3A_162] : memref<21504xf32, #tpu.memory_space<vmem>> -> memref<1024xf32, #tpu.memory_space<vmem>>
      tpu.enqueue_dma source(%dma_start3A_163 : memref<1024xf32, #tpu.memory_space<vmem>>) target(%dma_start3A_161 : memref<1024xf32, #tpu.memory_space<hbm>>) target_semaphore(%arg10 : memref<!tpu.dma_semaphore, #tpu.memory_space<semaphore_mem>>)
      %mul3A_164 = arith.constant 1024 : i32
      %mul3A_165 = arith.muli %add3A_64, %mul3A_164 : i32
      %add3A_166 = arith.constant 32768000 : i32
      %add3A_167 = arith.addi %add3A_166, %mul3A_165 : i32
      %dma_start3A_168 = arith.constant 10240 : i32
      %dma_start3A_169 = tpu.memref_slice %arg8[%dma_start3A_168] : memref<21504xf32, #tpu.memory_space<vmem>> -> memref<1024xf32, #tpu.memory_space<vmem>>
      %dma_start3A_170 = tpu.memref_slice %arg4[%add3A_167] : memref<68812800xf32, #tpu.memory_space<hbm>> -> memref<1024xf32, #tpu.memory_space<hbm>>
      %dma_start3A_171 = tpu.memref_slice %arg4[%add3A_167] : memref<68812800xf32, #tpu.memory_space<hbm>> -> memref<1024xf32, #tpu.memory_space<hbm>>
      %dma_start3A_172 = arith.constant 10240 : i32
      %dma_start3A_173 = tpu.memref_slice %arg8[%dma_start3A_172] : memref<21504xf32, #tpu.memory_space<vmem>> -> memref<1024xf32, #tpu.memory_space<vmem>>
      tpu.enqueue_dma source(%dma_start3A_173 : memref<1024xf32, #tpu.memory_space<vmem>>) target(%dma_start3A_171 : memref<1024xf32, #tpu.memory_space<hbm>>) target_semaphore(%arg10 : memref<!tpu.dma_semaphore, #tpu.memory_space<semaphore_mem>>)
      %mul3A_174 = arith.constant 1024 : i32
      %mul3A_175 = arith.muli %add3A_64, %mul3A_174 : i32
      %add3A_176 = arith.constant 36044800 : i32
      %add3A_177 = arith.addi %add3A_176, %mul3A_175 : i32
      %dma_start3A_178 = arith.constant 11264 : i32
      %dma_start3A_179 = tpu.memref_slice %arg8[%dma_start3A_178] : memref<21504xf32, #tpu.memory_space<vmem>> -> memref<1024xf32, #tpu.memory_space<vmem>>
      %dma_start3A_180 = tpu.memref_slice %arg4[%add3A_177] : memref<68812800xf32, #tpu.memory_space<hbm>> -> memref<1024xf32, #tpu.memory_space<hbm>>
      %dma_start3A_181 = tpu.memref_slice %arg4[%add3A_177] : memref<68812800xf32, #tpu.memory_space<hbm>> -> memref<1024xf32, #tpu.memory_space<hbm>>
      %dma_start3A_182 = arith.constant 11264 : i32
      %dma_start3A_183 = tpu.memref_slice %arg8[%dma_start3A_182] : memref<21504xf32, #tpu.memory_space<vmem>> -> memref<1024xf32, #tpu.memory_space<vmem>>
      tpu.enqueue_dma source(%dma_start3A_183 : memref<1024xf32, #tpu.memory_space<vmem>>) target(%dma_start3A_181 : memref<1024xf32, #tpu.memory_space<hbm>>) target_semaphore(%arg10 : memref<!tpu.dma_semaphore, #tpu.memory_space<semaphore_mem>>)
      %mul3A_184 = arith.constant 1024 : i32
      %mul3A_185 = arith.muli %add3A_64, %mul3A_184 : i32
      %add3A_186 = arith.constant 39321600 : i32
      %add3A_187 = arith.addi %add3A_186, %mul3A_185 : i32
      %dma_start3A_188 = arith.constant 12288 : i32
      %dma_start3A_189 = tpu.memref_slice %arg8[%dma_start3A_188] : memref<21504xf32, #tpu.memory_space<vmem>> -> memref<1024xf32, #tpu.memory_space<vmem>>
      %dma_start3A_190 = tpu.memref_slice %arg4[%add3A_187] : memref<68812800xf32, #tpu.memory_space<hbm>> -> memref<1024xf32, #tpu.memory_space<hbm>>
      %dma_start3A_191 = tpu.memref_slice %arg4[%add3A_187] : memref<68812800xf32, #tpu.memory_space<hbm>> -> memref<1024xf32, #tpu.memory_space<hbm>>
      %dma_start3A_192 = arith.constant 12288 : i32
      %dma_start3A_193 = tpu.memref_slice %arg8[%dma_start3A_192] : memref<21504xf32, #tpu.memory_space<vmem>> -> memref<1024xf32, #tpu.memory_space<vmem>>
      tpu.enqueue_dma source(%dma_start3A_193 : memref<1024xf32, #tpu.memory_space<vmem>>) target(%dma_start3A_191 : memref<1024xf32, #tpu.memory_space<hbm>>) target_semaphore(%arg10 : memref<!tpu.dma_semaphore, #tpu.memory_space<semaphore_mem>>)
      %mul3A_194 = arith.constant 1024 : i32
      %mul3A_195 = arith.muli %add3A_64, %mul3A_194 : i32
      %add3A_196 = arith.constant 42598400 : i32
      %add3A_197 = arith.addi %add3A_196, %mul3A_195 : i32
      %dma_start3A_198 = arith.constant 13312 : i32
      %dma_start3A_199 = tpu.memref_slice %arg8[%dma_start3A_198] : memref<21504xf32, #tpu.memory_space<vmem>> -> memref<1024xf32, #tpu.memory_space<vmem>>
      %dma_start3A_200 = tpu.memref_slice %arg4[%add3A_197] : memref<68812800xf32, #tpu.memory_space<hbm>> -> memref<1024xf32, #tpu.memory_space<hbm>>
      %dma_start3A_201 = tpu.memref_slice %arg4[%add3A_197] : memref<68812800xf32, #tpu.memory_space<hbm>> -> memref<1024xf32, #tpu.memory_space<hbm>>
      %dma_start3A_202 = arith.constant 13312 : i32
      %dma_start3A_203 = tpu.memref_slice %arg8[%dma_start3A_202] : memref<21504xf32, #tpu.memory_space<vmem>> -> memref<1024xf32, #tpu.memory_space<vmem>>
      tpu.enqueue_dma source(%dma_start3A_203 : memref<1024xf32, #tpu.memory_space<vmem>>) target(%dma_start3A_201 : memref<1024xf32, #tpu.memory_space<hbm>>) target_semaphore(%arg10 : memref<!tpu.dma_semaphore, #tpu.memory_space<semaphore_mem>>)
      %mul3A_204 = arith.constant 1024 : i32
      %mul3A_205 = arith.muli %add3A_64, %mul3A_204 : i32
      %add3A_206 = arith.constant 45875200 : i32
      %add3A_207 = arith.addi %add3A_206, %mul3A_205 : i32
      %dma_start3A_208 = arith.constant 14336 : i32
      %dma_start3A_209 = tpu.memref_slice %arg8[%dma_start3A_208] : memref<21504xf32, #tpu.memory_space<vmem>> -> memref<1024xf32, #tpu.memory_space<vmem>>
      %dma_start3A_210 = tpu.memref_slice %arg4[%add3A_207] : memref<68812800xf32, #tpu.memory_space<hbm>> -> memref<1024xf32, #tpu.memory_space<hbm>>
      %dma_start3A_211 = tpu.memref_slice %arg4[%add3A_207] : memref<68812800xf32, #tpu.memory_space<hbm>> -> memref<1024xf32, #tpu.memory_space<hbm>>
      %dma_start3A_212 = arith.constant 14336 : i32
      %dma_start3A_213 = tpu.memref_slice %arg8[%dma_start3A_212] : memref<21504xf32, #tpu.memory_space<vmem>> -> memref<1024xf32, #tpu.memory_space<vmem>>
      tpu.enqueue_dma source(%dma_start3A_213 : memref<1024xf32, #tpu.memory_space<vmem>>) target(%dma_start3A_211 : memref<1024xf32, #tpu.memory_space<hbm>>) target_semaphore(%arg10 : memref<!tpu.dma_semaphore, #tpu.memory_space<semaphore_mem>>)
      %mul3A_214 = arith.constant 1024 : i32
      %mul3A_215 = arith.muli %add3A_64, %mul3A_214 : i32
      %add3A_216 = arith.constant 49152000 : i32
      %add3A_217 = arith.addi %add3A_216, %mul3A_215 : i32
      %dma_start3A_218 = arith.constant 15360 : i32
      %dma_start3A_219 = tpu.memref_slice %arg8[%dma_start3A_218] : memref<21504xf32, #tpu.memory_space<vmem>> -> memref<1024xf32, #tpu.memory_space<vmem>>
      %dma_start3A_220 = tpu.memref_slice %arg4[%add3A_217] : memref<68812800xf32, #tpu.memory_space<hbm>> -> memref<1024xf32, #tpu.memory_space<hbm>>
      %dma_start3A_221 = tpu.memref_slice %arg4[%add3A_217] : memref<68812800xf32, #tpu.memory_space<hbm>> -> memref<1024xf32, #tpu.memory_space<hbm>>
      %dma_start3A_222 = arith.constant 15360 : i32
      %dma_start3A_223 = tpu.memref_slice %arg8[%dma_start3A_222] : memref<21504xf32, #tpu.memory_space<vmem>> -> memref<1024xf32, #tpu.memory_space<vmem>>
      tpu.enqueue_dma source(%dma_start3A_223 : memref<1024xf32, #tpu.memory_space<vmem>>) target(%dma_start3A_221 : memref<1024xf32, #tpu.memory_space<hbm>>) target_semaphore(%arg10 : memref<!tpu.dma_semaphore, #tpu.memory_space<semaphore_mem>>)
      %mul3A_224 = arith.constant 1024 : i32
      %mul3A_225 = arith.muli %add3A_64, %mul3A_224 : i32
      %add3A_226 = arith.constant 52428800 : i32
      %add3A_227 = arith.addi %add3A_226, %mul3A_225 : i32
      %dma_start3A_228 = arith.constant 16384 : i32
      %dma_start3A_229 = tpu.memref_slice %arg8[%dma_start3A_228] : memref<21504xf32, #tpu.memory_space<vmem>> -> memref<1024xf32, #tpu.memory_space<vmem>>
      %dma_start3A_230 = tpu.memref_slice %arg4[%add3A_227] : memref<68812800xf32, #tpu.memory_space<hbm>> -> memref<1024xf32, #tpu.memory_space<hbm>>
      %dma_start3A_231 = tpu.memref_slice %arg4[%add3A_227] : memref<68812800xf32, #tpu.memory_space<hbm>> -> memref<1024xf32, #tpu.memory_space<hbm>>
      %dma_start3A_232 = arith.constant 16384 : i32
      %dma_start3A_233 = tpu.memref_slice %arg8[%dma_start3A_232] : memref<21504xf32, #tpu.memory_space<vmem>> -> memref<1024xf32, #tpu.memory_space<vmem>>
      tpu.enqueue_dma source(%dma_start3A_233 : memref<1024xf32, #tpu.memory_space<vmem>>) target(%dma_start3A_231 : memref<1024xf32, #tpu.memory_space<hbm>>) target_semaphore(%arg10 : memref<!tpu.dma_semaphore, #tpu.memory_space<semaphore_mem>>)
      %mul3A_234 = arith.constant 1024 : i32
      %mul3A_235 = arith.muli %add3A_64, %mul3A_234 : i32
      %add3A_236 = arith.constant 55705600 : i32
      %add3A_237 = arith.addi %add3A_236, %mul3A_235 : i32
      %dma_start3A_238 = arith.constant 17408 : i32
      %dma_start3A_239 = tpu.memref_slice %arg8[%dma_start3A_238] : memref<21504xf32, #tpu.memory_space<vmem>> -> memref<1024xf32, #tpu.memory_space<vmem>>
      %dma_start3A_240 = tpu.memref_slice %arg4[%add3A_237] : memref<68812800xf32, #tpu.memory_space<hbm>> -> memref<1024xf32, #tpu.memory_space<hbm>>
      %dma_start3A_241 = tpu.memref_slice %arg4[%add3A_237] : memref<68812800xf32, #tpu.memory_space<hbm>> -> memref<1024xf32, #tpu.memory_space<hbm>>
      %dma_start3A_242 = arith.constant 17408 : i32
      %dma_start3A_243 = tpu.memref_slice %arg8[%dma_start3A_242] : memref<21504xf32, #tpu.memory_space<vmem>> -> memref<1024xf32, #tpu.memory_space<vmem>>
      tpu.enqueue_dma source(%dma_start3A_243 : memref<1024xf32, #tpu.memory_space<vmem>>) target(%dma_start3A_241 : memref<1024xf32, #tpu.memory_space<hbm>>) target_semaphore(%arg10 : memref<!tpu.dma_semaphore, #tpu.memory_space<semaphore_mem>>)
      %mul3A_244 = arith.constant 1024 : i32
      %mul3A_245 = arith.muli %add3A_64, %mul3A_244 : i32
      %add3A_246 = arith.constant 58982400 : i32
      %add3A_247 = arith.addi %add3A_246, %mul3A_245 : i32
      %dma_start3A_248 = arith.constant 18432 : i32
      %dma_start3A_249 = tpu.memref_slice %arg8[%dma_start3A_248] : memref<21504xf32, #tpu.memory_space<vmem>> -> memref<1024xf32, #tpu.memory_space<vmem>>
      %dma_start3A_250 = tpu.memref_slice %arg4[%add3A_247] : memref<68812800xf32, #tpu.memory_space<hbm>> -> memref<1024xf32, #tpu.memory_space<hbm>>
      %dma_start3A_251 = tpu.memref_slice %arg4[%add3A_247] : memref<68812800xf32, #tpu.memory_space<hbm>> -> memref<1024xf32, #tpu.memory_space<hbm>>
      %dma_start3A_252 = arith.constant 18432 : i32
      %dma_start3A_253 = tpu.memref_slice %arg8[%dma_start3A_252] : memref<21504xf32, #tpu.memory_space<vmem>> -> memref<1024xf32, #tpu.memory_space<vmem>>
      tpu.enqueue_dma source(%dma_start3A_253 : memref<1024xf32, #tpu.memory_space<vmem>>) target(%dma_start3A_251 : memref<1024xf32, #tpu.memory_space<hbm>>) target_semaphore(%arg10 : memref<!tpu.dma_semaphore, #tpu.memory_space<semaphore_mem>>)
      %mul3A_254 = arith.constant 1024 : i32
      %mul3A_255 = arith.muli %add3A_64, %mul3A_254 : i32
      %add3A_256 = arith.constant 62259200 : i32
      %add3A_257 = arith.addi %add3A_256, %mul3A_255 : i32
      %dma_start3A_258 = arith.constant 19456 : i32
      %dma_start3A_259 = tpu.memref_slice %arg8[%dma_start3A_258] : memref<21504xf32, #tpu.memory_space<vmem>> -> memref<1024xf32, #tpu.memory_space<vmem>>
      %dma_start3A_260 = tpu.memref_slice %arg4[%add3A_257] : memref<68812800xf32, #tpu.memory_space<hbm>> -> memref<1024xf32, #tpu.memory_space<hbm>>
      %dma_start3A_261 = tpu.memref_slice %arg4[%add3A_257] : memref<68812800xf32, #tpu.memory_space<hbm>> -> memref<1024xf32, #tpu.memory_space<hbm>>
      %dma_start3A_262 = arith.constant 19456 : i32
      %dma_start3A_263 = tpu.memref_slice %arg8[%dma_start3A_262] : memref<21504xf32, #tpu.memory_space<vmem>> -> memref<1024xf32, #tpu.memory_space<vmem>>
      tpu.enqueue_dma source(%dma_start3A_263 : memref<1024xf32, #tpu.memory_space<vmem>>) target(%dma_start3A_261 : memref<1024xf32, #tpu.memory_space<hbm>>) target_semaphore(%arg10 : memref<!tpu.dma_semaphore, #tpu.memory_space<semaphore_mem>>)
      %mul3A_264 = arith.constant 1024 : i32
      %mul3A_265 = arith.muli %add3A_64, %mul3A_264 : i32
      %add3A_266 = arith.constant 65536000 : i32
      %add3A_267 = arith.addi %add3A_266, %mul3A_265 : i32
      %dma_start3A_268 = arith.constant 20480 : i32
      %dma_start3A_269 = tpu.memref_slice %arg8[%dma_start3A_268] : memref<21504xf32, #tpu.memory_space<vmem>> -> memref<1024xf32, #tpu.memory_space<vmem>>
      %dma_start3A_270 = tpu.memref_slice %arg4[%add3A_267] : memref<68812800xf32, #tpu.memory_space<hbm>> -> memref<1024xf32, #tpu.memory_space<hbm>>
      %dma_start3A_271 = tpu.memref_slice %arg4[%add3A_267] : memref<68812800xf32, #tpu.memory_space<hbm>> -> memref<1024xf32, #tpu.memory_space<hbm>>
      %dma_start3A_272 = arith.constant 20480 : i32
      %dma_start3A_273 = tpu.memref_slice %arg8[%dma_start3A_272] : memref<21504xf32, #tpu.memory_space<vmem>> -> memref<1024xf32, #tpu.memory_space<vmem>>
      tpu.enqueue_dma source(%dma_start3A_273 : memref<1024xf32, #tpu.memory_space<vmem>>) target(%dma_start3A_271 : memref<1024xf32, #tpu.memory_space<hbm>>) target_semaphore(%arg10 : memref<!tpu.dma_semaphore, #tpu.memory_space<semaphore_mem>>)
      %ge3A_274 = arith.constant 1 : i32
      %ge3A_275 = arith.cmpi sge, %scan3A_52, %ge3A_274 : i32
      %or3A_276 = arith.constant true
      %or3A_277 = arith.ori %ge3A_275, %or3A_276 : i1
      %convert_element_type3A_278 = arith.extui %or3A_277 : i1 to i32
      %cond3A_279 = arith.constant 0 : i32
      %cond3A_280 = arith.cmpi ne, %convert_element_type3A_278, %cond3A_279 : i32
      scf.if %cond3A_280 {
        %dma_wait3A_501 = arith.constant 0 : i32
        %dma_wait3A_502 = tpu.memref_slice %arg4[%dma_wait3A_501] : memref<68812800xf32, #tpu.memory_space<hbm>> -> memref<21504xf32, #tpu.memory_space<hbm>>
        %dma_wait3A_503 = arith.constant 0 : i32
        %dma_wait3A_504 = tpu.memref_slice %arg4[%dma_wait3A_503] : memref<68812800xf32, #tpu.memory_space<hbm>> -> memref<21504xf32, #tpu.memory_space<hbm>>
        tpu.wait_dma2 semaphore(%arg11 : memref<!tpu.dma_semaphore, #tpu.memory_space<semaphore_mem>>) src(%dma_wait3A_504 : memref<21504xf32, #tpu.memory_space<hbm>>) dst(%arg9 : memref<21504xf32, #tpu.memory_space<vmem>>)
      } else {
      }
      %parallel_loop3A_281 = arith.constant 0 : i32
      %parallel_loop3A_282 = arith.constant 64 : i32
      %parallel_loop3A_283 = arith.constant 1 : i32
      %parallel_loop3A_284 = arith.constant 0 : i32
      %parallel_loop3A_285 = scf.for %parallel_loop3A_501 = %parallel_loop3A_281 to %parallel_loop3A_282 step %parallel_loop3A_283 iter_args(%parallel_loop3A_502 = %parallel_loop3A_284) -> (i32)  : i32 {
        %parallel_loop3A_503 = arith.constant 8 : i32
        %parallel_loop3A_504 = arith.divsi %parallel_loop3A_501, %parallel_loop3A_503 : i32
        %parallel_loop3A_505 = arith.constant 0 : i32
        %parallel_loop3A_506 = arith.cmpi sgt, %parallel_loop3A_501, %parallel_loop3A_505 : i32
        %parallel_loop3A_507 = arith.extui %parallel_loop3A_506 : i1 to i32
        %parallel_loop3A_508 = arith.constant 0 : i32
        %parallel_loop3A_509 = arith.cmpi slt, %parallel_loop3A_501, %parallel_loop3A_508 : i32
        %parallel_loop3A_510 = arith.extui %parallel_loop3A_509 : i1 to i32
        %parallel_loop3A_511 = arith.subi %parallel_loop3A_507, %parallel_loop3A_510 : i32
        %parallel_loop3A_512 = arith.constant 0 : i32
        %parallel_loop3A_513 = arith.cmpi sgt, %parallel_loop3A_503, %parallel_loop3A_512 : i32
        %parallel_loop3A_514 = arith.extui %parallel_loop3A_513 : i1 to i32
        %parallel_loop3A_515 = arith.constant 0 : i32
        %parallel_loop3A_516 = arith.cmpi slt, %parallel_loop3A_503, %parallel_loop3A_515 : i32
        %parallel_loop3A_517 = arith.extui %parallel_loop3A_516 : i1 to i32
        %parallel_loop3A_518 = arith.subi %parallel_loop3A_514, %parallel_loop3A_517 : i32
        %parallel_loop3A_519 = arith.cmpi ne, %parallel_loop3A_511, %parallel_loop3A_518 : i32
        %parallel_loop3A_520 = arith.remsi %parallel_loop3A_501, %parallel_loop3A_503 : i32
        %parallel_loop3A_521 = arith.constant 0 : i32
        %parallel_loop3A_522 = arith.cmpi ne, %parallel_loop3A_520, %parallel_loop3A_521 : i32
        %parallel_loop3A_523 = arith.andi %parallel_loop3A_519, %parallel_loop3A_522 : i1
        %parallel_loop3A_524 = arith.constant 1 : i32
        %parallel_loop3A_525 = arith.subi %parallel_loop3A_504, %parallel_loop3A_524 : i32
        %parallel_loop3A_526 = arith.select %parallel_loop3A_523, %parallel_loop3A_525, %parallel_loop3A_504 : i32
        %parallel_loop3A_527 = arith.constant 8 : i32
        %parallel_loop3A_528 = arith.constant 0 : i32
        %parallel_loop3A_529 = arith.cmpi eq, %parallel_loop3A_527, %parallel_loop3A_528 : i32
        %parallel_loop3A_530 = arith.constant 1 : i32
        %parallel_loop3A_531 = arith.select %parallel_loop3A_529, %parallel_loop3A_530, %parallel_loop3A_527 : i32
        %parallel_loop3A_532 = arith.remsi %parallel_loop3A_501, %parallel_loop3A_531 : i32
        %parallel_loop3A_533 = arith.constant 0 : i32
        %parallel_loop3A_534 = arith.cmpi ne, %parallel_loop3A_532, %parallel_loop3A_533 : i32
        %parallel_loop3A_535 = arith.constant 0 : i32
        %parallel_loop3A_536 = arith.cmpi slt, %parallel_loop3A_532, %parallel_loop3A_535 : i32
        %parallel_loop3A_537 = arith.constant 0 : i32
        %parallel_loop3A_538 = arith.cmpi slt, %parallel_loop3A_531, %parallel_loop3A_537 : i32
        %parallel_loop3A_539 = arith.xori %parallel_loop3A_536, %parallel_loop3A_538 : i1
        %parallel_loop3A_540 = arith.andi %parallel_loop3A_539, %parallel_loop3A_534 : i1
        %parallel_loop3A_541 = arith.addi %parallel_loop3A_532, %parallel_loop3A_531 : i32
        %parallel_loop3A_542 = arith.select %parallel_loop3A_540, %parallel_loop3A_541, %parallel_loop3A_532 : i32
        %parallel_loop3A_543 = arith.constant 8 : i32
        %parallel_loop3A_544 = arith.muli %scan3A_52, %parallel_loop3A_543 : i32
        %parallel_loop3A_545 = arith.constant 3200 : i32
        %parallel_loop3A_546 = arith.muli %parallel_loop3A_542, %parallel_loop3A_545 : i32
        %parallel_loop3A_547 = arith.addi %parallel_loop3A_546, %parallel_loop3A_526 : i32
        %parallel_loop3A_548 = arith.addi %parallel_loop3A_544, %parallel_loop3A_547 : i32
        %parallel_loop3A_549 = vector.broadcast %parallel_loop3A_548 : i32 to vector<16xi32>
        %parallel_loop3A_550 = arith.addi %mul3A_5, %parallel_loop3A_549 : vector<16xi32>
        %parallel_loop3A_551 = tpu.vector_load_idx %arg7[%parallel_loop3A_550] : memref<25600xi32, #tpu.memory_space<vmem>>[vector<16xi32>], vector<16xi32>,
        %parallel_loop3A_552 = arith.constant 21 : i32
        %parallel_loop3A_553 = vector.broadcast %parallel_loop3A_552 : i32 to vector<16xi32>
        %parallel_loop3A_554 = arith.muli %parallel_loop3A_551, %parallel_loop3A_553 : vector<16xi32>
        %parallel_loop3A_555 = arith.constant 0 : i32
        %parallel_loop3A_556 = vector.broadcast %parallel_loop3A_555 : i32 to vector<16xi32>
        %parallel_loop3A_557 = arith.addi %parallel_loop3A_554, %parallel_loop3A_556 : vector<16xi32>
        %parallel_loop3A_558 = tpu.vector_load_idx %arg5[%parallel_loop3A_557] : memref<440xf32, #tpu.memory_space<vmem>>[vector<16xi32>], vector<16xf32>,
        %parallel_loop3A_559 = arith.constant 1 : i32
        %parallel_loop3A_560 = vector.broadcast %parallel_loop3A_559 : i32 to vector<16xi32>
        %parallel_loop3A_561 = arith.addi %parallel_loop3A_554, %parallel_loop3A_560 : vector<16xi32>
        %parallel_loop3A_562 = tpu.vector_load_idx %arg5[%parallel_loop3A_561] : memref<440xf32, #tpu.memory_space<vmem>>[vector<16xi32>], vector<16xf32>,
        %parallel_loop3A_563 = arith.constant 2 : i32
        %parallel_loop3A_564 = vector.broadcast %parallel_loop3A_563 : i32 to vector<16xi32>
        %parallel_loop3A_565 = arith.addi %parallel_loop3A_554, %parallel_loop3A_564 : vector<16xi32>
        %parallel_loop3A_566 = tpu.vector_load_idx %arg5[%parallel_loop3A_565] : memref<440xf32, #tpu.memory_space<vmem>>[vector<16xi32>], vector<16xf32>,
        %parallel_loop3A_567 = arith.constant 3 : i32
        %parallel_loop3A_568 = vector.broadcast %parallel_loop3A_567 : i32 to vector<16xi32>
        %parallel_loop3A_569 = arith.addi %parallel_loop3A_554, %parallel_loop3A_568 : vector<16xi32>
        %parallel_loop3A_570 = tpu.vector_load_idx %arg5[%parallel_loop3A_569] : memref<440xf32, #tpu.memory_space<vmem>>[vector<16xi32>], vector<16xf32>,
        %parallel_loop3A_571 = arith.constant 4 : i32
        %parallel_loop3A_572 = vector.broadcast %parallel_loop3A_571 : i32 to vector<16xi32>
        %parallel_loop3A_573 = arith.addi %parallel_loop3A_554, %parallel_loop3A_572 : vector<16xi32>
        %parallel_loop3A_574 = tpu.vector_load_idx %arg5[%parallel_loop3A_573] : memref<440xf32, #tpu.memory_space<vmem>>[vector<16xi32>], vector<16xf32>,
        %parallel_loop3A_575 = arith.constant 5 : i32
        %parallel_loop3A_576 = vector.broadcast %parallel_loop3A_575 : i32 to vector<16xi32>
        %parallel_loop3A_577 = arith.addi %parallel_loop3A_554, %parallel_loop3A_576 : vector<16xi32>
        %parallel_loop3A_578 = tpu.vector_load_idx %arg5[%parallel_loop3A_577] : memref<440xf32, #tpu.memory_space<vmem>>[vector<16xi32>], vector<16xf32>,
        %parallel_loop3A_579 = arith.constant 6 : i32
        %parallel_loop3A_580 = vector.broadcast %parallel_loop3A_579 : i32 to vector<16xi32>
        %parallel_loop3A_581 = arith.addi %parallel_loop3A_554, %parallel_loop3A_580 : vector<16xi32>
        %parallel_loop3A_582 = tpu.vector_load_idx %arg5[%parallel_loop3A_581] : memref<440xf32, #tpu.memory_space<vmem>>[vector<16xi32>], vector<16xf32>,
        %parallel_loop3A_583 = arith.constant 7 : i32
        %parallel_loop3A_584 = vector.broadcast %parallel_loop3A_583 : i32 to vector<16xi32>
        %parallel_loop3A_585 = arith.addi %parallel_loop3A_554, %parallel_loop3A_584 : vector<16xi32>
        %parallel_loop3A_586 = tpu.vector_load_idx %arg5[%parallel_loop3A_585] : memref<440xf32, #tpu.memory_space<vmem>>[vector<16xi32>], vector<16xf32>,
        %parallel_loop3A_587 = arith.constant 8 : i32
        %parallel_loop3A_588 = vector.broadcast %parallel_loop3A_587 : i32 to vector<16xi32>
        %parallel_loop3A_589 = arith.addi %parallel_loop3A_554, %parallel_loop3A_588 : vector<16xi32>
        %parallel_loop3A_590 = tpu.vector_load_idx %arg5[%parallel_loop3A_589] : memref<440xf32, #tpu.memory_space<vmem>>[vector<16xi32>], vector<16xf32>,
        %parallel_loop3A_591 = arith.constant 9 : i32
        %parallel_loop3A_592 = vector.broadcast %parallel_loop3A_591 : i32 to vector<16xi32>
        %parallel_loop3A_593 = arith.addi %parallel_loop3A_554, %parallel_loop3A_592 : vector<16xi32>
        %parallel_loop3A_594 = tpu.vector_load_idx %arg5[%parallel_loop3A_593] : memref<440xf32, #tpu.memory_space<vmem>>[vector<16xi32>], vector<16xf32>,
        %parallel_loop3A_595 = arith.constant 10 : i32
        %parallel_loop3A_596 = vector.broadcast %parallel_loop3A_595 : i32 to vector<16xi32>
        %parallel_loop3A_597 = arith.addi %parallel_loop3A_554, %parallel_loop3A_596 : vector<16xi32>
        %parallel_loop3A_598 = tpu.vector_load_idx %arg5[%parallel_loop3A_597] : memref<440xf32, #tpu.memory_space<vmem>>[vector<16xi32>], vector<16xf32>,
        %parallel_loop3A_599 = arith.constant 11 : i32
        %parallel_loop3A_600 = vector.broadcast %parallel_loop3A_599 : i32 to vector<16xi32>
        %parallel_loop3A_601 = arith.addi %parallel_loop3A_554, %parallel_loop3A_600 : vector<16xi32>
        %parallel_loop3A_602 = tpu.vector_load_idx %arg5[%parallel_loop3A_601] : memref<440xf32, #tpu.memory_space<vmem>>[vector<16xi32>], vector<16xf32>,
        %parallel_loop3A_603 = arith.constant 12 : i32
        %parallel_loop3A_604 = vector.broadcast %parallel_loop3A_603 : i32 to vector<16xi32>
        %parallel_loop3A_605 = arith.addi %parallel_loop3A_554, %parallel_loop3A_604 : vector<16xi32>
        %parallel_loop3A_606 = tpu.vector_load_idx %arg5[%parallel_loop3A_605] : memref<440xf32, #tpu.memory_space<vmem>>[vector<16xi32>], vector<16xf32>,
        %parallel_loop3A_607 = arith.constant 13 : i32
        %parallel_loop3A_608 = vector.broadcast %parallel_loop3A_607 : i32 to vector<16xi32>
        %parallel_loop3A_609 = arith.addi %parallel_loop3A_554, %parallel_loop3A_608 : vector<16xi32>
        %parallel_loop3A_610 = tpu.vector_load_idx %arg5[%parallel_loop3A_609] : memref<440xf32, #tpu.memory_space<vmem>>[vector<16xi32>], vector<16xf32>,
        %parallel_loop3A_611 = arith.constant 14 : i32
        %parallel_loop3A_612 = vector.broadcast %parallel_loop3A_611 : i32 to vector<16xi32>
        %parallel_loop3A_613 = arith.addi %parallel_loop3A_554, %parallel_loop3A_612 : vector<16xi32>
        %parallel_loop3A_614 = tpu.vector_load_idx %arg5[%parallel_loop3A_613] : memref<440xf32, #tpu.memory_space<vmem>>[vector<16xi32>], vector<16xf32>,
        %parallel_loop3A_615 = arith.constant 15 : i32
        %parallel_loop3A_616 = vector.broadcast %parallel_loop3A_615 : i32 to vector<16xi32>
        %parallel_loop3A_617 = arith.addi %parallel_loop3A_554, %parallel_loop3A_616 : vector<16xi32>
        %parallel_loop3A_618 = tpu.vector_load_idx %arg5[%parallel_loop3A_617] : memref<440xf32, #tpu.memory_space<vmem>>[vector<16xi32>], vector<16xf32>,
        %parallel_loop3A_619 = arith.constant 16 : i32
        %parallel_loop3A_620 = vector.broadcast %parallel_loop3A_619 : i32 to vector<16xi32>
        %parallel_loop3A_621 = arith.addi %parallel_loop3A_554, %parallel_loop3A_620 : vector<16xi32>
        %parallel_loop3A_622 = tpu.vector_load_idx %arg5[%parallel_loop3A_621] : memref<440xf32, #tpu.memory_space<vmem>>[vector<16xi32>], vector<16xf32>,
        %parallel_loop3A_623 = arith.constant 17 : i32
        %parallel_loop3A_624 = vector.broadcast %parallel_loop3A_623 : i32 to vector<16xi32>
        %parallel_loop3A_625 = arith.addi %parallel_loop3A_554, %parallel_loop3A_624 : vector<16xi32>
        %parallel_loop3A_626 = tpu.vector_load_idx %arg5[%parallel_loop3A_625] : memref<440xf32, #tpu.memory_space<vmem>>[vector<16xi32>], vector<16xf32>,
        %parallel_loop3A_627 = arith.constant 18 : i32
        %parallel_loop3A_628 = vector.broadcast %parallel_loop3A_627 : i32 to vector<16xi32>
        %parallel_loop3A_629 = arith.addi %parallel_loop3A_554, %parallel_loop3A_628 : vector<16xi32>
        %parallel_loop3A_630 = tpu.vector_load_idx %arg5[%parallel_loop3A_629] : memref<440xf32, #tpu.memory_space<vmem>>[vector<16xi32>], vector<16xf32>,
        %parallel_loop3A_631 = arith.constant 19 : i32
        %parallel_loop3A_632 = vector.broadcast %parallel_loop3A_631 : i32 to vector<16xi32>
        %parallel_loop3A_633 = arith.addi %parallel_loop3A_554, %parallel_loop3A_632 : vector<16xi32>
        %parallel_loop3A_634 = tpu.vector_load_idx %arg5[%parallel_loop3A_633] : memref<440xf32, #tpu.memory_space<vmem>>[vector<16xi32>], vector<16xf32>,
        %parallel_loop3A_635 = arith.constant 20 : i32
        %parallel_loop3A_636 = vector.broadcast %parallel_loop3A_635 : i32 to vector<16xi32>
        %parallel_loop3A_637 = arith.addi %parallel_loop3A_554, %parallel_loop3A_636 : vector<16xi32>
        %parallel_loop3A_638 = tpu.vector_load_idx %arg5[%parallel_loop3A_637] : memref<440xf32, #tpu.memory_space<vmem>>[vector<16xi32>], vector<16xf32>,
        %parallel_loop3A_639 = arith.constant 16 : i32
        %parallel_loop3A_640 = arith.muli %parallel_loop3A_501, %parallel_loop3A_639 : i32
        %parallel_loop3A_641 = arith.constant 0 : i32
        %parallel_loop3A_642 = arith.addi %parallel_loop3A_641, %parallel_loop3A_640 : i32
        %parallel_loop3A_643 = arith.index_cast %parallel_loop3A_642 : i32 to index
        %parallel_loop3A_644 = tpu.vector_load %arg9[%parallel_loop3A_643] {strides = array<i32>} : memref<21504xf32, #tpu.memory_space<vmem>>, vector<16xf32>,
        tpu.vector_store %arg9[%parallel_loop3A_643], %parallel_loop3A_558 {strides = array<i32>} : memref<21504xf32, #tpu.memory_space<vmem>>, vector<16xf32>,
        %parallel_loop3A_645 = arith.constant 16 : i32
        %parallel_loop3A_646 = arith.muli %parallel_loop3A_501, %parallel_loop3A_645 : i32
        %parallel_loop3A_647 = arith.constant 1024 : i32
        %parallel_loop3A_648 = arith.addi %parallel_loop3A_647, %parallel_loop3A_646 : i32
        %parallel_loop3A_649 = arith.index_cast %parallel_loop3A_648 : i32 to index
        %parallel_loop3A_650 = tpu.vector_load %arg9[%parallel_loop3A_649] {strides = array<i32>} : memref<21504xf32, #tpu.memory_space<vmem>>, vector<16xf32>,
        tpu.vector_store %arg9[%parallel_loop3A_649], %parallel_loop3A_562 {strides = array<i32>} : memref<21504xf32, #tpu.memory_space<vmem>>, vector<16xf32>,
        %parallel_loop3A_651 = arith.constant 16 : i32
        %parallel_loop3A_652 = arith.muli %parallel_loop3A_501, %parallel_loop3A_651 : i32
        %parallel_loop3A_653 = arith.constant 2048 : i32
        %parallel_loop3A_654 = arith.addi %parallel_loop3A_653, %parallel_loop3A_652 : i32
        %parallel_loop3A_655 = arith.index_cast %parallel_loop3A_654 : i32 to index
        %parallel_loop3A_656 = tpu.vector_load %arg9[%parallel_loop3A_655] {strides = array<i32>} : memref<21504xf32, #tpu.memory_space<vmem>>, vector<16xf32>,
        tpu.vector_store %arg9[%parallel_loop3A_655], %parallel_loop3A_566 {strides = array<i32>} : memref<21504xf32, #tpu.memory_space<vmem>>, vector<16xf32>,
        %parallel_loop3A_657 = arith.constant 16 : i32
        %parallel_loop3A_658 = arith.muli %parallel_loop3A_501, %parallel_loop3A_657 : i32
        %parallel_loop3A_659 = arith.constant 3072 : i32
        %parallel_loop3A_660 = arith.addi %parallel_loop3A_659, %parallel_loop3A_658 : i32
        %parallel_loop3A_661 = arith.index_cast %parallel_loop3A_660 : i32 to index
        %parallel_loop3A_662 = tpu.vector_load %arg9[%parallel_loop3A_661] {strides = array<i32>} : memref<21504xf32, #tpu.memory_space<vmem>>, vector<16xf32>,
        tpu.vector_store %arg9[%parallel_loop3A_661], %parallel_loop3A_570 {strides = array<i32>} : memref<21504xf32, #tpu.memory_space<vmem>>, vector<16xf32>,
        %parallel_loop3A_663 = arith.constant 16 : i32
        %parallel_loop3A_664 = arith.muli %parallel_loop3A_501, %parallel_loop3A_663 : i32
        %parallel_loop3A_665 = arith.constant 4096 : i32
        %parallel_loop3A_666 = arith.addi %parallel_loop3A_665, %parallel_loop3A_664 : i32
        %parallel_loop3A_667 = arith.index_cast %parallel_loop3A_666 : i32 to index
        %parallel_loop3A_668 = tpu.vector_load %arg9[%parallel_loop3A_667] {strides = array<i32>} : memref<21504xf32, #tpu.memory_space<vmem>>, vector<16xf32>,
        tpu.vector_store %arg9[%parallel_loop3A_667], %parallel_loop3A_574 {strides = array<i32>} : memref<21504xf32, #tpu.memory_space<vmem>>, vector<16xf32>,
        %parallel_loop3A_669 = arith.constant 16 : i32
        %parallel_loop3A_670 = arith.muli %parallel_loop3A_501, %parallel_loop3A_669 : i32
        %parallel_loop3A_671 = arith.constant 5120 : i32
        %parallel_loop3A_672 = arith.addi %parallel_loop3A_671, %parallel_loop3A_670 : i32
        %parallel_loop3A_673 = arith.index_cast %parallel_loop3A_672 : i32 to index
        %parallel_loop3A_674 = tpu.vector_load %arg9[%parallel_loop3A_673] {strides = array<i32>} : memref<21504xf32, #tpu.memory_space<vmem>>, vector<16xf32>,
        tpu.vector_store %arg9[%parallel_loop3A_673], %parallel_loop3A_578 {strides = array<i32>} : memref<21504xf32, #tpu.memory_space<vmem>>, vector<16xf32>,
        %parallel_loop3A_675 = arith.constant 16 : i32
        %parallel_loop3A_676 = arith.muli %parallel_loop3A_501, %parallel_loop3A_675 : i32
        %parallel_loop3A_677 = arith.constant 6144 : i32
        %parallel_loop3A_678 = arith.addi %parallel_loop3A_677, %parallel_loop3A_676 : i32
        %parallel_loop3A_679 = arith.index_cast %parallel_loop3A_678 : i32 to index
        %parallel_loop3A_680 = tpu.vector_load %arg9[%parallel_loop3A_679] {strides = array<i32>} : memref<21504xf32, #tpu.memory_space<vmem>>, vector<16xf32>,
        tpu.vector_store %arg9[%parallel_loop3A_679], %parallel_loop3A_582 {strides = array<i32>} : memref<21504xf32, #tpu.memory_space<vmem>>, vector<16xf32>,
        %parallel_loop3A_681 = arith.constant 16 : i32
        %parallel_loop3A_682 = arith.muli %parallel_loop3A_501, %parallel_loop3A_681 : i32
        %parallel_loop3A_683 = arith.constant 7168 : i32
        %parallel_loop3A_684 = arith.addi %parallel_loop3A_683, %parallel_loop3A_682 : i32
        %parallel_loop3A_685 = arith.index_cast %parallel_loop3A_684 : i32 to index
        %parallel_loop3A_686 = tpu.vector_load %arg9[%parallel_loop3A_685] {strides = array<i32>} : memref<21504xf32, #tpu.memory_space<vmem>>, vector<16xf32>,
        tpu.vector_store %arg9[%parallel_loop3A_685], %parallel_loop3A_586 {strides = array<i32>} : memref<21504xf32, #tpu.memory_space<vmem>>, vector<16xf32>,
        %parallel_loop3A_687 = arith.constant 16 : i32
        %parallel_loop3A_688 = arith.muli %parallel_loop3A_501, %parallel_loop3A_687 : i32
        %parallel_loop3A_689 = arith.constant 8192 : i32
        %parallel_loop3A_690 = arith.addi %parallel_loop3A_689, %parallel_loop3A_688 : i32
        %parallel_loop3A_691 = arith.index_cast %parallel_loop3A_690 : i32 to index
        %parallel_loop3A_692 = tpu.vector_load %arg9[%parallel_loop3A_691] {strides = array<i32>} : memref<21504xf32, #tpu.memory_space<vmem>>, vector<16xf32>,
        tpu.vector_store %arg9[%parallel_loop3A_691], %parallel_loop3A_590 {strides = array<i32>} : memref<21504xf32, #tpu.memory_space<vmem>>, vector<16xf32>,
        %parallel_loop3A_693 = arith.constant 16 : i32
        %parallel_loop3A_694 = arith.muli %parallel_loop3A_501, %parallel_loop3A_693 : i32
        %parallel_loop3A_695 = arith.constant 9216 : i32
        %parallel_loop3A_696 = arith.addi %parallel_loop3A_695, %parallel_loop3A_694 : i32
        %parallel_loop3A_697 = arith.index_cast %parallel_loop3A_696 : i32 to index
        %parallel_loop3A_698 = tpu.vector_load %arg9[%parallel_loop3A_697] {strides = array<i32>} : memref<21504xf32, #tpu.memory_space<vmem>>, vector<16xf32>,
        tpu.vector_store %arg9[%parallel_loop3A_697], %parallel_loop3A_594 {strides = array<i32>} : memref<21504xf32, #tpu.memory_space<vmem>>, vector<16xf32>,
        %parallel_loop3A_699 = arith.constant 16 : i32
        %parallel_loop3A_700 = arith.muli %parallel_loop3A_501, %parallel_loop3A_699 : i32
        %parallel_loop3A_701 = arith.constant 10240 : i32
        %parallel_loop3A_702 = arith.addi %parallel_loop3A_701, %parallel_loop3A_700 : i32
        %parallel_loop3A_703 = arith.index_cast %parallel_loop3A_702 : i32 to index
        %parallel_loop3A_704 = tpu.vector_load %arg9[%parallel_loop3A_703] {strides = array<i32>} : memref<21504xf32, #tpu.memory_space<vmem>>, vector<16xf32>,
        tpu.vector_store %arg9[%parallel_loop3A_703], %parallel_loop3A_598 {strides = array<i32>} : memref<21504xf32, #tpu.memory_space<vmem>>, vector<16xf32>,
        %parallel_loop3A_705 = arith.constant 16 : i32
        %parallel_loop3A_706 = arith.muli %parallel_loop3A_501, %parallel_loop3A_705 : i32
        %parallel_loop3A_707 = arith.constant 11264 : i32
        %parallel_loop3A_708 = arith.addi %parallel_loop3A_707, %parallel_loop3A_706 : i32
        %parallel_loop3A_709 = arith.index_cast %parallel_loop3A_708 : i32 to index
        %parallel_loop3A_710 = tpu.vector_load %arg9[%parallel_loop3A_709] {strides = array<i32>} : memref<21504xf32, #tpu.memory_space<vmem>>, vector<16xf32>,
        tpu.vector_store %arg9[%parallel_loop3A_709], %parallel_loop3A_602 {strides = array<i32>} : memref<21504xf32, #tpu.memory_space<vmem>>, vector<16xf32>,
        %parallel_loop3A_711 = arith.constant 16 : i32
        %parallel_loop3A_712 = arith.muli %parallel_loop3A_501, %parallel_loop3A_711 : i32
        %parallel_loop3A_713 = arith.constant 12288 : i32
        %parallel_loop3A_714 = arith.addi %parallel_loop3A_713, %parallel_loop3A_712 : i32
        %parallel_loop3A_715 = arith.index_cast %parallel_loop3A_714 : i32 to index
        %parallel_loop3A_716 = tpu.vector_load %arg9[%parallel_loop3A_715] {strides = array<i32>} : memref<21504xf32, #tpu.memory_space<vmem>>, vector<16xf32>,
        tpu.vector_store %arg9[%parallel_loop3A_715], %parallel_loop3A_606 {strides = array<i32>} : memref<21504xf32, #tpu.memory_space<vmem>>, vector<16xf32>,
        %parallel_loop3A_717 = arith.constant 16 : i32
        %parallel_loop3A_718 = arith.muli %parallel_loop3A_501, %parallel_loop3A_717 : i32
        %parallel_loop3A_719 = arith.constant 13312 : i32
        %parallel_loop3A_720 = arith.addi %parallel_loop3A_719, %parallel_loop3A_718 : i32
        %parallel_loop3A_721 = arith.index_cast %parallel_loop3A_720 : i32 to index
        %parallel_loop3A_722 = tpu.vector_load %arg9[%parallel_loop3A_721] {strides = array<i32>} : memref<21504xf32, #tpu.memory_space<vmem>>, vector<16xf32>,
        tpu.vector_store %arg9[%parallel_loop3A_721], %parallel_loop3A_610 {strides = array<i32>} : memref<21504xf32, #tpu.memory_space<vmem>>, vector<16xf32>,
        %parallel_loop3A_723 = arith.constant 16 : i32
        %parallel_loop3A_724 = arith.muli %parallel_loop3A_501, %parallel_loop3A_723 : i32
        %parallel_loop3A_725 = arith.constant 14336 : i32
        %parallel_loop3A_726 = arith.addi %parallel_loop3A_725, %parallel_loop3A_724 : i32
        %parallel_loop3A_727 = arith.index_cast %parallel_loop3A_726 : i32 to index
        %parallel_loop3A_728 = tpu.vector_load %arg9[%parallel_loop3A_727] {strides = array<i32>} : memref<21504xf32, #tpu.memory_space<vmem>>, vector<16xf32>,
        tpu.vector_store %arg9[%parallel_loop3A_727], %parallel_loop3A_614 {strides = array<i32>} : memref<21504xf32, #tpu.memory_space<vmem>>, vector<16xf32>,
        %parallel_loop3A_729 = arith.constant 16 : i32
        %parallel_loop3A_730 = arith.muli %parallel_loop3A_501, %parallel_loop3A_729 : i32
        %parallel_loop3A_731 = arith.constant 15360 : i32
        %parallel_loop3A_732 = arith.addi %parallel_loop3A_731, %parallel_loop3A_730 : i32
        %parallel_loop3A_733 = arith.index_cast %parallel_loop3A_732 : i32 to index
        %parallel_loop3A_734 = tpu.vector_load %arg9[%parallel_loop3A_733] {strides = array<i32>} : memref<21504xf32, #tpu.memory_space<vmem>>, vector<16xf32>,
        tpu.vector_store %arg9[%parallel_loop3A_733], %parallel_loop3A_618 {strides = array<i32>} : memref<21504xf32, #tpu.memory_space<vmem>>, vector<16xf32>,
        %parallel_loop3A_735 = arith.constant 16 : i32
        %parallel_loop3A_736 = arith.muli %parallel_loop3A_501, %parallel_loop3A_735 : i32
        %parallel_loop3A_737 = arith.constant 16384 : i32
        %parallel_loop3A_738 = arith.addi %parallel_loop3A_737, %parallel_loop3A_736 : i32
        %parallel_loop3A_739 = arith.index_cast %parallel_loop3A_738 : i32 to index
        %parallel_loop3A_740 = tpu.vector_load %arg9[%parallel_loop3A_739] {strides = array<i32>} : memref<21504xf32, #tpu.memory_space<vmem>>, vector<16xf32>,
        tpu.vector_store %arg9[%parallel_loop3A_739], %parallel_loop3A_622 {strides = array<i32>} : memref<21504xf32, #tpu.memory_space<vmem>>, vector<16xf32>,
        %parallel_loop3A_741 = arith.constant 16 : i32
        %parallel_loop3A_742 = arith.muli %parallel_loop3A_501, %parallel_loop3A_741 : i32
        %parallel_loop3A_743 = arith.constant 17408 : i32
        %parallel_loop3A_744 = arith.addi %parallel_loop3A_743, %parallel_loop3A_742 : i32
        %parallel_loop3A_745 = arith.index_cast %parallel_loop3A_744 : i32 to index
        %parallel_loop3A_746 = tpu.vector_load %arg9[%parallel_loop3A_745] {strides = array<i32>} : memref<21504xf32, #tpu.memory_space<vmem>>, vector<16xf32>,
        tpu.vector_store %arg9[%parallel_loop3A_745], %parallel_loop3A_626 {strides = array<i32>} : memref<21504xf32, #tpu.memory_space<vmem>>, vector<16xf32>,
        %parallel_loop3A_747 = arith.constant 16 : i32
        %parallel_loop3A_748 = arith.muli %parallel_loop3A_501, %parallel_loop3A_747 : i32
        %parallel_loop3A_749 = arith.constant 18432 : i32
        %parallel_loop3A_750 = arith.addi %parallel_loop3A_749, %parallel_loop3A_748 : i32
        %parallel_loop3A_751 = arith.index_cast %parallel_loop3A_750 : i32 to index
        %parallel_loop3A_752 = tpu.vector_load %arg9[%parallel_loop3A_751] {strides = array<i32>} : memref<21504xf32, #tpu.memory_space<vmem>>, vector<16xf32>,
        tpu.vector_store %arg9[%parallel_loop3A_751], %parallel_loop3A_630 {strides = array<i32>} : memref<21504xf32, #tpu.memory_space<vmem>>, vector<16xf32>,
        %parallel_loop3A_753 = arith.constant 16 : i32
        %parallel_loop3A_754 = arith.muli %parallel_loop3A_501, %parallel_loop3A_753 : i32
        %parallel_loop3A_755 = arith.constant 19456 : i32
        %parallel_loop3A_756 = arith.addi %parallel_loop3A_755, %parallel_loop3A_754 : i32
        %parallel_loop3A_757 = arith.index_cast %parallel_loop3A_756 : i32 to index
        %parallel_loop3A_758 = tpu.vector_load %arg9[%parallel_loop3A_757] {strides = array<i32>} : memref<21504xf32, #tpu.memory_space<vmem>>, vector<16xf32>,
        tpu.vector_store %arg9[%parallel_loop3A_757], %parallel_loop3A_634 {strides = array<i32>} : memref<21504xf32, #tpu.memory_space<vmem>>, vector<16xf32>,
        %parallel_loop3A_759 = arith.constant 16 : i32
        %parallel_loop3A_760 = arith.muli %parallel_loop3A_501, %parallel_loop3A_759 : i32
        %parallel_loop3A_761 = arith.constant 20480 : i32
        %parallel_loop3A_762 = arith.addi %parallel_loop3A_761, %parallel_loop3A_760 : i32
        %parallel_loop3A_763 = arith.index_cast %parallel_loop3A_762 : i32 to index
        %parallel_loop3A_764 = tpu.vector_load %arg9[%parallel_loop3A_763] {strides = array<i32>} : memref<21504xf32, #tpu.memory_space<vmem>>, vector<16xf32>,
        tpu.vector_store %arg9[%parallel_loop3A_763], %parallel_loop3A_638 {strides = array<i32>} : memref<21504xf32, #tpu.memory_space<vmem>>, vector<16xf32>,
        scf.yield %parallel_loop3A_502 : i32
      } {sc.loop_unroll_factor = 1 : i64, sc.parallel_access}
      %add3A_286 = arith.constant 1 : i32
      %add3A_287 = arith.addi %add3A_26, %add3A_286 : i32
      %mul3A_288 = arith.constant 128 : i32
      %mul3A_289 = arith.muli %scan3A_52, %mul3A_288 : i32
      %add3A_290 = arith.addi %mul3A_289, %add3A_287 : i32
      %mul3A_291 = arith.constant 1024 : i32
      %mul3A_292 = arith.muli %add3A_290, %mul3A_291 : i32
      %add3A_293 = arith.constant 0 : i32
      %add3A_294 = arith.addi %add3A_293, %mul3A_292 : i32
      %dma_start3A_295 = arith.constant 0 : i32
      %dma_start3A_296 = tpu.memref_slice %arg9[%dma_start3A_295] : memref<21504xf32, #tpu.memory_space<vmem>> -> memref<1024xf32, #tpu.memory_space<vmem>>
      %dma_start3A_297 = tpu.memref_slice %arg4[%add3A_294] : memref<68812800xf32, #tpu.memory_space<hbm>> -> memref<1024xf32, #tpu.memory_space<hbm>>
      %dma_start3A_298 = tpu.memref_slice %arg4[%add3A_294] : memref<68812800xf32, #tpu.memory_space<hbm>> -> memref<1024xf32, #tpu.memory_space<hbm>>
      %dma_start3A_299 = arith.constant 0 : i32
      %dma_start3A_300 = tpu.memref_slice %arg9[%dma_start3A_299] : memref<21504xf32, #tpu.memory_space<vmem>> -> memref<1024xf32, #tpu.memory_space<vmem>>
      tpu.enqueue_dma source(%dma_start3A_300 : memref<1024xf32, #tpu.memory_space<vmem>>) target(%dma_start3A_298 : memref<1024xf32, #tpu.memory_space<hbm>>) target_semaphore(%arg11 : memref<!tpu.dma_semaphore, #tpu.memory_space<semaphore_mem>>)
      %mul3A_301 = arith.constant 1024 : i32
      %mul3A_302 = arith.muli %add3A_290, %mul3A_301 : i32
      %add3A_303 = arith.constant 3276800 : i32
      %add3A_304 = arith.addi %add3A_303, %mul3A_302 : i32
      %dma_start3A_305 = arith.constant 1024 : i32
      %dma_start3A_306 = tpu.memref_slice %arg9[%dma_start3A_305] : memref<21504xf32, #tpu.memory_space<vmem>> -> memref<1024xf32, #tpu.memory_space<vmem>>
      %dma_start3A_307 = tpu.memref_slice %arg4[%add3A_304] : memref<68812800xf32, #tpu.memory_space<hbm>> -> memref<1024xf32, #tpu.memory_space<hbm>>
      %dma_start3A_308 = tpu.memref_slice %arg4[%add3A_304] : memref<68812800xf32, #tpu.memory_space<hbm>> -> memref<1024xf32, #tpu.memory_space<hbm>>
      %dma_start3A_309 = arith.constant 1024 : i32
      %dma_start3A_310 = tpu.memref_slice %arg9[%dma_start3A_309] : memref<21504xf32, #tpu.memory_space<vmem>> -> memref<1024xf32, #tpu.memory_space<vmem>>
      tpu.enqueue_dma source(%dma_start3A_310 : memref<1024xf32, #tpu.memory_space<vmem>>) target(%dma_start3A_308 : memref<1024xf32, #tpu.memory_space<hbm>>) target_semaphore(%arg11 : memref<!tpu.dma_semaphore, #tpu.memory_space<semaphore_mem>>)
      %mul3A_311 = arith.constant 1024 : i32
      %mul3A_312 = arith.muli %add3A_290, %mul3A_311 : i32
      %add3A_313 = arith.constant 6553600 : i32
      %add3A_314 = arith.addi %add3A_313, %mul3A_312 : i32
      %dma_start3A_315 = arith.constant 2048 : i32
      %dma_start3A_316 = tpu.memref_slice %arg9[%dma_start3A_315] : memref<21504xf32, #tpu.memory_space<vmem>> -> memref<1024xf32, #tpu.memory_space<vmem>>
      %dma_start3A_317 = tpu.memref_slice %arg4[%add3A_314] : memref<68812800xf32, #tpu.memory_space<hbm>> -> memref<1024xf32, #tpu.memory_space<hbm>>
      %dma_start3A_318 = tpu.memref_slice %arg4[%add3A_314] : memref<68812800xf32, #tpu.memory_space<hbm>> -> memref<1024xf32, #tpu.memory_space<hbm>>
      %dma_start3A_319 = arith.constant 2048 : i32
      %dma_start3A_320 = tpu.memref_slice %arg9[%dma_start3A_319] : memref<21504xf32, #tpu.memory_space<vmem>> -> memref<1024xf32, #tpu.memory_space<vmem>>
      tpu.enqueue_dma source(%dma_start3A_320 : memref<1024xf32, #tpu.memory_space<vmem>>) target(%dma_start3A_318 : memref<1024xf32, #tpu.memory_space<hbm>>) target_semaphore(%arg11 : memref<!tpu.dma_semaphore, #tpu.memory_space<semaphore_mem>>)
      %mul3A_321 = arith.constant 1024 : i32
      %mul3A_322 = arith.muli %add3A_290, %mul3A_321 : i32
      %add3A_323 = arith.constant 9830400 : i32
      %add3A_324 = arith.addi %add3A_323, %mul3A_322 : i32
      %dma_start3A_325 = arith.constant 3072 : i32
      %dma_start3A_326 = tpu.memref_slice %arg9[%dma_start3A_325] : memref<21504xf32, #tpu.memory_space<vmem>> -> memref<1024xf32, #tpu.memory_space<vmem>>
      %dma_start3A_327 = tpu.memref_slice %arg4[%add3A_324] : memref<68812800xf32, #tpu.memory_space<hbm>> -> memref<1024xf32, #tpu.memory_space<hbm>>
      %dma_start3A_328 = tpu.memref_slice %arg4[%add3A_324] : memref<68812800xf32, #tpu.memory_space<hbm>> -> memref<1024xf32, #tpu.memory_space<hbm>>
      %dma_start3A_329 = arith.constant 3072 : i32
      %dma_start3A_330 = tpu.memref_slice %arg9[%dma_start3A_329] : memref<21504xf32, #tpu.memory_space<vmem>> -> memref<1024xf32, #tpu.memory_space<vmem>>
      tpu.enqueue_dma source(%dma_start3A_330 : memref<1024xf32, #tpu.memory_space<vmem>>) target(%dma_start3A_328 : memref<1024xf32, #tpu.memory_space<hbm>>) target_semaphore(%arg11 : memref<!tpu.dma_semaphore, #tpu.memory_space<semaphore_mem>>)
      %mul3A_331 = arith.constant 1024 : i32
      %mul3A_332 = arith.muli %add3A_290, %mul3A_331 : i32
      %add3A_333 = arith.constant 13107200 : i32
      %add3A_334 = arith.addi %add3A_333, %mul3A_332 : i32
      %dma_start3A_335 = arith.constant 4096 : i32
      %dma_start3A_336 = tpu.memref_slice %arg9[%dma_start3A_335] : memref<21504xf32, #tpu.memory_space<vmem>> -> memref<1024xf32, #tpu.memory_space<vmem>>
      %dma_start3A_337 = tpu.memref_slice %arg4[%add3A_334] : memref<68812800xf32, #tpu.memory_space<hbm>> -> memref<1024xf32, #tpu.memory_space<hbm>>
      %dma_start3A_338 = tpu.memref_slice %arg4[%add3A_334] : memref<68812800xf32, #tpu.memory_space<hbm>> -> memref<1024xf32, #tpu.memory_space<hbm>>
      %dma_start3A_339 = arith.constant 4096 : i32
      %dma_start3A_340 = tpu.memref_slice %arg9[%dma_start3A_339] : memref<21504xf32, #tpu.memory_space<vmem>> -> memref<1024xf32, #tpu.memory_space<vmem>>
      tpu.enqueue_dma source(%dma_start3A_340 : memref<1024xf32, #tpu.memory_space<vmem>>) target(%dma_start3A_338 : memref<1024xf32, #tpu.memory_space<hbm>>) target_semaphore(%arg11 : memref<!tpu.dma_semaphore, #tpu.memory_space<semaphore_mem>>)
      %mul3A_341 = arith.constant 1024 : i32
      %mul3A_342 = arith.muli %add3A_290, %mul3A_341 : i32
      %add3A_343 = arith.constant 16384000 : i32
      %add3A_344 = arith.addi %add3A_343, %mul3A_342 : i32
      %dma_start3A_345 = arith.constant 5120 : i32
      %dma_start3A_346 = tpu.memref_slice %arg9[%dma_start3A_345] : memref<21504xf32, #tpu.memory_space<vmem>> -> memref<1024xf32, #tpu.memory_space<vmem>>
      %dma_start3A_347 = tpu.memref_slice %arg4[%add3A_344] : memref<68812800xf32, #tpu.memory_space<hbm>> -> memref<1024xf32, #tpu.memory_space<hbm>>
      %dma_start3A_348 = tpu.memref_slice %arg4[%add3A_344] : memref<68812800xf32, #tpu.memory_space<hbm>> -> memref<1024xf32, #tpu.memory_space<hbm>>
      %dma_start3A_349 = arith.constant 5120 : i32
      %dma_start3A_350 = tpu.memref_slice %arg9[%dma_start3A_349] : memref<21504xf32, #tpu.memory_space<vmem>> -> memref<1024xf32, #tpu.memory_space<vmem>>
      tpu.enqueue_dma source(%dma_start3A_350 : memref<1024xf32, #tpu.memory_space<vmem>>) target(%dma_start3A_348 : memref<1024xf32, #tpu.memory_space<hbm>>) target_semaphore(%arg11 : memref<!tpu.dma_semaphore, #tpu.memory_space<semaphore_mem>>)
      %mul3A_351 = arith.constant 1024 : i32
      %mul3A_352 = arith.muli %add3A_290, %mul3A_351 : i32
      %add3A_353 = arith.constant 19660800 : i32
      %add3A_354 = arith.addi %add3A_353, %mul3A_352 : i32
      %dma_start3A_355 = arith.constant 6144 : i32
      %dma_start3A_356 = tpu.memref_slice %arg9[%dma_start3A_355] : memref<21504xf32, #tpu.memory_space<vmem>> -> memref<1024xf32, #tpu.memory_space<vmem>>
      %dma_start3A_357 = tpu.memref_slice %arg4[%add3A_354] : memref<68812800xf32, #tpu.memory_space<hbm>> -> memref<1024xf32, #tpu.memory_space<hbm>>
      %dma_start3A_358 = tpu.memref_slice %arg4[%add3A_354] : memref<68812800xf32, #tpu.memory_space<hbm>> -> memref<1024xf32, #tpu.memory_space<hbm>>
      %dma_start3A_359 = arith.constant 6144 : i32
      %dma_start3A_360 = tpu.memref_slice %arg9[%dma_start3A_359] : memref<21504xf32, #tpu.memory_space<vmem>> -> memref<1024xf32, #tpu.memory_space<vmem>>
      tpu.enqueue_dma source(%dma_start3A_360 : memref<1024xf32, #tpu.memory_space<vmem>>) target(%dma_start3A_358 : memref<1024xf32, #tpu.memory_space<hbm>>) target_semaphore(%arg11 : memref<!tpu.dma_semaphore, #tpu.memory_space<semaphore_mem>>)
      %mul3A_361 = arith.constant 1024 : i32
      %mul3A_362 = arith.muli %add3A_290, %mul3A_361 : i32
      %add3A_363 = arith.constant 22937600 : i32
      %add3A_364 = arith.addi %add3A_363, %mul3A_362 : i32
      %dma_start3A_365 = arith.constant 7168 : i32
      %dma_start3A_366 = tpu.memref_slice %arg9[%dma_start3A_365] : memref<21504xf32, #tpu.memory_space<vmem>> -> memref<1024xf32, #tpu.memory_space<vmem>>
      %dma_start3A_367 = tpu.memref_slice %arg4[%add3A_364] : memref<68812800xf32, #tpu.memory_space<hbm>> -> memref<1024xf32, #tpu.memory_space<hbm>>
      %dma_start3A_368 = tpu.memref_slice %arg4[%add3A_364] : memref<68812800xf32, #tpu.memory_space<hbm>> -> memref<1024xf32, #tpu.memory_space<hbm>>
      %dma_start3A_369 = arith.constant 7168 : i32
      %dma_start3A_370 = tpu.memref_slice %arg9[%dma_start3A_369] : memref<21504xf32, #tpu.memory_space<vmem>> -> memref<1024xf32, #tpu.memory_space<vmem>>
      tpu.enqueue_dma source(%dma_start3A_370 : memref<1024xf32, #tpu.memory_space<vmem>>) target(%dma_start3A_368 : memref<1024xf32, #tpu.memory_space<hbm>>) target_semaphore(%arg11 : memref<!tpu.dma_semaphore, #tpu.memory_space<semaphore_mem>>)
      %mul3A_371 = arith.constant 1024 : i32
      %mul3A_372 = arith.muli %add3A_290, %mul3A_371 : i32
      %add3A_373 = arith.constant 26214400 : i32
      %add3A_374 = arith.addi %add3A_373, %mul3A_372 : i32
      %dma_start3A_375 = arith.constant 8192 : i32
      %dma_start3A_376 = tpu.memref_slice %arg9[%dma_start3A_375] : memref<21504xf32, #tpu.memory_space<vmem>> -> memref<1024xf32, #tpu.memory_space<vmem>>
      %dma_start3A_377 = tpu.memref_slice %arg4[%add3A_374] : memref<68812800xf32, #tpu.memory_space<hbm>> -> memref<1024xf32, #tpu.memory_space<hbm>>
      %dma_start3A_378 = tpu.memref_slice %arg4[%add3A_374] : memref<68812800xf32, #tpu.memory_space<hbm>> -> memref<1024xf32, #tpu.memory_space<hbm>>
      %dma_start3A_379 = arith.constant 8192 : i32
      %dma_start3A_380 = tpu.memref_slice %arg9[%dma_start3A_379] : memref<21504xf32, #tpu.memory_space<vmem>> -> memref<1024xf32, #tpu.memory_space<vmem>>
      tpu.enqueue_dma source(%dma_start3A_380 : memref<1024xf32, #tpu.memory_space<vmem>>) target(%dma_start3A_378 : memref<1024xf32, #tpu.memory_space<hbm>>) target_semaphore(%arg11 : memref<!tpu.dma_semaphore, #tpu.memory_space<semaphore_mem>>)
      %mul3A_381 = arith.constant 1024 : i32
      %mul3A_382 = arith.muli %add3A_290, %mul3A_381 : i32
      %add3A_383 = arith.constant 29491200 : i32
      %add3A_384 = arith.addi %add3A_383, %mul3A_382 : i32
      %dma_start3A_385 = arith.constant 9216 : i32
      %dma_start3A_386 = tpu.memref_slice %arg9[%dma_start3A_385] : memref<21504xf32, #tpu.memory_space<vmem>> -> memref<1024xf32, #tpu.memory_space<vmem>>
      %dma_start3A_387 = tpu.memref_slice %arg4[%add3A_384] : memref<68812800xf32, #tpu.memory_space<hbm>> -> memref<1024xf32, #tpu.memory_space<hbm>>
      %dma_start3A_388 = tpu.memref_slice %arg4[%add3A_384] : memref<68812800xf32, #tpu.memory_space<hbm>> -> memref<1024xf32, #tpu.memory_space<hbm>>
      %dma_start3A_389 = arith.constant 9216 : i32
      %dma_start3A_390 = tpu.memref_slice %arg9[%dma_start3A_389] : memref<21504xf32, #tpu.memory_space<vmem>> -> memref<1024xf32, #tpu.memory_space<vmem>>
      tpu.enqueue_dma source(%dma_start3A_390 : memref<1024xf32, #tpu.memory_space<vmem>>) target(%dma_start3A_388 : memref<1024xf32, #tpu.memory_space<hbm>>) target_semaphore(%arg11 : memref<!tpu.dma_semaphore, #tpu.memory_space<semaphore_mem>>)
      %mul3A_391 = arith.constant 1024 : i32
      %mul3A_392 = arith.muli %add3A_290, %mul3A_391 : i32
      %add3A_393 = arith.constant 32768000 : i32
      %add3A_394 = arith.addi %add3A_393, %mul3A_392 : i32
      %dma_start3A_395 = arith.constant 10240 : i32
      %dma_start3A_396 = tpu.memref_slice %arg9[%dma_start3A_395] : memref<21504xf32, #tpu.memory_space<vmem>> -> memref<1024xf32, #tpu.memory_space<vmem>>
      %dma_start3A_397 = tpu.memref_slice %arg4[%add3A_394] : memref<68812800xf32, #tpu.memory_space<hbm>> -> memref<1024xf32, #tpu.memory_space<hbm>>
      %dma_start3A_398 = tpu.memref_slice %arg4[%add3A_394] : memref<68812800xf32, #tpu.memory_space<hbm>> -> memref<1024xf32, #tpu.memory_space<hbm>>
      %dma_start3A_399 = arith.constant 10240 : i32
      %dma_start3A_400 = tpu.memref_slice %arg9[%dma_start3A_399] : memref<21504xf32, #tpu.memory_space<vmem>> -> memref<1024xf32, #tpu.memory_space<vmem>>
      tpu.enqueue_dma source(%dma_start3A_400 : memref<1024xf32, #tpu.memory_space<vmem>>) target(%dma_start3A_398 : memref<1024xf32, #tpu.memory_space<hbm>>) target_semaphore(%arg11 : memref<!tpu.dma_semaphore, #tpu.memory_space<semaphore_mem>>)
      %mul3A_401 = arith.constant 1024 : i32
      %mul3A_402 = arith.muli %add3A_290, %mul3A_401 : i32
      %add3A_403 = arith.constant 36044800 : i32
      %add3A_404 = arith.addi %add3A_403, %mul3A_402 : i32
      %dma_start3A_405 = arith.constant 11264 : i32
      %dma_start3A_406 = tpu.memref_slice %arg9[%dma_start3A_405] : memref<21504xf32, #tpu.memory_space<vmem>> -> memref<1024xf32, #tpu.memory_space<vmem>>
      %dma_start3A_407 = tpu.memref_slice %arg4[%add3A_404] : memref<68812800xf32, #tpu.memory_space<hbm>> -> memref<1024xf32, #tpu.memory_space<hbm>>
      %dma_start3A_408 = tpu.memref_slice %arg4[%add3A_404] : memref<68812800xf32, #tpu.memory_space<hbm>> -> memref<1024xf32, #tpu.memory_space<hbm>>
      %dma_start3A_409 = arith.constant 11264 : i32
      %dma_start3A_410 = tpu.memref_slice %arg9[%dma_start3A_409] : memref<21504xf32, #tpu.memory_space<vmem>> -> memref<1024xf32, #tpu.memory_space<vmem>>
      tpu.enqueue_dma source(%dma_start3A_410 : memref<1024xf32, #tpu.memory_space<vmem>>) target(%dma_start3A_408 : memref<1024xf32, #tpu.memory_space<hbm>>) target_semaphore(%arg11 : memref<!tpu.dma_semaphore, #tpu.memory_space<semaphore_mem>>)
      %mul3A_411 = arith.constant 1024 : i32
      %mul3A_412 = arith.muli %add3A_290, %mul3A_411 : i32
      %add3A_413 = arith.constant 39321600 : i32
      %add3A_414 = arith.addi %add3A_413, %mul3A_412 : i32
      %dma_start3A_415 = arith.constant 12288 : i32
      %dma_start3A_416 = tpu.memref_slice %arg9[%dma_start3A_415] : memref<21504xf32, #tpu.memory_space<vmem>> -> memref<1024xf32, #tpu.memory_space<vmem>>
      %dma_start3A_417 = tpu.memref_slice %arg4[%add3A_414] : memref<68812800xf32, #tpu.memory_space<hbm>> -> memref<1024xf32, #tpu.memory_space<hbm>>
      %dma_start3A_418 = tpu.memref_slice %arg4[%add3A_414] : memref<68812800xf32, #tpu.memory_space<hbm>> -> memref<1024xf32, #tpu.memory_space<hbm>>
      %dma_start3A_419 = arith.constant 12288 : i32
      %dma_start3A_420 = tpu.memref_slice %arg9[%dma_start3A_419] : memref<21504xf32, #tpu.memory_space<vmem>> -> memref<1024xf32, #tpu.memory_space<vmem>>
      tpu.enqueue_dma source(%dma_start3A_420 : memref<1024xf32, #tpu.memory_space<vmem>>) target(%dma_start3A_418 : memref<1024xf32, #tpu.memory_space<hbm>>) target_semaphore(%arg11 : memref<!tpu.dma_semaphore, #tpu.memory_space<semaphore_mem>>)
      %mul3A_421 = arith.constant 1024 : i32
      %mul3A_422 = arith.muli %add3A_290, %mul3A_421 : i32
      %add3A_423 = arith.constant 42598400 : i32
      %add3A_424 = arith.addi %add3A_423, %mul3A_422 : i32
      %dma_start3A_425 = arith.constant 13312 : i32
      %dma_start3A_426 = tpu.memref_slice %arg9[%dma_start3A_425] : memref<21504xf32, #tpu.memory_space<vmem>> -> memref<1024xf32, #tpu.memory_space<vmem>>
      %dma_start3A_427 = tpu.memref_slice %arg4[%add3A_424] : memref<68812800xf32, #tpu.memory_space<hbm>> -> memref<1024xf32, #tpu.memory_space<hbm>>
      %dma_start3A_428 = tpu.memref_slice %arg4[%add3A_424] : memref<68812800xf32, #tpu.memory_space<hbm>> -> memref<1024xf32, #tpu.memory_space<hbm>>
      %dma_start3A_429 = arith.constant 13312 : i32
      %dma_start3A_430 = tpu.memref_slice %arg9[%dma_start3A_429] : memref<21504xf32, #tpu.memory_space<vmem>> -> memref<1024xf32, #tpu.memory_space<vmem>>
      tpu.enqueue_dma source(%dma_start3A_430 : memref<1024xf32, #tpu.memory_space<vmem>>) target(%dma_start3A_428 : memref<1024xf32, #tpu.memory_space<hbm>>) target_semaphore(%arg11 : memref<!tpu.dma_semaphore, #tpu.memory_space<semaphore_mem>>)
      %mul3A_431 = arith.constant 1024 : i32
      %mul3A_432 = arith.muli %add3A_290, %mul3A_431 : i32
      %add3A_433 = arith.constant 45875200 : i32
      %add3A_434 = arith.addi %add3A_433, %mul3A_432 : i32
      %dma_start3A_435 = arith.constant 14336 : i32
      %dma_start3A_436 = tpu.memref_slice %arg9[%dma_start3A_435] : memref<21504xf32, #tpu.memory_space<vmem>> -> memref<1024xf32, #tpu.memory_space<vmem>>
      %dma_start3A_437 = tpu.memref_slice %arg4[%add3A_434] : memref<68812800xf32, #tpu.memory_space<hbm>> -> memref<1024xf32, #tpu.memory_space<hbm>>
      %dma_start3A_438 = tpu.memref_slice %arg4[%add3A_434] : memref<68812800xf32, #tpu.memory_space<hbm>> -> memref<1024xf32, #tpu.memory_space<hbm>>
      %dma_start3A_439 = arith.constant 14336 : i32
      %dma_start3A_440 = tpu.memref_slice %arg9[%dma_start3A_439] : memref<21504xf32, #tpu.memory_space<vmem>> -> memref<1024xf32, #tpu.memory_space<vmem>>
      tpu.enqueue_dma source(%dma_start3A_440 : memref<1024xf32, #tpu.memory_space<vmem>>) target(%dma_start3A_438 : memref<1024xf32, #tpu.memory_space<hbm>>) target_semaphore(%arg11 : memref<!tpu.dma_semaphore, #tpu.memory_space<semaphore_mem>>)
      %mul3A_441 = arith.constant 1024 : i32
      %mul3A_442 = arith.muli %add3A_290, %mul3A_441 : i32
      %add3A_443 = arith.constant 49152000 : i32
      %add3A_444 = arith.addi %add3A_443, %mul3A_442 : i32
      %dma_start3A_445 = arith.constant 15360 : i32
      %dma_start3A_446 = tpu.memref_slice %arg9[%dma_start3A_445] : memref<21504xf32, #tpu.memory_space<vmem>> -> memref<1024xf32, #tpu.memory_space<vmem>>
      %dma_start3A_447 = tpu.memref_slice %arg4[%add3A_444] : memref<68812800xf32, #tpu.memory_space<hbm>> -> memref<1024xf32, #tpu.memory_space<hbm>>
      %dma_start3A_448 = tpu.memref_slice %arg4[%add3A_444] : memref<68812800xf32, #tpu.memory_space<hbm>> -> memref<1024xf32, #tpu.memory_space<hbm>>
      %dma_start3A_449 = arith.constant 15360 : i32
      %dma_start3A_450 = tpu.memref_slice %arg9[%dma_start3A_449] : memref<21504xf32, #tpu.memory_space<vmem>> -> memref<1024xf32, #tpu.memory_space<vmem>>
      tpu.enqueue_dma source(%dma_start3A_450 : memref<1024xf32, #tpu.memory_space<vmem>>) target(%dma_start3A_448 : memref<1024xf32, #tpu.memory_space<hbm>>) target_semaphore(%arg11 : memref<!tpu.dma_semaphore, #tpu.memory_space<semaphore_mem>>)
      %mul3A_451 = arith.constant 1024 : i32
      %mul3A_452 = arith.muli %add3A_290, %mul3A_451 : i32
      %add3A_453 = arith.constant 52428800 : i32
      %add3A_454 = arith.addi %add3A_453, %mul3A_452 : i32
      %dma_start3A_455 = arith.constant 16384 : i32
      %dma_start3A_456 = tpu.memref_slice %arg9[%dma_start3A_455] : memref<21504xf32, #tpu.memory_space<vmem>> -> memref<1024xf32, #tpu.memory_space<vmem>>
      %dma_start3A_457 = tpu.memref_slice %arg4[%add3A_454] : memref<68812800xf32, #tpu.memory_space<hbm>> -> memref<1024xf32, #tpu.memory_space<hbm>>
      %dma_start3A_458 = tpu.memref_slice %arg4[%add3A_454] : memref<68812800xf32, #tpu.memory_space<hbm>> -> memref<1024xf32, #tpu.memory_space<hbm>>
      %dma_start3A_459 = arith.constant 16384 : i32
      %dma_start3A_460 = tpu.memref_slice %arg9[%dma_start3A_459] : memref<21504xf32, #tpu.memory_space<vmem>> -> memref<1024xf32, #tpu.memory_space<vmem>>
      tpu.enqueue_dma source(%dma_start3A_460 : memref<1024xf32, #tpu.memory_space<vmem>>) target(%dma_start3A_458 : memref<1024xf32, #tpu.memory_space<hbm>>) target_semaphore(%arg11 : memref<!tpu.dma_semaphore, #tpu.memory_space<semaphore_mem>>)
      %mul3A_461 = arith.constant 1024 : i32
      %mul3A_462 = arith.muli %add3A_290, %mul3A_461 : i32
      %add3A_463 = arith.constant 55705600 : i32
      %add3A_464 = arith.addi %add3A_463, %mul3A_462 : i32
      %dma_start3A_465 = arith.constant 17408 : i32
      %dma_start3A_466 = tpu.memref_slice %arg9[%dma_start3A_465] : memref<21504xf32, #tpu.memory_space<vmem>> -> memref<1024xf32, #tpu.memory_space<vmem>>
      %dma_start3A_467 = tpu.memref_slice %arg4[%add3A_464] : memref<68812800xf32, #tpu.memory_space<hbm>> -> memref<1024xf32, #tpu.memory_space<hbm>>
      %dma_start3A_468 = tpu.memref_slice %arg4[%add3A_464] : memref<68812800xf32, #tpu.memory_space<hbm>> -> memref<1024xf32, #tpu.memory_space<hbm>>
      %dma_start3A_469 = arith.constant 17408 : i32
      %dma_start3A_470 = tpu.memref_slice %arg9[%dma_start3A_469] : memref<21504xf32, #tpu.memory_space<vmem>> -> memref<1024xf32, #tpu.memory_space<vmem>>
      tpu.enqueue_dma source(%dma_start3A_470 : memref<1024xf32, #tpu.memory_space<vmem>>) target(%dma_start3A_468 : memref<1024xf32, #tpu.memory_space<hbm>>) target_semaphore(%arg11 : memref<!tpu.dma_semaphore, #tpu.memory_space<semaphore_mem>>)
      %mul3A_471 = arith.constant 1024 : i32
      %mul3A_472 = arith.muli %add3A_290, %mul3A_471 : i32
      %add3A_473 = arith.constant 58982400 : i32
      %add3A_474 = arith.addi %add3A_473, %mul3A_472 : i32
      %dma_start3A_475 = arith.constant 18432 : i32
      %dma_start3A_476 = tpu.memref_slice %arg9[%dma_start3A_475] : memref<21504xf32, #tpu.memory_space<vmem>> -> memref<1024xf32, #tpu.memory_space<vmem>>
      %dma_start3A_477 = tpu.memref_slice %arg4[%add3A_474] : memref<68812800xf32, #tpu.memory_space<hbm>> -> memref<1024xf32, #tpu.memory_space<hbm>>
      %dma_start3A_478 = tpu.memref_slice %arg4[%add3A_474] : memref<68812800xf32, #tpu.memory_space<hbm>> -> memref<1024xf32, #tpu.memory_space<hbm>>
      %dma_start3A_479 = arith.constant 18432 : i32
      %dma_start3A_480 = tpu.memref_slice %arg9[%dma_start3A_479] : memref<21504xf32, #tpu.memory_space<vmem>> -> memref<1024xf32, #tpu.memory_space<vmem>>
      tpu.enqueue_dma source(%dma_start3A_480 : memref<1024xf32, #tpu.memory_space<vmem>>) target(%dma_start3A_478 : memref<1024xf32, #tpu.memory_space<hbm>>) target_semaphore(%arg11 : memref<!tpu.dma_semaphore, #tpu.memory_space<semaphore_mem>>)
      %mul3A_481 = arith.constant 1024 : i32
      %mul3A_482 = arith.muli %add3A_290, %mul3A_481 : i32
      %add3A_483 = arith.constant 62259200 : i32
      %add3A_484 = arith.addi %add3A_483, %mul3A_482 : i32
      %dma_start3A_485 = arith.constant 19456 : i32
      %dma_start3A_486 = tpu.memref_slice %arg9[%dma_start3A_485] : memref<21504xf32, #tpu.memory_space<vmem>> -> memref<1024xf32, #tpu.memory_space<vmem>>
      %dma_start3A_487 = tpu.memref_slice %arg4[%add3A_484] : memref<68812800xf32, #tpu.memory_space<hbm>> -> memref<1024xf32, #tpu.memory_space<hbm>>
      %dma_start3A_488 = tpu.memref_slice %arg4[%add3A_484] : memref<68812800xf32, #tpu.memory_space<hbm>> -> memref<1024xf32, #tpu.memory_space<hbm>>
      %dma_start3A_489 = arith.constant 19456 : i32
      %dma_start3A_490 = tpu.memref_slice %arg9[%dma_start3A_489] : memref<21504xf32, #tpu.memory_space<vmem>> -> memref<1024xf32, #tpu.memory_space<vmem>>
      tpu.enqueue_dma source(%dma_start3A_490 : memref<1024xf32, #tpu.memory_space<vmem>>) target(%dma_start3A_488 : memref<1024xf32, #tpu.memory_space<hbm>>) target_semaphore(%arg11 : memref<!tpu.dma_semaphore, #tpu.memory_space<semaphore_mem>>)
      %mul3A_491 = arith.constant 1024 : i32
      %mul3A_492 = arith.muli %add3A_290, %mul3A_491 : i32
      %add3A_493 = arith.constant 65536000 : i32
      %add3A_494 = arith.addi %add3A_493, %mul3A_492 : i32
      %dma_start3A_495 = arith.constant 20480 : i32
      %dma_start3A_496 = tpu.memref_slice %arg9[%dma_start3A_495] : memref<21504xf32, #tpu.memory_space<vmem>> -> memref<1024xf32, #tpu.memory_space<vmem>>
      %dma_start3A_497 = tpu.memref_slice %arg4[%add3A_494] : memref<68812800xf32, #tpu.memory_space<hbm>> -> memref<1024xf32, #tpu.memory_space<hbm>>
      %dma_start3A_498 = tpu.memref_slice %arg4[%add3A_494] : memref<68812800xf32, #tpu.memory_space<hbm>> -> memref<1024xf32, #tpu.memory_space<hbm>>
      %dma_start3A_499 = arith.constant 20480 : i32
      %dma_start3A_500 = tpu.memref_slice %arg9[%dma_start3A_499] : memref<21504xf32, #tpu.memory_space<vmem>> -> memref<1024xf32, #tpu.memory_space<vmem>>
      tpu.enqueue_dma source(%dma_start3A_500 : memref<1024xf32, #tpu.memory_space<vmem>>) target(%dma_start3A_498 : memref<1024xf32, #tpu.memory_space<hbm>>) target_semaphore(%arg11 : memref<!tpu.dma_semaphore, #tpu.memory_space<semaphore_mem>>)
    }
    %scan3A_44 = arith.constant 25 : i32
    %dma_wait3A = arith.constant 0 : i32
    %dma_wait3A_45 = tpu.memref_slice %arg4[%dma_wait3A] : memref<68812800xf32, #tpu.memory_space<hbm>> -> memref<21504xf32, #tpu.memory_space<hbm>>
    %dma_wait3A_46 = arith.constant 0 : i32
    %dma_wait3A_47 = tpu.memref_slice %arg4[%dma_wait3A_46] : memref<68812800xf32, #tpu.memory_space<hbm>> -> memref<21504xf32, #tpu.memory_space<hbm>>
    tpu.wait_dma2 semaphore(%arg10 : memref<!tpu.dma_semaphore, #tpu.memory_space<semaphore_mem>>) src(%dma_wait3A_47 : memref<21504xf32, #tpu.memory_space<hbm>>) dst(%arg8 : memref<21504xf32, #tpu.memory_space<vmem>>)
    %dma_wait3A_48 = arith.constant 0 : i32
    %dma_wait3A_49 = tpu.memref_slice %arg4[%dma_wait3A_48] : memref<68812800xf32, #tpu.memory_space<hbm>> -> memref<21504xf32, #tpu.memory_space<hbm>>
    %dma_wait3A_50 = arith.constant 0 : i32
    %dma_wait3A_51 = tpu.memref_slice %arg4[%dma_wait3A_50] : memref<68812800xf32, #tpu.memory_space<hbm>> -> memref<21504xf32, #tpu.memory_space<hbm>>
    tpu.wait_dma2 semaphore(%arg11 : memref<!tpu.dma_semaphore, #tpu.memory_space<semaphore_mem>>) src(%dma_wait3A_51 : memref<21504xf32, #tpu.memory_space<hbm>>) dst(%arg9 : memref<21504xf32, #tpu.memory_space<vmem>>)
    return
  }
}

</mosaic_0001>

<sc_bundles>
// kernel: kernel.3.cloned.1.call-start
scs
__scs_entry_jumppad:
0x0: {  	(pc) =	sbr.rel $0x88, $3  }
0x1: {  	(tag) =	ssettag $0x0;
	lr =	simm.s32 $0x1  }
0x2: {  	[smem:$0x3F9F] =	sst lr;
	_ =	strace $0xD0000000  }
0x3: {  	_ = 	snop  }
0x4: {  	_ = 	snop  }
0x5: {  	_ = 	snop  }
0x6: {  	_ = 	snop  }
0x7: {  	_ = 	snop  }
__scs_overlays_trampoline_lowered:
0x8: {  	[smem:$0x3FAE] =	sst s0  }
0x9: {  	[smem:$0x3FAF] =	sst s1  }
0xa: {  	[smem:$0x3FB0] =	sst s2  }
0xb: {  	[smem:$0x3FB1] =	sst s3  }
0xc: {  	[smem:$0x3FB2] =	sst s4  }
0xd: {  	[smem:$0x3FB3] =	sst s5  }
0xe: {  	[smem:$0x3FB4] =	sst s6  }
0xf: {  	[smem:$0x3FB5] =	sst s7  }
0x10: {  	[smem:$0x3FB6] =	sst s8  }
0x11: {  	[smem:$0x3FB7] =	sst s9;
	s0 =	simm.s32 @!p0 $0x0  }
0x12: {  	s1 =	sld [smem:$0x3F9D];
	s0 =	simm.s32 @p0 $0x1  }
0x13: {  	[smem:$0x3FB8] =	sst s0;
	s0 =	simm.s32 @!p1 $0x0  }
0x14: {  	s2 =	sld [smem:$0x3F9C];
	s0 =	simm.s32 @p1 $0x1  }
0x15: {  	[smem:$0x3FB9] =	sst s0;
	s0 =	simm.s32 @!p2 $0x0  }
0x16: {  	s3 =	sld [smem:$0x3FDB];
	s0 =	simm.s32 @p2 $0x1  }
0x17: {  	s4 =	simm.s32 $0x1BF5;
	[smem:$0x3FBB] =	sst s0  }
0x18: {  	s0 =	sld [smem:$0x3F9E];
	_ =	swait.ge [sflag:s4], $0x0  }
0x19: {  	s7 =	sld [smem:$0x3F9F]  }
0x1a: {  	s8 =	sadd.s32 $0xFFFFE003, lr  }
0x1b: {  	s9 =	sadd.s32 $0xFFFFFEF7, lr;
	s5 =	simm.s32 $0xFFFFFFFF;
	p2 =	slt.u32 s8, $0xFFFFF086  }
0x1c: {  	p1 =	slt.u32 s9, $0xF7A;
	s5 =	simm.s32 @!p2 $0x0  }
0x1d: {  	s5 =	simm.s32 @p1 $0x1;
	p0 =	seq.s32 s7, s2  }
0x1e: {  	s7 =	smul.u32 @!p0 $0xF7A, s2;
	p2 =	seq.s32 @!p0 s5, $0x0  }
0x1f: {  	s9 =	smul.u32 $0xF7A, s1;
	s8 =	simm.s32 @!p0 $0x1BF5;
	p2 =	por !p2, p0  }
0x20: {  	[sflag:s8] =	ssyncset.s32 @!p0 $0xFFFFF086;
	s6 =	sadd.s32 @!p0 s3, s7;
	s7 =	simm.s32 @!p0 $0x108  }
0x21: {  	s3 =	sadd.s32 s3, s9;
	s6 =	sadd.s32 @!p0 $0x88, s6;
	s7 =	simm.s32 @p2 $0x1082  }
0x22: {  	[simem:s7], [sflag:s8] =	dma.local @!p0 [hbm:s6], $0xF7A  }
0x23: {  	s9 =	sor.u32 $0xD0000000, s2;
	s6 =	simm.s32 $0x108;
	_ =	swait.ge @!p0 [sflag:s8], $0x0  }
0x24: {  	s3 =	sadd.s32 $0x88, s3;
	s6 =	simm.s32 @!p1 $0x1082;
	[sflag:s4] =	ssyncset.s32 $0xFFFFF086  }
0x25: {  	[simem:s6], [sflag:s4] =	dma.local [hbm:s3], $0xF7A  }
0x26: {  	[smem:$0x3F9F] =	sst s1;
	(tag) =	ssettag s2;
	_ =	strace s9  }
0x27: {  	s1 =	sld [smem:$0x3FAF]  }
0x28: {  	s2 =	sld [smem:$0x3FB0]  }
0x29: {  	s4 =	sld [smem:$0x3FB2]  }
0x2a: {  	p0 =	seq.s32 s5, $0x0;
	s5 =	sld [smem:$0x3FB3]  }
0x2b: {  	s6 =	sld [smem:$0x3FB4]  }
0x2c: {  	s7 =	sld [smem:$0x3FB5]  }
0x2d: {  	s3 =	simm.s32 $0x108;
	s8 =	sld [smem:$0x3FB6]  }
0x2e: {  	s3 =	simm.s32 @!p0 $0x1082;
	s9 =	sld [smem:$0x3FB7]  }
0x2f: {  	lr =	sadd.s32 s0, s3;
	s0 =	sld [smem:$0x3FAE]  }
0x30: {  	s3 =	sld [smem:$0x3FB1]  }
0x31: {  	[smem:$0x3FBA] =	sst s10  }
0x32: {  	s10 =	sld [smem:$0x3FB8];
	_ =	sdelay $0x3  }
0x33: {  	p0 =	seq.s32 s10, $0x1;
	s10 =	sld [smem:$0x3FBA];
	_ =	sdelay $0x3  }
0x34: {  	[smem:$0x3FBA] =	sst s10  }
0x35: {  	s10 =	sld [smem:$0x3FB9];
	_ =	sdelay $0x3  }
0x36: {  	p1 =	seq.s32 s10, $0x1;
	s10 =	sld [smem:$0x3FBA];
	_ =	sdelay $0x3  }
0x37: {  	[smem:$0x3FBA] =	sst s10  }
0x38: {  	s10 =	sld [smem:$0x3FBB]  }
0x39: {  	_ = 	snop;
	(pc) =	sbr.ind lr, $3  }
0x3a: {  	_ = 	snop  }
0x3b: {  	_ = 	snop  }
0x3c: {  	p2 =	seq.s32 s10, $0x1;
	s10 =	sld [smem:$0x3FBA]  }
0x3d: {  	_ =	shalt  }
0x3e: {  	_ =	shalt  }
0x3f: {  	_ =	shalt  }
0x40: {  	_ =	shalt  }
0x41: {  	_ =	shalt  }
0x42: {  	_ =	shalt  }
0x43: {  	_ =	shalt  }
0x44: {  	_ =	shalt  }
0x45: {  	_ =	shalt  }
0x46: {  	_ =	shalt  }
0x47: {  	_ =	shalt  }
0x48: {  	_ =	shalt  }
0x49: {  	_ =	shalt  }
0x4a: {  	_ =	shalt  }
0x4b: {  	_ =	shalt  }
0x4c: {  	_ =	shalt  }
0x4d: {  	_ =	shalt  }
0x4e: {  	_ =	shalt  }
0x4f: {  	_ =	shalt  }
0x50: {  	_ =	shalt  }
0x51: {  	_ =	shalt  }
0x52: {  	_ =	shalt  }
0x53: {  	_ =	shalt  }
0x54: {  	_ =	shalt  }
0x55: {  	_ =	shalt  }
0x56: {  	_ =	shalt  }
0x57: {  	_ =	shalt  }
0x58: {  	_ =	shalt  }
0x59: {  	_ =	shalt  }
0x5a: {  	_ =	shalt  }
0x5b: {  	_ =	shalt  }
0x5c: {  	_ =	shalt  }
0x5d: {  	_ =	shalt  }
0x5e: {  	_ =	shalt  }
0x5f: {  	_ =	shalt  }
0x60: {  	_ =	shalt  }
0x61: {  	_ =	shalt  }
0x62: {  	_ =	shalt  }
0x63: {  	_ =	shalt  }
0x64: {  	_ =	shalt  }
0x65: {  	_ =	shalt  }
0x66: {  	_ =	shalt  }
0x67: {  	_ =	shalt  }
0x68: {  	_ =	shalt  }
0x69: {  	_ =	shalt  }
0x6a: {  	_ =	shalt  }
0x6b: {  	_ =	shalt  }
0x6c: {  	_ =	shalt  }
0x6d: {  	_ =	shalt  }
0x6e: {  	_ =	shalt  }
0x6f: {  	_ =	shalt  }
0x70: {  	_ =	shalt  }
0x71: {  	_ =	shalt  }
0x72: {  	_ =	shalt  }
0x73: {  	_ =	shalt  }
0x74: {  	_ =	shalt  }
0x75: {  	_ =	shalt  }
0x76: {  	_ =	shalt  }
0x77: {  	_ =	shalt  }
0x78: {  	_ =	shalt  }
0x79: {  	_ =	shalt  }
0x7a: {  	_ =	shalt  }
0x7b: {  	_ =	shalt  }
0x7c: {  	_ =	shalt  }
0x7d: {  	_ =	shalt  }
0x7e: {  	_ =	shalt  }
0x7f: {  	_ =	shalt  }
0x80: {  	_ =	shalt  }
0x81: {  	_ =	shalt  }
0x82: {  	_ =	shalt  }
0x83: {  	_ =	shalt  }
0x84: {  	_ =	shalt  }
0x85: {  	_ =	shalt  }
0x86: {  	_ =	shalt  }
0x87: {  	_ =	shalt  }
.Lfunc_end0:
.L_simem_size_0:
called_computation_lowered:
.L_overlay_start_0:
0x88: {  	s2 =	sld [smem:$0x3FD9]  }
0x89: {  	s3 =	sld [smem:$0x3FFE];
	_ =	sdelay $0x1  }
0x8a: {  	s1 =	srdreg.scid  }
0x8b: {  	s0 =	sand.u32 $0x1, s1  }
0x8c: {  	s17 =	sshll.u32 s0, $0xA;
	s2 =	sadd.s32 s3, s2  }
0x8d: {  	s2 =	sadd.s32 s2, s17  }
0x8e: {  	[smem:$0x3FC6] =	sst s2  }
0x8f: {  	_ = 	snop  }
0x90: {  	s2 =	sld [smem:$0x3FD0];
	(tm) =	ssettm $0x1  }
0x91: {  	s18 =	sld [smem:$0x3FFB];
	_ =	sdelay $0x3  }
0x92: {  	_ =	strace s18  }
0x93: {  	s3 =	sld [smem:$0x3FFC];
	_ =	sdelay $0x3  }
0x94: {  	_ =	strace s3  }
0x95: {  	s3 =	sld [smem:$0x3FFD];
	_ =	sdelay $0x3  }
0x96: {  	_ =	strace s3  }
0x97: {  	_ =	strace $0x8FFFFFFF  }
0x98: {  	s19 =	sld [smem:$0x3FDB];
	_ =	sdelay $0x1  }
0x99: {  	s4 =	simm.s32 $_scs_section_size  }
0x9a: {  	s5 =	simm.s32 $_size__tile_overlayer_lowered;
	s6 =	simm.s32 $_tile_overlayer_lowered  }
0x9b: {  	s22 =	simm.s32 $0x1BFF;
	s21 =	sshll.u32 s6, $0x1;
	s3 =	sadd.s32 s4, s19  }
0x9c: {  	s7 =	simm.s32 $0x0;
	s20 =	sshll.u32 s5, $0x1;
	s5 =	sadd.s32 s21, s3  }
0x9d: {  	[timem:s7], [sflag:s22] =	dma.local [hbm:s5], s20  }
0x9e: {  	_ =	swait.ge [sflag:s22], s20  }
0x9f: {  	s4 =	ssub.s32 $0x0, s20;
	[sflag:s22] =	ssyncset.done $0x0  }
0xa0: {  	[sflag:s22] =	ssyncadd.s32 s4;
	_ =	sdelay $0x1  }
0xa1: {  	s23 =	simm.s32 $0x1B8B  }
0xa2: {  	_ =	swait.ge [sflag:s23], $0x1  }
0xa3: {  	[sflag:s23] =	ssyncset.done $0x0  }
0xa4: {  	s25 =	simm.s32 $0x1B8E;
	s24 =	sld [smem:$0x3FFE];
	[sflag:s23] =	ssyncadd.s32 $0xFFFFFFFF  }
0xa5: {  	s26 =	simm.s32 $execute0_lowered;
	[smem:$0x3FD2] =	sst s25  }
0xa6: {  	s5 =	sshll.u32 s26, $0x1;
	_ =	strace $0x80000046;
	[dreg:$0x1] =	wrdreg $0xFFFFFFFF  }
0xa7: {  	s28 =	simm.s32 $_size_execute0_lowered;
	s3 =	sadd.s32 s3, s5;
	[dreg:$0x0] =	wrdreg $0x0  }
0xa8: {  	s5 =	sshll.u32 s28, $0x1;
	[dreg:$0x2] =	wrdreg s3  }
0xa9: {  	[dreg:$0x3] =	wrdreg s5  }
0xaa: {  	[dreg:$0x4] =	wrdreg $0xC0  }
0xab: {  	_ =	task [dreg:s7], $0x5FFFF  }
0xac: {  	[dreg:$0x1] =	wrdreg $0xFFFFFFFF  }
0xad: {  	[dreg:$0x0] =	wrdreg $0x60  }
0xae: {  	[dreg:$0x2] =	wrdreg s24  }
0xaf: {  	[dreg:$0x3] =	wrdreg s2  }
0xb0: {  	[dreg:$0x4] =	wrdreg $0x9  }
0xb1: {  	_ =	task.clear_ibuf [dreg:s7], $0x5FFFF;
	_ =	strace $0x90000046  }
0xb2: {  	s29 =	simm.s32 $0x9;
	_ =	strace $0x80000048  }
0xb3: {  	_ =	swait.ge [sflag:s29], $0x1  }
0xb4: {  	[sflag:s29] =	ssyncadd.s32 $0xFFFFFFFF  }
0xb5: {  	_ =	strace $0x90000048  }
0xb6: {  	_ =	sfence  }
0xb7: {  	s30 =	sld [smem:$0x0];
	_ =	sdelay $0x2  }
0xb8: {  	s31 =	sshll.u32 s1, $0xD;
	s1 =	sshrl.u32 s1, $0x2  }
0xb9: {  	s3 =	sand.u32 $0x4000, s31;
	s1 =	sadd.s32 s1, s30  }
0xba: {  	s0 =	sor.u32 s3, s0;
	s1 =	sshll.u32 s1, $0x11  }
0xbb: {  	s0 =	sor.u32 s1, s0  }
0xbc: {  	s0 =	sadd.s32 $0x8F2B, s0  }
0xbd: {  	[sflag:s0] =	ssyncadd.remote.s32 $0x1  }
0xbe: {  	_ =	sfence.sel $0xFFFF  }
0xbf: {  	[dreg:$0x0] =	wrdreg $0xFFFFFFFF;
	(pc) =	sbr.abs _section_cstart, $3  }
0xc0: {  	[dreg:$0x1] =	wrdreg $0xFFFFFFFF  }
0xc1: {  	_ =	task.clear_ibuf [dreg:s7], $0x2FFFF;
	_ =	strace $0x9FFFFFFF  }
0xc2: {  	(tm) =	ssettm $0x7FFFFFFF  }
0xc3: {  	_ =	shalt  }
tec
execute0_lowered:
.L_overlay_start_1:
0x0: {  	(tag) =	ssettag $0x1  }
0x1: {  	s0 =	rddreg [dreg:$0x0];
	s1 =	srdreg.scid  }
0x2: {  	s3 =	stileid.u32;
	s2 =	rddreg [dreg:$0x1];
	s15 =	simm.s32 $0x1B8  }
0x3: {  	s16 =	simm.s32 $0x65B8;
	s19 =	simm.s32 $0x13DB8;
	s20 =	simm.s32 $0x141B8  }
0x4: {  	s21 =	simm.s32 $0x145B8;
	s28 =	simm.s32 $0x15DB8;
	s29 =	simm.s32 $0x161B8  }
0x5: {  	s30 =	simm.s32 $0x165B8;
	s31 =	simm.s32 $0x169B8;
	s1 =	sand.u32 $0x1, s1  }
0x6: {  	s4 =	sshll.u32 s3, $0x1;
	s3 =	simm.s32 $0x0;
	s6 =	sadd.s32 $0x400, s0  }
0x7: {  	s0 =	sadd.s32 $0x64400, s0;
	s4 =	sor.u32 s1, s4;
	[smem:$0x7FF] =	sst s3  }
0x8: {  	s1 =	ssub.s32 $0x2, s1;
	s18 =	sshll.u32 s4, $0x2;
	s5 =	smul.u32 $0x3200, s4  }
0x9: {  	_ =	strace $0x80000047;
	s4 =	sshllo.u32 s4, $0x2;
	[dreg:$0x7] =	wrdreg s0  }
0xa: {  	s22 =	sshrl.u32 s1, $0x1;
	s7 =	sor.u32 $0x1, s18;
	[dreg:$0x6] =	wrdreg s4  }
0xb: {  	s8 =	sor.u32 $0x2, s18;
	s4 =	smul.u32 $0xC80, s4;
	[dreg:$0x3] =	wrdreg s18  }
0xc: {  	s0 =	ssub.s32 s1, s22;
	s22 =	simm.s32 $0x149B8;
	[dreg:$0x4] =	wrdreg s7  }
0xd: {  	s1 =	simm.s32 $0x16DB8;
	s7 =	smul.u32 $0xC80, s7;
	[dreg:$0x5] =	wrdreg s8  }
0xe: {  	s8 =	smul.u32 $0xC80, s8;
	s23 =	sadd.s32 s6, s5;
	s0 =	smax.u32 s0, $0x1  }
0xf: {  	s5 =	simm.s32 $0x0;
	[dreg:$0x8] =	wrdreg s23;
	s26 =	sadd.s32 s6, s4  }
0x10: {  	[dreg:$0xc] =	wrdreg s0;
	s23 =	simm.s32 $0x14DB8;
	s0 =	simm.s32 $0x1  }
0x11: {  	s24 =	sadd.s32 s6, s7;
	s25 =	sadd.s32 s6, s8;
	[dreg:$0xb] =	wrdreg s26  }
0x12: {  	v0 =	vlaneseq.u32;
	s26 =	simm.s32 $0x159B8;
	s8 =	simm.s32 $0x2;
	[dreg:$0x9] =	wrdreg s24  }
0x13: {  	v0 =	vmul.u32 $0xC8, v0;
	[dreg:$0xa] =	wrdreg s25;
	s24 =	simm.s32 $0x151B8;
	s25 =	simm.s32 $0x155B8  }
.LBB2_1:
0x14: {  	[dreg:$0xd] =	wrdreg s5  }
0x15: {  	s4 =	rddreg [dreg:$0x7];
	s13 =	simm.s32 $0x3  }
0x16: {  	[tilespmem:s3], [sflag:$0x3] =	stream.linear.gather [hbm4b:s4+s3], $0x1B8, $0x38;
	[tilespmem:$0x171B8] =	vst v63  }
0x17: {  	_ =	swait.ge [sflag:s13], $0x1B8  }
0x18: {  	[sflag:s13] =	ssyncset.done $0x0  }
0x19: {  	s14 =	rddreg [dreg:$0x8];
	[sflag:s13] =	ssyncadd.s32 $0xFFFFFE48  }
0x1a: {  	[tilespmem:s15], [sflag:$0x3] =	stream.linear.gather [hbm4b:s14+s3], $0x6400, $0x38;
	[tilespmem:$0x171B8] =	vst v63  }
0x1b: {  	_ =	swait.ge [sflag:s13], $0x6400  }
0x1c: {  	[sflag:s13] =	ssyncset.done $0x0  }
0x1d: {  	s17 =	rddreg [dreg:$0x9];
	[sflag:s13] =	ssyncadd.s32 $0xFFFF9C00  }
0x1e: {  	[tilespmem:s16], [sflag:$0x3] =	stream.linear.gather [hbm4b:s17+s3], $0x6400, $0x38;
	[tilespmem:$0x171B8] =	vst v63  }
0x1f: {  	_ =	swait.ge [sflag:s13], $0x6400  }
0x20: {  	[sflag:s13] =	ssyncset.done $0x0  }
0x21: {  	s9 =	simm.s32 $0x0;
	[sflag:s13] =	ssyncadd.s32 $0xFFFF9C00  }
.LBB2_2:
0x22: {  	s4 =	simm.s32 $0x0  }
0x23: {  	s4 =	sand.u32 $0x7, s4  }
0x24: {  	s10 =	sshll.u32 s9, $0x3;
	s4 =	smul.u32 $0xC80, s4  }
0x25: {  	s5 =	sadd.s32 $0x0, s10  }
0x26: {  	s4 =	sadd.s32 s4, s5  }
0x27: {  	p0 =	seq.s32 s9, $0x0;
	v1 =	vadd.s32 s4, v0  }
0x28: {  	s4 =	simm.s32 @!p0 $0x1  }
0x29: {  	_ =	swait.ge @!p0 [sflag:s4], $0x5400  }
0x2a: {  	[sflag:s4] =	ssyncset.done @!p0 $0x0  }
0x2b: {  	[sflag:s4] =	ssyncadd.s32 @!p0 $0xFFFFAC00  }
0x2c: {  	v1 =	vld.idx.msk [tilespmem:v1+s15+$0x0], $0xffff;
	_ =	sdelay $0x4  }
0x2d: {  	v8 =	vmul.u32 $0x15, v1;
	_ =	sdelay $0x1  }
0x2e: {  	v1 =	vadd.s32 $0x1, v8  }
0x2f: {  	v3 =	vadd.s32 $0x2, v8  }
0x30: {  	v5 =	vadd.s32 $0x3, v8  }
0x31: {  	s12 =	simm.s32 $0x1;
	v6 =	vadd.s32 $0x11, v8  }
0x32: {  	s4 =	sand.u32 $0x7, s12;
	v7 =	vadd.s32 $0xF, v8  }
0x33: {  	s4 =	smul.u32 $0xC80, s4;
	v10 =	vadd.s32 $0xC, v8;
	v2 =	vld.idx.msk [tilespmem:v1+s3+$0x0], $0xffff  }
0x34: {  	s13 =	sadd.s32 $0x0, s10;
	v1 =	vadd.s32 $0xE, v8;
	v4 =	vld.idx.msk [tilespmem:v3+s3+$0x0], $0xffff  }
0x35: {  	s4 =	sadd.s32 s4, s13;
	v3 =	vadd.s32 $0xD, v8;
	v5 =	vld.idx.msk [tilespmem:v5+s3+$0x0], $0xffff  }
0x36: {  	v9 =	vadd.s32 s4, v0;
	v11 =	vld.idx.msk [tilespmem:v6+s3+$0x0], $0xffff  }
0x37: {  	v13 =	vadd.s32 $0x13, v8;
	v12 =	vld.idx.msk [tilespmem:v7+s3+$0x0], $0xffff  }
0x38: {  	v6 =	vadd.s32 $0xA, v8;
	v20 =	vld.idx.msk [tilespmem:v10+s3+$0x0], $0xffff  }
0x39: {  	v7 =	vadd.s32 $0x9, v8;
	v16 =	vld.idx.msk [tilespmem:v1+s3+$0x0], $0xffff  }
0x3a: {  	v10 =	vadd.s32 $0x12, v8;
	v18 =	vld.idx.msk [tilespmem:v3+s3+$0x0], $0xffff  }
0x3b: {  	v1 =	vadd.s32 $0x8, v8;
	v3 =	vld.idx.msk [tilespmem:v9+s15+$0x0], $0xffff  }
0x3c: {  	v14 =	vadd.s32 $0x7, v8;
	v13 =	vld.idx.msk [tilespmem:v13+s3+$0x0], $0xffff  }
0x3d: {  	v21 =	vld.idx.msk [tilespmem:v6+s3+$0x0], $0xffff;
	v6 =	vadd.s32 $0x14, v8  }
0x3e: {  	v9 =	vadd.s32 $0x10, v8;
	v25 =	vld.idx.msk [tilespmem:v7+s3+$0x0], $0xffff  }
0x3f: {  	v15 =	vld.idx.msk [tilespmem:v10+s3+$0x0], $0xffff;
	v10 =	vadd.s32 $0x5, v8  }
0x40: {  	v26 =	vld.idx.msk [tilespmem:v1+s3+$0x0], $0xffff;
	v1 =	vadd.s32 $0xB, v8;
	v7 =	vmul.u32 $0x15, v3  }
0x41: {  	v27 =	vld.idx.msk [tilespmem:v14+s3+$0x0], $0xffff;
	v3 =	vadd.s32 $0x6, v8  }
0x42: {  	v22 =	vld.idx.msk [tilespmem:v6+s3+$0x0], $0xffff;
	v6 =	vadd.s32 $0x1, v7  }
0x43: {  	v9 =	vld.idx.msk [tilespmem:v9+s3+$0x0], $0xffff;
	v17 =	vadd.s32 $0x2, v7  }
0x44: {  	v31 =	vld.idx.msk [tilespmem:v10+s3+$0x0], $0xffff;
	v19 =	vadd.s32 $0x3, v7  }
0x45: {  	v14 =	vadd.s32 $0x4, v8;
	v23 =	vld.idx.msk [tilespmem:v1+s3+$0x0], $0xffff  }
0x46: {  	s14 =	simm.s32 $0x2;
	v30 =	vld.idx.msk [tilespmem:v3+s3+$0x0], $0xffff  }
0x47: {  	s4 =	sand.u32 $0x7, s14;
	v10 =	vadd.s32 $0x11, v7;
	v3 =	vld.idx.msk [tilespmem:v6+s3+$0x0], $0xffff  }
0x48: {  	s4 =	smul.u32 $0xC80, s4;
	v24 =	vadd.s32 $0xF, v7;
	v1 =	vld.idx.msk [tilespmem:v17+s3+$0x0], $0xffff  }
0x49: {  	s17 =	sadd.s32 $0x0, s10;
	v28 =	vadd.s32 $0xE, v7;
	v6 =	vld.idx.msk [tilespmem:v19+s3+$0x0], $0xffff  }
0x4a: {  	s4 =	sadd.s32 s4, s17;
	v29 =	vadd.s32 $0xD, v7;
	v19 =	vld.idx.msk [tilespmem:v14+s3+$0x0], $0xffff  }
0x4b: {  	s12 =	simm.s32 $0x0;
	v32 =	vadd.s32 s4, v0;
	v17 =	vld.idx.msk [tilespmem:v8+s3+$0x0], $0xffff  }
0x4c: {  	v33 =	vadd.s32 $0xC, v7;
	v14 =	vld.idx.msk [tilespmem:v10+s3+$0x0], $0xffff;
	[tilespmem:s12+$0x10DB8] =	vst v11  }
0x4d: {  	v62 =	vadd.s32 $0x12, v7;
	v8 =	vld.idx.msk [tilespmem:v24+s3+$0x0], $0xffff;
	[tilespmem:s12+$0x115B8] =	vst v13  }
0x4e: {  	v11 =	vadd.s32 $0xA, v7;
	v10 =	vld.idx.msk [tilespmem:v28+s3+$0x0], $0xffff;
	[tilespmem:s12+$0x119B8] =	vst v22  }
0x4f: {  	v24 =	vadd.s32 $0x9, v7;
	v13 =	vld.idx.msk [tilespmem:v29+s3+$0x0], $0xffff;
	[tilespmem:s12+$0x111B8] =	vst v15  }
0x50: {  	v22 =	vadd.s32 $0x8, v7;
	v28 =	vld.idx.msk [tilespmem:v32+s15+$0x0], $0xffff;
	[tilespmem:s12+$0x109B8] =	vst v9  }
0x51: {  	v29 =	vadd.s32 $0x10, v7;
	v15 =	vld.idx.msk [tilespmem:v33+s3+$0x0], $0xffff;
	[tilespmem:s12+$0x105B8] =	vst v12  }
0x52: {  	v63 =	vadd.s32 $0x14, v7;
	[tilespmem:s12+$0xF5B8] =	vst v23;
	v23 =	vld.idx.msk [tilespmem:v62+s3+$0x0], $0xffff  }
0x53: {  	[tilespmem:s12+$0x101B8] =	vst v16;
	v16 =	vadd.s32 $0x13, v7;
	v9 =	vld.idx.msk [tilespmem:v11+s3+$0x0], $0xffff  }
0x54: {  	[tilespmem:s12+$0xFDB8] =	vst v18;
	v18 =	vadd.s32 $0xB, v7;
	v11 =	vld.idx.msk [tilespmem:v24+s3+$0x0], $0xffff  }
0x55: {  	v34 =	vadd.s32 $0x7, v7;
	[tilespmem:s12+$0xF9B8] =	vst v20;
	v12 =	vld.idx.msk [tilespmem:v22+s3+$0x0], $0xffff  }
0x56: {  	v35 =	vadd.s32 $0x6, v7;
	[tilespmem:s12+$0xF1B8] =	vst v21;
	v22 =	vld.idx.msk [tilespmem:v29+s3+$0x0], $0xffff  }
0x57: {  	[tilespmem:s12+$0xEDB8] =	vst v25;
	v24 =	vld.idx.msk [tilespmem:v63+s3+$0x0], $0xffff;
	v20 =	vmul.u32 $0x15, v28  }
0x58: {  	[tilespmem:s12+$0xE9B8] =	vst v26;
	v25 =	vld.idx.msk [tilespmem:v16+s3+$0x0], $0xffff;
	v29 =	vadd.s32 $0x5, v7  }
0x59: {  	[tilespmem:s12+$0xE5B8] =	vst v27;
	v21 =	vld.idx.msk [tilespmem:v18+s3+$0x0], $0xffff;
	v28 =	vadd.s32 $0x1, v20  }
0x5a: {  	s11 =	simm.s32 $0x80;
	[tilespmem:s12+$0xDDB8] =	vst v31;
	v16 =	vld.idx.msk [tilespmem:v34+s3+$0x0], $0xffff;
	v26 =	vadd.s32 $0x2, v20  }
0x5b: {  	s5 =	simm.s32 $0x3;
	s13 =	simm.s32 $0x40;
	s4 =	simm.s32 $0xC0;
	[tilespmem:s12+$0xE1B8] =	vst v30;
	v30 =	vadd.s32 $0x4, v7;
	v18 =	vld.idx.msk [tilespmem:v35+s3+$0x0], $0xffff;
	v27 =	vadd.s32 $0x3, v20  }
.LBB2_3:
0x5c: {  	s6 =	sand.u32 $0x7, s5  }
0x5d: {  	p1 =	sne.s32 s4, $0xFC0;
	v31 =	vld.idx.msk [tilespmem:v29+s3+$0x0], $0xffff;
	[tilespmem:s12+$0xD5B8] =	vst v5;
	v5 =	vmov v6;
	s14 =	smov.u32 s4;
	s4 =	sadd.s32 $0x40, s4  }
0x5e: {  	s7 =	sshrl.u32 s5, $0x3;
	v29 =	vadd.s32 $0x11, v20;
	s6 =	smul.u32 $0xC80, s6;
	v28 =	vld.idx.msk [tilespmem:v28+s3+$0x0], $0xffff;
	[tilespmem:s12+$0xD9B8] =	vst v19  }
0x5f: {  	v32 =	vadd.s32 $0xF, v20;
	s7 =	sadd.s32 s10, s7;
	[tilespmem:s12+$0xD1B8] =	vst v4;
	v4 =	vmov v1;
	v1 =	vld.idx.msk [tilespmem:v26+s3+$0x0], $0xffff  }
0x60: {  	v26 =	vadd.s32 $0xE, v20;
	s6 =	sadd.s32 s6, s7;
	v6 =	vld.idx.msk [tilespmem:v27+s3+$0x0], $0xffff;
	[tilespmem:s12+$0xC9B8] =	vst v17  }
0x61: {  	v33 =	vadd.s32 $0xD, v20;
	v27 =	vadd.s32 s6, v0;
	v19 =	vld.idx.msk [tilespmem:v30+s3+$0x0], $0xffff;
	[tilespmem:s12+$0xCDB8] =	vst v2;
	v2 =	vmov v3  }
0x62: {  	s12 =	sshra.s32 s13, $0x2;
	s13 =	smov.u32 s11;
	s11 =	smov.u32 s14;
	v17 =	vld.idx.msk [tilespmem:v7+s3+$0x0], $0xffff;
	v7 =	vmov v20  }
0x63: {  	v20 =	vadd.s32 $0xC, v7;
	[tilespmem:s12+$0x10DB8] =	vst v14;
	v14 =	vld.idx.msk [tilespmem:v29+s3+$0x0], $0xffff  }
0x64: {  	v29 =	vadd.s32 $0xA, v7;
	v3 =	vmov v28;
	v30 =	vld.idx.msk [tilespmem:v32+s3+$0x0], $0xffff;
	[tilespmem:s12+$0x115B8] =	vst v25  }
0x65: {  	v25 =	vadd.s32 $0x9, v7;
	v26 =	vld.idx.msk [tilespmem:v26+s3+$0x0], $0xffff;
	[tilespmem:s12+$0x119B8] =	vst v24  }
0x66: {  	v24 =	vadd.s32 $0x8, v7;
	v28 =	vld.idx.msk [tilespmem:v33+s3+$0x0], $0xffff;
	[tilespmem:s12+$0x111B8] =	vst v23  }
0x67: {  	v23 =	vld.idx.msk [tilespmem:v27+s15+$0x0], $0xffff;
	v27 =	vadd.s32 $0x10, v7;
	[tilespmem:s12+$0x109B8] =	vst v22  }
0x68: {  	v33 =	vadd.s32 $0x12, v7;
	v32 =	vld.idx.msk [tilespmem:v20+s3+$0x0], $0xffff;
	[tilespmem:s12+$0x105B8] =	vst v8  }
0x69: {  	v35 =	vadd.s32 $0x14, v7;
	v34 =	vld.idx.msk [tilespmem:v29+s3+$0x0], $0xffff;
	[tilespmem:s12+$0x101B8] =	vst v10  }
0x6a: {  	v8 =	vmov v30;
	v36 =	vld.idx.msk [tilespmem:v25+s3+$0x0], $0xffff;
	v25 =	vadd.s32 $0x13, v7;
	[tilespmem:s12+$0xFDB8] =	vst v13  }
0x6b: {  	v37 =	vadd.s32 $0xB, v7;
	v10 =	vmov v26;
	v30 =	vld.idx.msk [tilespmem:v24+s3+$0x0], $0xffff;
	[tilespmem:s12+$0xF9B8] =	vst v15  }
0x6c: {  	v38 =	vadd.s32 $0x7, v7;
	v13 =	vmov v28;
	v22 =	vld.idx.msk [tilespmem:v27+s3+$0x0], $0xffff;
	[tilespmem:s12+$0xF5B8] =	vst v21  }
0x6d: {  	v39 =	vadd.s32 $0x6, v7;
	v20 =	vmul.u32 $0x15, v23;
	v23 =	vld.idx.msk [tilespmem:v33+s3+$0x0], $0xffff;
	[tilespmem:s12+$0xF1B8] =	vst v9  }
.Ltmp0:
0x6e: {  	v29 =	vadd.s32 $0x5, v7;
	v15 =	vmov v32;
	v24 =	vld.idx.msk [tilespmem:v35+s3+$0x0], $0xffff;
	[tilespmem:s12+$0xEDB8] =	vst v11;
	(pc) =	sbr.rel @p1 .LBB2_3-.Ltmp0, $4  }
0x6f: {  	v28 =	vadd.s32 $0x1, v20;
	v9 =	vmov v34;
	v25 =	vld.idx.msk [tilespmem:v25+s3+$0x0], $0xffff;
	[tilespmem:s12+$0xE9B8] =	vst v12  }
0x70: {  	v26 =	vadd.s32 $0x2, v20;
	v11 =	vmov v36;
	v21 =	vld.idx.msk [tilespmem:v37+s3+$0x0], $0xffff;
	[tilespmem:s12+$0xE5B8] =	vst v16  }
0x71: {  	v27 =	vadd.s32 $0x3, v20;
	v12 =	vmov v30;
	v16 =	vld.idx.msk [tilespmem:v38+s3+$0x0], $0xffff;
	[tilespmem:s12+$0xE1B8] =	vst v18  }
0x72: {  	s5 =	sadd.s32 $0x1, s5;
	v30 =	vadd.s32 $0x4, v7;
	v18 =	vld.idx.msk [tilespmem:v39+s3+$0x0], $0xffff;
	[tilespmem:s12+$0xDDB8] =	vst v31  }
0x73: {  	_ = 	snop  }
0x74: {  	[tilespmem:s12+$0xD5B8] =	vst v5  }
0x75: {  	[tilespmem:s12+$0xD9B8] =	vst v19  }
0x76: {  	[tilespmem:s12+$0xD1B8] =	vst v4  }
0x77: {  	v5 =	vld.idx.msk [tilespmem:v29+s3+$0x0], $0xffff;
	[tilespmem:s12+$0xC9B8] =	vst v17  }
0x78: {  	v17 =	vld.idx.msk [tilespmem:v30+s3+$0x0], $0xffff;
	[tilespmem:s12+$0xCDB8] =	vst v2;
	s4 =	sshra.s32 s13, $0x2  }
0x79: {  	v2 =	vld.idx.msk [tilespmem:v7+s3+$0x0], $0xffff;
	[tilespmem:s4+$0x10DB8] =	vst v14  }
0x7a: {  	v4 =	vadd.s32 $0x11, v20;
	[tilespmem:s4+$0x115B8] =	vst v25  }
0x7b: {  	v19 =	vadd.s32 $0xF, v20;
	[tilespmem:s4+$0x119B8] =	vst v24  }
0x7c: {  	v7 =	vld.idx.msk [tilespmem:v28+s3+$0x0], $0xffff;
	v28 =	vadd.s32 $0xE, v20;
	[tilespmem:s4+$0x111B8] =	vst v23  }
0x7d: {  	v14 =	vld.idx.msk [tilespmem:v26+s3+$0x0], $0xffff;
	[tilespmem:s4+$0x109B8] =	vst v22  }
0x7e: {  	v26 =	vadd.s32 $0xD, v20;
	v25 =	vld.idx.msk [tilespmem:v27+s3+$0x0], $0xffff;
	[tilespmem:s4+$0x105B8] =	vst v8  }
0x7f: {  	v27 =	vadd.s32 $0xC, v20;
	[tilespmem:s4+$0x101B8] =	vst v10;
	v4 =	vld.idx.msk [tilespmem:v4+s3+$0x0], $0xffff  }
0x80: {  	v24 =	vadd.s32 $0xA, v20;
	[tilespmem:s4+$0xFDB8] =	vst v13;
	v19 =	vld.idx.msk [tilespmem:v19+s3+$0x0], $0xffff  }
0x81: {  	v23 =	vadd.s32 $0x9, v20;
	[tilespmem:s4+$0xF1B8] =	vst v9;
	v22 =	vld.idx.msk [tilespmem:v28+s3+$0x0], $0xffff  }
0x82: {  	v9 =	vadd.s32 $0x7, v20;
	[tilespmem:s4+$0xC9B8] =	vst v2;
	v2 =	vld.idx.msk [tilespmem:v20+s3+$0x0], $0xffff  }
0x83: {  	[tilespmem:s4+$0xEDB8] =	vst v11;
	v11 =	vadd.s32 $0x6, v20;
	v8 =	vld.idx.msk [tilespmem:v26+s3+$0x0], $0xffff  }
0x84: {  	[tilespmem:s4+$0xE9B8] =	vst v12;
	v12 =	vadd.s32 $0x5, v20;
	v10 =	vld.idx.msk [tilespmem:v27+s3+$0x0], $0xffff  }
0x85: {  	[tilespmem:s4+$0xE1B8] =	vst v18;
	v18 =	vadd.s32 $0x4, v20;
	v13 =	vld.idx.msk [tilespmem:v24+s3+$0x0], $0xffff  }
0x86: {  	[tilespmem:s4+$0xF9B8] =	vst v15;
	v28 =	vadd.s32 $0x8, v20;
	v15 =	vld.idx.msk [tilespmem:v23+s3+$0x0], $0xffff  }
0x87: {  	[tilespmem:s4+$0xDDB8] =	vst v5;
	v26 =	vadd.s32 $0x10, v20;
	v5 =	vld.idx.msk [tilespmem:v9+s3+$0x0], $0xffff  }
0x88: {  	[tilespmem:s4+$0xD5B8] =	vst v6;
	v27 =	vadd.s32 $0x12, v20;
	v6 =	vld.idx.msk [tilespmem:v11+s3+$0x0], $0xffff  }
0x89: {  	v24 =	vadd.s32 $0x14, v20;
	v9 =	vld.idx.msk [tilespmem:v12+s3+$0x0], $0xffff  }
0x8a: {  	[tilespmem:s4+$0xD1B8] =	vst v1;
	v23 =	vadd.s32 $0x13, v20;
	v1 =	vld.idx.msk [tilespmem:v18+s3+$0x0], $0xffff  }
0x8b: {  	[tilespmem:s4+$0xF5B8] =	vst v21;
	v21 =	vld.idx.msk [tilespmem:v28+s3+$0x0], $0xffff;
	v28 =	vadd.s32 $0xB, v20  }
0x8c: {  	v26 =	vld.idx.msk [tilespmem:v26+s3+$0x0], $0xffff  }
0x8d: {  	[tilespmem:s4+$0xCDB8] =	vst v3;
	v27 =	vld.idx.msk [tilespmem:v27+s3+$0x0], $0xffff  }
0x8e: {  	[tilespmem:s4+$0xE5B8] =	vst v16;
	v24 =	vld.idx.msk [tilespmem:v24+s3+$0x0], $0xffff  }
0x8f: {  	s14 =	sshra.s32 s11, $0x2;
	[tilespmem:s4+$0xD9B8] =	vst v17;
	v16 =	vld.idx.msk [tilespmem:v23+s3+$0x0], $0xffff  }
0x90: {  	v23 =	vld.idx.msk [tilespmem:v28+s3+$0x0], $0xffff;
	[tilespmem:s14+$0x10DB8] =	vst v4  }
0x91: {  	[tilespmem:s14+$0x105B8] =	vst v19  }
0x92: {  	[tilespmem:s14+$0x101B8] =	vst v22  }
0x93: {  	[tilespmem:s14+$0xFDB8] =	vst v8  }
0x94: {  	[tilespmem:s14+$0xF9B8] =	vst v10  }
0x95: {  	[tilespmem:s14+$0xF1B8] =	vst v13  }
0x96: {  	[tilespmem:s14+$0xEDB8] =	vst v15  }
0x97: {  	[tilespmem:s14+$0xE9B8] =	vst v21  }
0x98: {  	[tilespmem:s14+$0xE5B8] =	vst v5  }
0x99: {  	[tilespmem:s14+$0xE1B8] =	vst v6  }
0x9a: {  	[tilespmem:s14+$0xDDB8] =	vst v9  }
0x9b: {  	[tilespmem:s14+$0xD5B8] =	vst v25  }
0x9c: {  	[tilespmem:s14+$0xD9B8] =	vst v1  }
0x9d: {  	[tilespmem:s14+$0xD1B8] =	vst v14  }
0x9e: {  	[tilespmem:s14+$0xC9B8] =	vst v2  }
0x9f: {  	[tilespmem:s14+$0xCDB8] =	vst v7  }
0xa0: {  	s11 =	sshll.u32 s9, $0x7;
	[tilespmem:s14+$0x115B8] =	vst v16  }
0xa1: {  	s5 =	sor.u32 s18, s11;
	[tilespmem:s14+$0x119B8] =	vst v24  }
0xa2: {  	s5 =	sshll.u32 s5, $0x7;
	[tilespmem:s14+$0x111B8] =	vst v27  }
0xa3: {  	s7 =	sand.u32 $0x1FFFFF80, s5;
	[tilespmem:s14+$0x109B8] =	vst v26  }
0xa4: {  	s6 =	simm.s32 $0xC9B8;
	s17 =	sadd.s32 s2, s5;
	s4 =	sadd.s32 s2, s7;
	[tilespmem:s14+$0xF5B8] =	vst v23  }
0xa5: {  	[hbm4b:s17+s3] =	stream.linear.scatter [tilespmem:s6], [sflag:$0x1], $0x400, $0x38;
	[tilespmem:$0x171B8] =	vst v63  }
0xa6: {  	s13 =	simm.s32 $0xCDB8;
	s12 =	sadd.s32 $0x64000, s4  }
0xa7: {  	[hbm4b:s12+s3] =	stream.linear.scatter [tilespmem:s13], [sflag:$0x1], $0x400, $0x38;
	[tilespmem:$0x171B8] =	vst v63  }
0xa8: {  	s14 =	sadd.s32 $0xC8000, s4;
	s17 =	simm.s32 $0xD1B8  }
0xa9: {  	[hbm4b:s14+s3] =	stream.linear.scatter [tilespmem:s17], [sflag:$0x1], $0x400, $0x38;
	[tilespmem:$0x171B8] =	vst v63  }
0xaa: {  	s7 =	simm.s32 $0xD5B8;
	s6 =	sadd.s32 $0x12C000, s4  }
0xab: {  	[hbm4b:s6+s3] =	stream.linear.scatter [tilespmem:s7], [sflag:$0x1], $0x400, $0x38;
	[tilespmem:$0x171B8] =	vst v63  }
0xac: {  	s12 =	sadd.s32 $0x190000, s4;
	s13 =	simm.s32 $0xD9B8  }
0xad: {  	[hbm4b:s12+s3] =	stream.linear.scatter [tilespmem:s13], [sflag:$0x1], $0x400, $0x38;
	[tilespmem:$0x171B8] =	vst v63  }
0xae: {  	s14 =	sadd.s32 $0x1F4000, s4;
	s17 =	simm.s32 $0xDDB8  }
0xaf: {  	[hbm4b:s14+s3] =	stream.linear.scatter [tilespmem:s17], [sflag:$0x1], $0x400, $0x38;
	[tilespmem:$0x171B8] =	vst v63  }
0xb0: {  	s6 =	sadd.s32 $0x258000, s4;
	s7 =	simm.s32 $0xE1B8  }
0xb1: {  	[hbm4b:s6+s3] =	stream.linear.scatter [tilespmem:s7], [sflag:$0x1], $0x400, $0x38;
	[tilespmem:$0x171B8] =	vst v63  }
0xb2: {  	s12 =	sadd.s32 $0x2BC000, s4;
	s13 =	simm.s32 $0xE5B8  }
0xb3: {  	[hbm4b:s12+s3] =	stream.linear.scatter [tilespmem:s13], [sflag:$0x1], $0x400, $0x38;
	[tilespmem:$0x171B8] =	vst v63  }
0xb4: {  	s14 =	sadd.s32 $0x320000, s4;
	s17 =	simm.s32 $0xE9B8  }
0xb5: {  	[hbm4b:s14+s3] =	stream.linear.scatter [tilespmem:s17], [sflag:$0x1], $0x400, $0x38;
	[tilespmem:$0x171B8] =	vst v63  }
0xb6: {  	s6 =	sadd.s32 $0x384000, s4;
	s7 =	simm.s32 $0xEDB8  }
0xb7: {  	[hbm4b:s6+s3] =	stream.linear.scatter [tilespmem:s7], [sflag:$0x1], $0x400, $0x38;
	[tilespmem:$0x171B8] =	vst v63  }
0xb8: {  	s12 =	sadd.s32 $0x3E8000, s4;
	s13 =	simm.s32 $0xF1B8  }
0xb9: {  	[hbm4b:s12+s3] =	stream.linear.scatter [tilespmem:s13], [sflag:$0x1], $0x400, $0x38;
	[tilespmem:$0x171B8] =	vst v63  }
0xba: {  	s14 =	sadd.s32 $0x44C000, s4;
	s17 =	simm.s32 $0xF5B8  }
0xbb: {  	[hbm4b:s14+s3] =	stream.linear.scatter [tilespmem:s17], [sflag:$0x1], $0x400, $0x38;
	[tilespmem:$0x171B8] =	vst v63  }
0xbc: {  	s6 =	sadd.s32 $0x4B0000, s4;
	s7 =	simm.s32 $0xF9B8  }
0xbd: {  	[hbm4b:s6+s3] =	stream.linear.scatter [tilespmem:s7], [sflag:$0x1], $0x400, $0x38;
	[tilespmem:$0x171B8] =	vst v63  }
0xbe: {  	s12 =	sadd.s32 $0x514000, s4;
	s13 =	simm.s32 $0xFDB8  }
0xbf: {  	[hbm4b:s12+s3] =	stream.linear.scatter [tilespmem:s13], [sflag:$0x1], $0x400, $0x38;
	[tilespmem:$0x171B8] =	vst v63  }
0xc0: {  	s14 =	sadd.s32 $0x578000, s4;
	s17 =	simm.s32 $0x101B8  }
0xc1: {  	[hbm4b:s14+s3] =	stream.linear.scatter [tilespmem:s17], [sflag:$0x1], $0x400, $0x38;
	[tilespmem:$0x171B8] =	vst v63  }
0xc2: {  	s6 =	sadd.s32 $0x5DC000, s4;
	s7 =	simm.s32 $0x105B8  }
0xc3: {  	[hbm4b:s6+s3] =	stream.linear.scatter [tilespmem:s7], [sflag:$0x1], $0x400, $0x38;
	[tilespmem:$0x171B8] =	vst v63  }
0xc4: {  	s12 =	sadd.s32 $0x640000, s4;
	s13 =	simm.s32 $0x109B8  }
0xc5: {  	[hbm4b:s12+s3] =	stream.linear.scatter [tilespmem:s13], [sflag:$0x1], $0x400, $0x38;
	[tilespmem:$0x171B8] =	vst v63  }
0xc6: {  	s14 =	sadd.s32 $0x6A4000, s4;
	s17 =	simm.s32 $0x10DB8  }
0xc7: {  	[hbm4b:s14+s3] =	stream.linear.scatter [tilespmem:s17], [sflag:$0x1], $0x400, $0x38;
	[tilespmem:$0x171B8] =	vst v63  }
0xc8: {  	s6 =	sadd.s32 $0x708000, s4;
	s14 =	simm.s32 $0x0  }
0xc9: {  	s7 =	simm.s32 $0x111B8;
	s12 =	sadd.s32 $0x76C000, s4;
	s5 =	sand.u32 $0x7, s14  }
0xca: {  	[hbm4b:s6+s3] =	stream.linear.scatter [tilespmem:s7], [sflag:$0x1], $0x400, $0x38;
	[tilespmem:$0x171B8] =	vst v63  }
0xcb: {  	s13 =	simm.s32 $0x115B8;
	s17 =	sadd.s32 $0x0, s10;
	s5 =	smul.u32 $0xC80, s5  }
0xcc: {  	[hbm4b:s12+s3] =	stream.linear.scatter [tilespmem:s13], [sflag:$0x1], $0x400, $0x38;
	[tilespmem:$0x171B8] =	vst v63  }
0xcd: {  	s4 =	sadd.s32 $0x7D0000, s4;
	s7 =	simm.s32 $0x119B8;
	s5 =	sadd.s32 s5, s17  }
0xce: {  	v1 =	vadd.s32 s5, v0;
	[hbm4b:s4+s3] =	stream.linear.scatter [tilespmem:s7], [sflag:$0x1], $0x400, $0x38;
	[tilespmem:$0x171B8] =	vst v63  }
0xcf: {  	s4 =	simm.s32 @!p0 $0x2  }
0xd0: {  	_ =	swait.ge @!p0 [sflag:s4], $0x5400  }
0xd1: {  	[sflag:s4] =	ssyncset.done @!p0 $0x0  }
0xd2: {  	[sflag:s4] =	ssyncadd.s32 @!p0 $0xFFFFAC00  }
0xd3: {  	v1 =	vld.idx.msk [tilespmem:v1+s16+$0x0], $0xffff;
	_ =	sdelay $0x4  }
0xd4: {  	v8 =	vmul.u32 $0x15, v1;
	_ =	sdelay $0x1  }
0xd5: {  	v1 =	vadd.s32 $0x1, v8  }
0xd6: {  	v2 =	vadd.s32 $0x2, v8  }
0xd7: {  	v5 =	vadd.s32 $0x3, v8  }
0xd8: {  	s12 =	simm.s32 $0x1;
	v6 =	vadd.s32 $0x11, v8  }
0xd9: {  	s4 =	sand.u32 $0x7, s12;
	v7 =	vadd.s32 $0xF, v8  }
0xda: {  	s4 =	smul.u32 $0xC80, s4;
	v10 =	vadd.s32 $0xC, v8;
	v3 =	vld.idx.msk [tilespmem:v1+s3+$0x0], $0xffff  }
0xdb: {  	s13 =	sadd.s32 $0x0, s10;
	v1 =	vadd.s32 $0xE, v8;
	v4 =	vld.idx.msk [tilespmem:v2+s3+$0x0], $0xffff  }
0xdc: {  	s4 =	sadd.s32 s4, s13;
	v2 =	vadd.s32 $0xD, v8;
	v5 =	vld.idx.msk [tilespmem:v5+s3+$0x0], $0xffff  }
0xdd: {  	v9 =	vadd.s32 s4, v0;
	v11 =	vld.idx.msk [tilespmem:v6+s3+$0x0], $0xffff  }
0xde: {  	v13 =	vadd.s32 $0x13, v8;
	v12 =	vld.idx.msk [tilespmem:v7+s3+$0x0], $0xffff  }
0xdf: {  	v6 =	vadd.s32 $0xA, v8;
	v20 =	vld.idx.msk [tilespmem:v10+s3+$0x0], $0xffff  }
0xe0: {  	v7 =	vadd.s32 $0x9, v8;
	v16 =	vld.idx.msk [tilespmem:v1+s3+$0x0], $0xffff  }
0xe1: {  	v10 =	vadd.s32 $0x12, v8;
	v18 =	vld.idx.msk [tilespmem:v2+s3+$0x0], $0xffff  }
0xe2: {  	v1 =	vadd.s32 $0x8, v8;
	v2 =	vld.idx.msk [tilespmem:v9+s16+$0x0], $0xffff  }
0xe3: {  	v14 =	vadd.s32 $0x7, v8;
	v13 =	vld.idx.msk [tilespmem:v13+s3+$0x0], $0xffff  }
0xe4: {  	v21 =	vld.idx.msk [tilespmem:v6+s3+$0x0], $0xffff;
	v6 =	vadd.s32 $0x14, v8  }
0xe5: {  	v9 =	vadd.s32 $0x10, v8;
	v25 =	vld.idx.msk [tilespmem:v7+s3+$0x0], $0xffff  }
0xe6: {  	v15 =	vld.idx.msk [tilespmem:v10+s3+$0x0], $0xffff;
	v10 =	vadd.s32 $0x5, v8  }
0xe7: {  	v26 =	vld.idx.msk [tilespmem:v1+s3+$0x0], $0xffff;
	v1 =	vadd.s32 $0xB, v8;
	v7 =	vmul.u32 $0x15, v2  }
0xe8: {  	v27 =	vld.idx.msk [tilespmem:v14+s3+$0x0], $0xffff;
	v2 =	vadd.s32 $0x6, v8  }
0xe9: {  	v22 =	vld.idx.msk [tilespmem:v6+s3+$0x0], $0xffff;
	v6 =	vadd.s32 $0x1, v7  }
0xea: {  	v9 =	vld.idx.msk [tilespmem:v9+s3+$0x0], $0xffff;
	v17 =	vadd.s32 $0x2, v7  }
0xeb: {  	v31 =	vld.idx.msk [tilespmem:v10+s3+$0x0], $0xffff;
	v19 =	vadd.s32 $0x3, v7  }
0xec: {  	v14 =	vadd.s32 $0x4, v8;
	v23 =	vld.idx.msk [tilespmem:v1+s3+$0x0], $0xffff  }
0xed: {  	s14 =	simm.s32 $0x2;
	v30 =	vld.idx.msk [tilespmem:v2+s3+$0x0], $0xffff  }
0xee: {  	s4 =	sand.u32 $0x7, s14;
	v10 =	vadd.s32 $0x11, v7;
	v2 =	vld.idx.msk [tilespmem:v6+s3+$0x0], $0xffff  }
0xef: {  	s4 =	smul.u32 $0xC80, s4;
	v24 =	vadd.s32 $0xF, v7;
	v1 =	vld.idx.msk [tilespmem:v17+s3+$0x0], $0xffff  }
0xf0: {  	s17 =	sadd.s32 $0x0, s10;
	v28 =	vadd.s32 $0xE, v7;
	v6 =	vld.idx.msk [tilespmem:v19+s3+$0x0], $0xffff  }
0xf1: {  	s4 =	sadd.s32 s4, s17;
	v29 =	vadd.s32 $0xD, v7;
	v19 =	vld.idx.msk [tilespmem:v14+s3+$0x0], $0xffff  }
0xf2: {  	s13 =	simm.s32 $0x0;
	v32 =	vadd.s32 s4, v0;
	v17 =	vld.idx.msk [tilespmem:v8+s3+$0x0], $0xffff  }
0xf3: {  	v33 =	vadd.s32 $0xC, v7;
	v14 =	vld.idx.msk [tilespmem:v10+s3+$0x0], $0xffff;
	[tilespmem:s13+$0x161B8] =	vst v11  }
0xf4: {  	v62 =	vadd.s32 $0x12, v7;
	v8 =	vld.idx.msk [tilespmem:v24+s3+$0x0], $0xffff;
	[tilespmem:s13+$0x169B8] =	vst v13  }
0xf5: {  	v11 =	vadd.s32 $0xA, v7;
	v10 =	vld.idx.msk [tilespmem:v28+s3+$0x0], $0xffff;
	[tilespmem:s13+$0x16DB8] =	vst v22  }
0xf6: {  	v24 =	vadd.s32 $0x9, v7;
	v13 =	vld.idx.msk [tilespmem:v29+s3+$0x0], $0xffff;
	[tilespmem:s13+$0x165B8] =	vst v15  }
0xf7: {  	v22 =	vadd.s32 $0x8, v7;
	v28 =	vld.idx.msk [tilespmem:v32+s16+$0x0], $0xffff;
	[tilespmem:s13+$0x15DB8] =	vst v9  }
0xf8: {  	v29 =	vadd.s32 $0x10, v7;
	v15 =	vld.idx.msk [tilespmem:v33+s3+$0x0], $0xffff;
	[tilespmem:s13+$0x159B8] =	vst v12  }
0xf9: {  	v63 =	vadd.s32 $0x14, v7;
	[tilespmem:s13+$0x149B8] =	vst v23;
	v23 =	vld.idx.msk [tilespmem:v62+s3+$0x0], $0xffff  }
0xfa: {  	[tilespmem:s13+$0x155B8] =	vst v16;
	v16 =	vadd.s32 $0x13, v7;
	v9 =	vld.idx.msk [tilespmem:v11+s3+$0x0], $0xffff  }
0xfb: {  	[tilespmem:s13+$0x151B8] =	vst v18;
	v18 =	vadd.s32 $0xB, v7;
	v11 =	vld.idx.msk [tilespmem:v24+s3+$0x0], $0xffff  }
0xfc: {  	v34 =	vadd.s32 $0x7, v7;
	[tilespmem:s13+$0x14DB8] =	vst v20;
	v12 =	vld.idx.msk [tilespmem:v22+s3+$0x0], $0xffff  }
0xfd: {  	v35 =	vadd.s32 $0x6, v7;
	[tilespmem:s13+$0x145B8] =	vst v21;
	v22 =	vld.idx.msk [tilespmem:v29+s3+$0x0], $0xffff  }
0xfe: {  	[tilespmem:s13+$0x141B8] =	vst v25;
	v24 =	vld.idx.msk [tilespmem:v63+s3+$0x0], $0xffff;
	v20 =	vmul.u32 $0x15, v28  }
0xff: {  	[tilespmem:s13+$0x13DB8] =	vst v26;
	v25 =	vld.idx.msk [tilespmem:v16+s3+$0x0], $0xffff;
	v29 =	vadd.s32 $0x5, v7  }
0x100: {  	[tilespmem:s13+$0x139B8] =	vst v27;
	v21 =	vld.idx.msk [tilespmem:v18+s3+$0x0], $0xffff;
	v28 =	vadd.s32 $0x1, v20  }
0x101: {  	s5 =	simm.s32 $0x3;
	[tilespmem:s13+$0x131B8] =	vst v31;
	v16 =	vld.idx.msk [tilespmem:v34+s3+$0x0], $0xffff;
	v26 =	vadd.s32 $0x2, v20  }
0x102: {  	s12 =	simm.s32 $0x80;
	s14 =	simm.s32 $0x40;
	s4 =	simm.s32 $0xC0;
	[tilespmem:s13+$0x135B8] =	vst v30;
	v30 =	vadd.s32 $0x4, v7;
	v18 =	vld.idx.msk [tilespmem:v35+s3+$0x0], $0xffff;
	v27 =	vadd.s32 $0x3, v20  }
.LBB2_5:
0x103: {  	s6 =	sand.u32 $0x7, s5  }
0x104: {  	p0 =	sne.s32 s4, $0xFC0;
	v31 =	vld.idx.msk [tilespmem:v29+s3+$0x0], $0xffff;
	[tilespmem:s13+$0x129B8] =	vst v5;
	v5 =	vmov v6;
	s7 =	smov.u32 s4;
	s4 =	sadd.s32 $0x40, s4  }
0x105: {  	s17 =	sshrl.u32 s5, $0x3;
	v29 =	vadd.s32 $0x11, v20;
	s6 =	smul.u32 $0xC80, s6;
	v28 =	vld.idx.msk [tilespmem:v28+s3+$0x0], $0xffff;
	[tilespmem:s13+$0x12DB8] =	vst v19  }
0x106: {  	v32 =	vadd.s32 $0xF, v20;
	s17 =	sadd.s32 s10, s17;
	[tilespmem:s13+$0x125B8] =	vst v4;
	v4 =	vmov v1;
	v1 =	vld.idx.msk [tilespmem:v26+s3+$0x0], $0xffff  }
0x107: {  	v26 =	vadd.s32 $0xE, v20;
	s6 =	sadd.s32 s6, s17;
	v6 =	vld.idx.msk [tilespmem:v27+s3+$0x0], $0xffff;
	[tilespmem:s13+$0x11DB8] =	vst v17  }
0x108: {  	v33 =	vadd.s32 $0xD, v20;
	v27 =	vadd.s32 s6, v0;
	v19 =	vld.idx.msk [tilespmem:v30+s3+$0x0], $0xffff;
	[tilespmem:s13+$0x121B8] =	vst v3;
	v3 =	vmov v2  }
0x109: {  	s13 =	sshra.s32 s14, $0x2;
	s14 =	smov.u32 s12;
	s12 =	smov.u32 s7;
	v17 =	vld.idx.msk [tilespmem:v7+s3+$0x0], $0xffff;
	v7 =	vmov v20  }
0x10a: {  	v20 =	vadd.s32 $0xC, v7;
	[tilespmem:s13+$0x161B8] =	vst v14;
	v14 =	vld.idx.msk [tilespmem:v29+s3+$0x0], $0xffff  }
0x10b: {  	v29 =	vadd.s32 $0xA, v7;
	v2 =	vmov v28;
	v30 =	vld.idx.msk [tilespmem:v32+s3+$0x0], $0xffff;
	[tilespmem:s13+$0x169B8] =	vst v25  }
0x10c: {  	v25 =	vadd.s32 $0x9, v7;
	v26 =	vld.idx.msk [tilespmem:v26+s3+$0x0], $0xffff;
	[tilespmem:s13+$0x16DB8] =	vst v24  }
0x10d: {  	v24 =	vadd.s32 $0x8, v7;
	v28 =	vld.idx.msk [tilespmem:v33+s3+$0x0], $0xffff;
	[tilespmem:s13+$0x165B8] =	vst v23  }
0x10e: {  	v23 =	vld.idx.msk [tilespmem:v27+s16+$0x0], $0xffff;
	v27 =	vadd.s32 $0x10, v7;
	[tilespmem:s13+$0x15DB8] =	vst v22  }
0x10f: {  	v33 =	vadd.s32 $0x12, v7;
	v32 =	vld.idx.msk [tilespmem:v20+s3+$0x0], $0xffff;
	[tilespmem:s13+$0x159B8] =	vst v8  }
0x110: {  	v35 =	vadd.s32 $0x14, v7;
	v34 =	vld.idx.msk [tilespmem:v29+s3+$0x0], $0xffff;
	[tilespmem:s13+$0x155B8] =	vst v10  }
0x111: {  	v8 =	vmov v30;
	v36 =	vld.idx.msk [tilespmem:v25+s3+$0x0], $0xffff;
	v25 =	vadd.s32 $0x13, v7;
	[tilespmem:s13+$0x151B8] =	vst v13  }
0x112: {  	v37 =	vadd.s32 $0xB, v7;
	v10 =	vmov v26;
	v30 =	vld.idx.msk [tilespmem:v24+s3+$0x0], $0xffff;
	[tilespmem:s13+$0x14DB8] =	vst v15  }
0x113: {  	v38 =	vadd.s32 $0x7, v7;
	v13 =	vmov v28;
	v22 =	vld.idx.msk [tilespmem:v27+s3+$0x0], $0xffff;
	[tilespmem:s13+$0x149B8] =	vst v21  }
0x114: {  	v39 =	vadd.s32 $0x6, v7;
	v20 =	vmul.u32 $0x15, v23;
	v23 =	vld.idx.msk [tilespmem:v33+s3+$0x0], $0xffff;
	[tilespmem:s13+$0x145B8] =	vst v9  }
.Ltmp1:
0x115: {  	v29 =	vadd.s32 $0x5, v7;
	v15 =	vmov v32;
	v24 =	vld.idx.msk [tilespmem:v35+s3+$0x0], $0xffff;
	[tilespmem:s13+$0x141B8] =	vst v11;
	(pc) =	sbr.rel @p0 .LBB2_5-.Ltmp1, $4  }
0x116: {  	v28 =	vadd.s32 $0x1, v20;
	v9 =	vmov v34;
	v25 =	vld.idx.msk [tilespmem:v25+s3+$0x0], $0xffff;
	[tilespmem:s13+$0x13DB8] =	vst v12  }
0x117: {  	v26 =	vadd.s32 $0x2, v20;
	v11 =	vmov v36;
	v21 =	vld.idx.msk [tilespmem:v37+s3+$0x0], $0xffff;
	[tilespmem:s13+$0x139B8] =	vst v16  }
0x118: {  	v27 =	vadd.s32 $0x3, v20;
	v12 =	vmov v30;
	v16 =	vld.idx.msk [tilespmem:v38+s3+$0x0], $0xffff;
	[tilespmem:s13+$0x135B8] =	vst v18  }
0x119: {  	s5 =	sadd.s32 $0x1, s5;
	v30 =	vadd.s32 $0x4, v7;
	v18 =	vld.idx.msk [tilespmem:v39+s3+$0x0], $0xffff;
	[tilespmem:s13+$0x131B8] =	vst v31  }
0x11a: {  	_ = 	snop  }
0x11b: {  	[tilespmem:s13+$0x129B8] =	vst v5  }
0x11c: {  	[tilespmem:s13+$0x12DB8] =	vst v19  }
0x11d: {  	[tilespmem:s13+$0x125B8] =	vst v4  }
0x11e: {  	v32 =	vld.idx.msk [tilespmem:v29+s3+$0x0], $0xffff;
	[tilespmem:s13+$0x11DB8] =	vst v17  }
0x11f: {  	v34 =	vld.idx.msk [tilespmem:v30+s3+$0x0], $0xffff;
	[tilespmem:s13+$0x121B8] =	vst v3;
	s4 =	sshra.s32 s14, $0x2  }
0x120: {  	v33 =	vadd.s32 $0x11, v20;
	v7 =	vld.idx.msk [tilespmem:v7+s3+$0x0], $0xffff;
	[tilespmem:s4+$0x161B8] =	vst v14  }
0x121: {  	v3 =	vadd.s32 $0xF, v20;
	v35 =	vld.idx.msk [tilespmem:v28+s3+$0x0], $0xffff;
	[tilespmem:s4+$0x169B8] =	vst v25  }
0x122: {  	v36 =	vadd.s32 $0xE, v20;
	v37 =	vld.idx.msk [tilespmem:v26+s3+$0x0], $0xffff;
	[tilespmem:s4+$0x16DB8] =	vst v24  }
0x123: {  	v38 =	vadd.s32 $0xD, v20;
	v39 =	vld.idx.msk [tilespmem:v27+s3+$0x0], $0xffff;
	[tilespmem:s4+$0x165B8] =	vst v23  }
0x124: {  	v40 =	vadd.s32 $0xC, v20;
	[tilespmem:s4+$0x121B8] =	vst v2;
	v2 =	vld.idx.msk [tilespmem:v20+s3+$0x0], $0xffff  }
0x125: {  	v41 =	vadd.s32 $0xA, v20;
	[tilespmem:s4+$0x15DB8] =	vst v22;
	v4 =	vld.idx.msk [tilespmem:v33+s3+$0x0], $0xffff  }
0x126: {  	v42 =	vadd.s32 $0x9, v20;
	[tilespmem:s4+$0x159B8] =	vst v8;
	v3 =	vld.idx.msk [tilespmem:v3+s3+$0x0], $0xffff  }
0x127: {  	v44 =	vadd.s32 $0x8, v20;
	[tilespmem:s4+$0x155B8] =	vst v10;
	v43 =	vld.idx.msk [tilespmem:v36+s3+$0x0], $0xffff  }
0x128: {  	v46 =	vadd.s32 $0x10, v20;
	[tilespmem:s4+$0x151B8] =	vst v13;
	v45 =	vld.idx.msk [tilespmem:v38+s3+$0x0], $0xffff  }
0x129: {  	v48 =	vadd.s32 $0x12, v20;
	[tilespmem:s4+$0x14DB8] =	vst v15;
	v47 =	vld.idx.msk [tilespmem:v40+s3+$0x0], $0xffff  }
0x12a: {  	v50 =	vadd.s32 $0x14, v20;
	[tilespmem:s4+$0x145B8] =	vst v9;
	v49 =	vld.idx.msk [tilespmem:v41+s3+$0x0], $0xffff  }
0x12b: {  	v52 =	vadd.s32 $0x13, v20;
	[tilespmem:s4+$0x141B8] =	vst v11;
	v51 =	vld.idx.msk [tilespmem:v42+s3+$0x0], $0xffff  }
0x12c: {  	v54 =	vadd.s32 $0xB, v20;
	[tilespmem:s4+$0x13DB8] =	vst v12;
	v53 =	vld.idx.msk [tilespmem:v44+s3+$0x0], $0xffff  }
0x12d: {  	v55 =	vadd.s32 $0x7, v20;
	[tilespmem:s4+$0x129B8] =	vst v6;
	v26 =	vld.idx.msk [tilespmem:v46+s3+$0x0], $0xffff  }
0x12e: {  	v56 =	vadd.s32 $0x6, v20;
	[tilespmem:s4+$0x125B8] =	vst v1;
	v27 =	vld.idx.msk [tilespmem:v48+s3+$0x0], $0xffff  }
0x12f: {  	v57 =	vadd.s32 $0x5, v20;
	[tilespmem:s4+$0x149B8] =	vst v21;
	v24 =	vld.idx.msk [tilespmem:v50+s3+$0x0], $0xffff  }
0x130: {  	v59 =	vadd.s32 $0x4, v20;
	[tilespmem:s4+$0x139B8] =	vst v16;
	v58 =	vld.idx.msk [tilespmem:v52+s3+$0x0], $0xffff  }
0x131: {  	[tilespmem:s4+$0x135B8] =	vst v18;
	v60 =	vld.idx.msk [tilespmem:v54+s3+$0x0], $0xffff  }
0x132: {  	[tilespmem:s4+$0x131B8] =	vst v32;
	v61 =	vld.idx.msk [tilespmem:v55+s3+$0x0], $0xffff  }
0x133: {  	v62 =	vld.idx.msk [tilespmem:v56+s3+$0x0], $0xffff;
	[tilespmem:s4+$0x12DB8] =	vst v34  }
0x134: {  	s10 =	sshra.s32 s12, $0x2;
	v63 =	vld.idx.msk [tilespmem:v57+s3+$0x0], $0xffff;
	[tilespmem:s4+$0x11DB8] =	vst v7  }
0x135: {  	v1 =	vld.idx.msk [tilespmem:v59+s3+$0x0], $0xffff;
	[tilespmem:s10+$0x129B8] =	vst v39  }
0x136: {  	[tilespmem:s10+$0x125B8] =	vst v37  }
0x137: {  	[tilespmem:s10+$0x161B8] =	vst v4  }
0x138: {  	[tilespmem:s10+$0x169B8] =	vst v58  }
0x139: {  	[tilespmem:s10+$0x16DB8] =	vst v24  }
0x13a: {  	[tilespmem:s10+$0x165B8] =	vst v27  }
0x13b: {  	[tilespmem:s10+$0x15DB8] =	vst v26  }
0x13c: {  	[tilespmem:s10+$0x159B8] =	vst v3  }
0x13d: {  	[tilespmem:s10+$0x155B8] =	vst v43  }
0x13e: {  	[tilespmem:s10+$0x151B8] =	vst v45  }
0x13f: {  	[tilespmem:s10+$0x14DB8] =	vst v47  }
0x140: {  	[tilespmem:s10+$0x149B8] =	vst v60  }
0x141: {  	[tilespmem:s10+$0x145B8] =	vst v49  }
0x142: {  	[tilespmem:s10+$0x141B8] =	vst v51  }
0x143: {  	[tilespmem:s10+$0x13DB8] =	vst v53  }
0x144: {  	[tilespmem:s10+$0x139B8] =	vst v61  }
0x145: {  	[tilespmem:s10+$0x135B8] =	vst v62  }
0x146: {  	[tilespmem:s10+$0x131B8] =	vst v63  }
0x147: {  	[tilespmem:s10+$0x12DB8] =	vst v1  }
0x148: {  	s5 =	rddreg [dreg:$0x4]  }
0x149: {  	s5 =	sor.u32 s5, s11  }
0x14a: {  	[tilespmem:s10+$0x11DB8] =	vst v2;
	s5 =	sshll.u32 s5, $0x7  }
0x14b: {  	s6 =	simm.s32 $0x11DB8;
	[tilespmem:s10+$0x121B8] =	vst v35;
	s12 =	sadd.s32 s2, s5;
	s13 =	sand.u32 $0x1FFFFF80, s5  }
0x14c: {  	[hbm4b:s12+s3] =	stream.linear.scatter [tilespmem:s6], [sflag:$0x2], $0x400, $0x38;
	[tilespmem:$0x171B8] =	vst v63  }
0x14d: {  	s4 =	sadd.s32 s2, s13  }
0x14e: {  	s17 =	simm.s32 $0x121B8;
	s14 =	sadd.s32 $0x64000, s4  }
0x14f: {  	[hbm4b:s14+s3] =	stream.linear.scatter [tilespmem:s17], [sflag:$0x2], $0x400, $0x38;
	[tilespmem:$0x171B8] =	vst v63  }
0x150: {  	s7 =	simm.s32 $0x125B8;
	s6 =	sadd.s32 $0xC8000, s4  }
0x151: {  	[hbm4b:s6+s3] =	stream.linear.scatter [tilespmem:s7], [sflag:$0x2], $0x400, $0x38;
	[tilespmem:$0x171B8] =	vst v63  }
0x152: {  	s11 =	simm.s32 $0x129B8;
	s10 =	sadd.s32 $0x12C000, s4  }
0x153: {  	[hbm4b:s10+s3] =	stream.linear.scatter [tilespmem:s11], [sflag:$0x2], $0x400, $0x38;
	[tilespmem:$0x171B8] =	vst v63  }
0x154: {  	s13 =	simm.s32 $0x12DB8;
	s12 =	sadd.s32 $0x190000, s4  }
0x155: {  	[hbm4b:s12+s3] =	stream.linear.scatter [tilespmem:s13], [sflag:$0x2], $0x400, $0x38;
	[tilespmem:$0x171B8] =	vst v63  }
0x156: {  	s14 =	sadd.s32 $0x1F4000, s4;
	s17 =	simm.s32 $0x131B8  }
0x157: {  	[hbm4b:s14+s3] =	stream.linear.scatter [tilespmem:s17], [sflag:$0x2], $0x400, $0x38;
	[tilespmem:$0x171B8] =	vst v63  }
0x158: {  	s6 =	sadd.s32 $0x258000, s4;
	s7 =	simm.s32 $0x135B8  }
0x159: {  	[hbm4b:s6+s3] =	stream.linear.scatter [tilespmem:s7], [sflag:$0x2], $0x400, $0x38;
	[tilespmem:$0x171B8] =	vst v63  }
0x15a: {  	s10 =	sadd.s32 $0x2BC000, s4;
	s11 =	simm.s32 $0x139B8  }
0x15b: {  	[hbm4b:s10+s3] =	stream.linear.scatter [tilespmem:s11], [sflag:$0x2], $0x400, $0x38;
	[tilespmem:$0x171B8] =	vst v63  }
0x15c: {  	s12 =	sadd.s32 $0x320000, s4  }
0x15d: {  	[hbm4b:s12+s3] =	stream.linear.scatter [tilespmem:s19], [sflag:$0x2], $0x400, $0x38;
	[tilespmem:$0x171B8] =	vst v63  }
0x15e: {  	s13 =	sadd.s32 $0x384000, s4  }
0x15f: {  	[hbm4b:s13+s3] =	stream.linear.scatter [tilespmem:s20], [sflag:$0x2], $0x400, $0x38;
	[tilespmem:$0x171B8] =	vst v63  }
0x160: {  	s14 =	sadd.s32 $0x3E8000, s4  }
0x161: {  	[hbm4b:s14+s3] =	stream.linear.scatter [tilespmem:s21], [sflag:$0x2], $0x400, $0x38;
	[tilespmem:$0x171B8] =	vst v63  }
0x162: {  	s17 =	sadd.s32 $0x44C000, s4  }
0x163: {  	[hbm4b:s17+s3] =	stream.linear.scatter [tilespmem:s22], [sflag:$0x2], $0x400, $0x38;
	[tilespmem:$0x171B8] =	vst v63  }
0x164: {  	s6 =	sadd.s32 $0x4B0000, s4  }
0x165: {  	[hbm4b:s6+s3] =	stream.linear.scatter [tilespmem:s23], [sflag:$0x2], $0x400, $0x38;
	[tilespmem:$0x171B8] =	vst v63  }
0x166: {  	s7 =	sadd.s32 $0x514000, s4  }
0x167: {  	[hbm4b:s7+s3] =	stream.linear.scatter [tilespmem:s24], [sflag:$0x2], $0x400, $0x38;
	[tilespmem:$0x171B8] =	vst v63  }
0x168: {  	s10 =	sadd.s32 $0x578000, s4  }
0x169: {  	[hbm4b:s10+s3] =	stream.linear.scatter [tilespmem:s25], [sflag:$0x2], $0x400, $0x38;
	[tilespmem:$0x171B8] =	vst v63  }
0x16a: {  	s11 =	sadd.s32 $0x5DC000, s4  }
0x16b: {  	[hbm4b:s11+s3] =	stream.linear.scatter [tilespmem:s26], [sflag:$0x2], $0x400, $0x38;
	[tilespmem:$0x171B8] =	vst v63  }
0x16c: {  	s12 =	sadd.s32 $0x640000, s4  }
0x16d: {  	[hbm4b:s12+s3] =	stream.linear.scatter [tilespmem:s28], [sflag:$0x2], $0x400, $0x38;
	[tilespmem:$0x171B8] =	vst v63  }
0x16e: {  	s9 =	sadd.s32 $0x1, s9;
	s13 =	sadd.s32 $0x6A4000, s4  }
0x16f: {  	[hbm4b:s13+s3] =	stream.linear.scatter [tilespmem:s29], [sflag:$0x2], $0x400, $0x38;
	[tilespmem:$0x171B8] =	vst v63  }
0x170: {  	p0 =	sne.s32 s9, $0x19;
	s14 =	sadd.s32 $0x708000, s4  }
0x171: {  	[hbm4b:s14+s3] =	stream.linear.scatter [tilespmem:s30], [sflag:$0x2], $0x400, $0x38;
	[tilespmem:$0x171B8] =	vst v63  }
.Ltmp2:
0x172: {  	_ = 	snop;
	(pc) =	sbr.rel @p0 .LBB2_2-.Ltmp2, $4  }
0x173: {  	s17 =	sadd.s32 $0x76C000, s4  }
0x174: {  	[hbm4b:s17+s3] =	stream.linear.scatter [tilespmem:s31], [sflag:$0x2], $0x400, $0x38;
	[tilespmem:$0x171B8] =	vst v63  }
0x175: {  	s4 =	sadd.s32 $0x7D0000, s4  }
0x176: {  	[hbm4b:s4+s3] =	stream.linear.scatter [tilespmem:s1], [sflag:$0x2], $0x400, $0x38;
	[tilespmem:$0x171B8] =	vst v63  }
0x177: {  	s9 =	simm.s32 $0x0;
	s4 =	rddreg [dreg:$0xa];
	s5 =	simm.s32 $0x3  }
0x178: {  	[tilespmem:s15], [sflag:$0x3] =	stream.linear.gather [hbm4b:s4+s9], $0x6400, $0x38;
	[tilespmem:$0x171B8] =	vst v63  }
0x179: {  	_ =	swait.ge [sflag:s5], $0x6400  }
0x17a: {  	[sflag:s5] =	ssyncset.done $0x0  }
0x17b: {  	s18 =	rddreg [dreg:$0xb];
	[sflag:s5] =	ssyncadd.s32 $0xFFFF9C00  }
0x17c: {  	[tilespmem:s16], [sflag:$0x3] =	stream.linear.gather [hbm4b:s18+s9], $0x6400, $0x38;
	[tilespmem:$0x171B8] =	vst v63  }
0x17d: {  	_ =	swait.ge [sflag:s5], $0x6400  }
0x17e: {  	[sflag:s5] =	ssyncset.done $0x0  }
0x17f: {  	s10 =	simm.s32 $0x0;
	[sflag:s5] =	ssyncadd.s32 $0xFFFF9C00  }
.LBB2_8:
0x180: {  	s4 =	sand.u32 $0x7, s9  }
0x181: {  	s11 =	sshll.u32 s10, $0x3;
	s4 =	smul.u32 $0xC80, s4  }
0x182: {  	s5 =	sadd.s32 $0x0, s11  }
0x183: {  	s4 =	sadd.s32 s4, s5  }
0x184: {  	v1 =	vadd.s32 s4, v0;
	_ =	sdelay $0x1  }
0x185: {  	_ =	swait.ge [sflag:s0], $0x5400  }
0x186: {  	[sflag:s0] =	ssyncset.done $0x0  }
0x187: {  	[sflag:s0] =	ssyncadd.s32 $0xFFFFAC00  }
0x188: {  	v1 =	vld.idx.msk [tilespmem:v1+s15+$0x0], $0xffff;
	_ =	sdelay $0x4  }
0x189: {  	v8 =	vmul.u32 $0x15, v1;
	_ =	sdelay $0x1  }
0x18a: {  	v1 =	vadd.s32 $0x1, v8  }
0x18b: {  	v3 =	vadd.s32 $0x2, v8  }
0x18c: {  	v5 =	vadd.s32 $0x3, v8  }
0x18d: {  	s13 =	simm.s32 $0x1;
	v6 =	vadd.s32 $0x11, v8  }
0x18e: {  	s4 =	sand.u32 $0x7, s13;
	v7 =	vadd.s32 $0xF, v8  }
0x18f: {  	s4 =	smul.u32 $0xC80, s4;
	v10 =	vadd.s32 $0xC, v8;
	v2 =	vld.idx.msk [tilespmem:v1+s3+$0x0], $0xffff  }
0x190: {  	s14 =	sadd.s32 $0x0, s11;
	v1 =	vadd.s32 $0xE, v8;
	v4 =	vld.idx.msk [tilespmem:v3+s3+$0x0], $0xffff  }
0x191: {  	s4 =	sadd.s32 s4, s14;
	v3 =	vadd.s32 $0xD, v8;
	v5 =	vld.idx.msk [tilespmem:v5+s3+$0x0], $0xffff  }
0x192: {  	v9 =	vadd.s32 s4, v0;
	v11 =	vld.idx.msk [tilespmem:v6+s3+$0x0], $0xffff  }
0x193: {  	v13 =	vadd.s32 $0x13, v8;
	v12 =	vld.idx.msk [tilespmem:v7+s3+$0x0], $0xffff  }
0x194: {  	v6 =	vadd.s32 $0xA, v8;
	v20 =	vld.idx.msk [tilespmem:v10+s3+$0x0], $0xffff  }
0x195: {  	v7 =	vadd.s32 $0x9, v8;
	v16 =	vld.idx.msk [tilespmem:v1+s3+$0x0], $0xffff  }
0x196: {  	v10 =	vadd.s32 $0x12, v8;
	v18 =	vld.idx.msk [tilespmem:v3+s3+$0x0], $0xffff  }
0x197: {  	v1 =	vadd.s32 $0x8, v8;
	v3 =	vld.idx.msk [tilespmem:v9+s15+$0x0], $0xffff  }
0x198: {  	v14 =	vadd.s32 $0x7, v8;
	v13 =	vld.idx.msk [tilespmem:v13+s3+$0x0], $0xffff  }
0x199: {  	v21 =	vld.idx.msk [tilespmem:v6+s3+$0x0], $0xffff;
	v6 =	vadd.s32 $0x14, v8  }
0x19a: {  	v9 =	vadd.s32 $0x10, v8;
	v25 =	vld.idx.msk [tilespmem:v7+s3+$0x0], $0xffff  }
0x19b: {  	v15 =	vld.idx.msk [tilespmem:v10+s3+$0x0], $0xffff;
	v10 =	vadd.s32 $0x5, v8  }
0x19c: {  	v26 =	vld.idx.msk [tilespmem:v1+s3+$0x0], $0xffff;
	v1 =	vadd.s32 $0xB, v8;
	v7 =	vmul.u32 $0x15, v3  }
0x19d: {  	v27 =	vld.idx.msk [tilespmem:v14+s3+$0x0], $0xffff;
	v3 =	vadd.s32 $0x6, v8  }
0x19e: {  	v22 =	vld.idx.msk [tilespmem:v6+s3+$0x0], $0xffff;
	v6 =	vadd.s32 $0x1, v7  }
0x19f: {  	v9 =	vld.idx.msk [tilespmem:v9+s3+$0x0], $0xffff;
	v17 =	vadd.s32 $0x2, v7  }
0x1a0: {  	v31 =	vld.idx.msk [tilespmem:v10+s3+$0x0], $0xffff;
	v19 =	vadd.s32 $0x3, v7  }
0x1a1: {  	v14 =	vadd.s32 $0x4, v8;
	v23 =	vld.idx.msk [tilespmem:v1+s3+$0x0], $0xffff  }
0x1a2: {  	s17 =	simm.s32 $0x2;
	v30 =	vld.idx.msk [tilespmem:v3+s3+$0x0], $0xffff  }
0x1a3: {  	s4 =	sand.u32 $0x7, s17;
	v10 =	vadd.s32 $0x11, v7;
	v3 =	vld.idx.msk [tilespmem:v6+s3+$0x0], $0xffff  }
0x1a4: {  	s4 =	smul.u32 $0xC80, s4;
	v24 =	vadd.s32 $0xF, v7;
	v1 =	vld.idx.msk [tilespmem:v17+s3+$0x0], $0xffff  }
0x1a5: {  	s18 =	sadd.s32 $0x0, s11;
	v28 =	vadd.s32 $0xE, v7;
	v6 =	vld.idx.msk [tilespmem:v19+s3+$0x0], $0xffff  }
0x1a6: {  	s4 =	sadd.s32 s4, s18;
	v29 =	vadd.s32 $0xD, v7;
	v19 =	vld.idx.msk [tilespmem:v14+s3+$0x0], $0xffff  }
0x1a7: {  	s13 =	simm.s32 $0x0;
	v32 =	vadd.s32 s4, v0;
	v17 =	vld.idx.msk [tilespmem:v8+s3+$0x0], $0xffff  }
0x1a8: {  	v33 =	vadd.s32 $0xC, v7;
	v14 =	vld.idx.msk [tilespmem:v10+s3+$0x0], $0xffff;
	[tilespmem:s13+$0x10DB8] =	vst v11  }
0x1a9: {  	v62 =	vadd.s32 $0x12, v7;
	v8 =	vld.idx.msk [tilespmem:v24+s3+$0x0], $0xffff;
	[tilespmem:s13+$0x115B8] =	vst v13  }
0x1aa: {  	v11 =	vadd.s32 $0xA, v7;
	v10 =	vld.idx.msk [tilespmem:v28+s3+$0x0], $0xffff;
	[tilespmem:s13+$0x119B8] =	vst v22  }
0x1ab: {  	v24 =	vadd.s32 $0x9, v7;
	v13 =	vld.idx.msk [tilespmem:v29+s3+$0x0], $0xffff;
	[tilespmem:s13+$0x111B8] =	vst v15  }
0x1ac: {  	v22 =	vadd.s32 $0x8, v7;
	v28 =	vld.idx.msk [tilespmem:v32+s15+$0x0], $0xffff;
	[tilespmem:s13+$0x109B8] =	vst v9  }
0x1ad: {  	v29 =	vadd.s32 $0x10, v7;
	v15 =	vld.idx.msk [tilespmem:v33+s3+$0x0], $0xffff;
	[tilespmem:s13+$0x105B8] =	vst v12  }
0x1ae: {  	v63 =	vadd.s32 $0x14, v7;
	[tilespmem:s13+$0xF5B8] =	vst v23;
	v23 =	vld.idx.msk [tilespmem:v62+s3+$0x0], $0xffff  }
0x1af: {  	[tilespmem:s13+$0x101B8] =	vst v16;
	v16 =	vadd.s32 $0x13, v7;
	v9 =	vld.idx.msk [tilespmem:v11+s3+$0x0], $0xffff  }
0x1b0: {  	[tilespmem:s13+$0xFDB8] =	vst v18;
	v18 =	vadd.s32 $0xB, v7;
	v11 =	vld.idx.msk [tilespmem:v24+s3+$0x0], $0xffff  }
0x1b1: {  	v34 =	vadd.s32 $0x7, v7;
	[tilespmem:s13+$0xF9B8] =	vst v20;
	v12 =	vld.idx.msk [tilespmem:v22+s3+$0x0], $0xffff  }
0x1b2: {  	v35 =	vadd.s32 $0x6, v7;
	[tilespmem:s13+$0xF1B8] =	vst v21;
	v22 =	vld.idx.msk [tilespmem:v29+s3+$0x0], $0xffff  }
0x1b3: {  	[tilespmem:s13+$0xEDB8] =	vst v25;
	v24 =	vld.idx.msk [tilespmem:v63+s3+$0x0], $0xffff;
	v20 =	vmul.u32 $0x15, v28  }
0x1b4: {  	[tilespmem:s13+$0xE9B8] =	vst v26;
	v25 =	vld.idx.msk [tilespmem:v16+s3+$0x0], $0xffff;
	v29 =	vadd.s32 $0x5, v7  }
0x1b5: {  	[tilespmem:s13+$0xE5B8] =	vst v27;
	v21 =	vld.idx.msk [tilespmem:v18+s3+$0x0], $0xffff;
	v28 =	vadd.s32 $0x1, v20  }
0x1b6: {  	s12 =	simm.s32 $0x80;
	[tilespmem:s13+$0xDDB8] =	vst v31;
	v16 =	vld.idx.msk [tilespmem:v34+s3+$0x0], $0xffff;
	v26 =	vadd.s32 $0x2, v20  }
0x1b7: {  	s5 =	simm.s32 $0x3;
	s14 =	simm.s32 $0x40;
	s4 =	simm.s32 $0xC0;
	[tilespmem:s13+$0xE1B8] =	vst v30;
	v30 =	vadd.s32 $0x4, v7;
	v18 =	vld.idx.msk [tilespmem:v35+s3+$0x0], $0xffff;
	v27 =	vadd.s32 $0x3, v20  }
.LBB2_9:
0x1b8: {  	s6 =	sand.u32 $0x7, s5  }
0x1b9: {  	p0 =	sne.s32 s4, $0xFC0;
	v31 =	vld.idx.msk [tilespmem:v29+s3+$0x0], $0xffff;
	[tilespmem:s13+$0xD5B8] =	vst v5;
	v5 =	vmov v6;
	s7 =	smov.u32 s4;
	s4 =	sadd.s32 $0x40, s4  }
0x1ba: {  	s17 =	sshrl.u32 s5, $0x3;
	v29 =	vadd.s32 $0x11, v20;
	s6 =	smul.u32 $0xC80, s6;
	v28 =	vld.idx.msk [tilespmem:v28+s3+$0x0], $0xffff;
	[tilespmem:s13+$0xD9B8] =	vst v19  }
0x1bb: {  	v32 =	vadd.s32 $0xF, v20;
	s17 =	sadd.s32 s11, s17;
	[tilespmem:s13+$0xD1B8] =	vst v4;
	v4 =	vmov v1;
	v1 =	vld.idx.msk [tilespmem:v26+s3+$0x0], $0xffff  }
0x1bc: {  	v26 =	vadd.s32 $0xE, v20;
	s6 =	sadd.s32 s6, s17;
	v6 =	vld.idx.msk [tilespmem:v27+s3+$0x0], $0xffff;
	[tilespmem:s13+$0xC9B8] =	vst v17  }
0x1bd: {  	v33 =	vadd.s32 $0xD, v20;
	v27 =	vadd.s32 s6, v0;
	v19 =	vld.idx.msk [tilespmem:v30+s3+$0x0], $0xffff;
	[tilespmem:s13+$0xCDB8] =	vst v2;
	v2 =	vmov v3  }
0x1be: {  	s13 =	sshra.s32 s14, $0x2;
	s14 =	smov.u32 s12;
	s12 =	smov.u32 s7;
	v17 =	vld.idx.msk [tilespmem:v7+s3+$0x0], $0xffff;
	v7 =	vmov v20  }
0x1bf: {  	v20 =	vadd.s32 $0xC, v7;
	[tilespmem:s13+$0x10DB8] =	vst v14;
	v14 =	vld.idx.msk [tilespmem:v29+s3+$0x0], $0xffff  }
0x1c0: {  	v29 =	vadd.s32 $0xA, v7;
	v3 =	vmov v28;
	v30 =	vld.idx.msk [tilespmem:v32+s3+$0x0], $0xffff;
	[tilespmem:s13+$0x115B8] =	vst v25  }
0x1c1: {  	v25 =	vadd.s32 $0x9, v7;
	v26 =	vld.idx.msk [tilespmem:v26+s3+$0x0], $0xffff;
	[tilespmem:s13+$0x119B8] =	vst v24  }
0x1c2: {  	v24 =	vadd.s32 $0x8, v7;
	v28 =	vld.idx.msk [tilespmem:v33+s3+$0x0], $0xffff;
	[tilespmem:s13+$0x111B8] =	vst v23  }
0x1c3: {  	v23 =	vld.idx.msk [tilespmem:v27+s15+$0x0], $0xffff;
	v27 =	vadd.s32 $0x10, v7;
	[tilespmem:s13+$0x109B8] =	vst v22  }
0x1c4: {  	v33 =	vadd.s32 $0x12, v7;
	v32 =	vld.idx.msk [tilespmem:v20+s3+$0x0], $0xffff;
	[tilespmem:s13+$0x105B8] =	vst v8  }
0x1c5: {  	v35 =	vadd.s32 $0x14, v7;
	v34 =	vld.idx.msk [tilespmem:v29+s3+$0x0], $0xffff;
	[tilespmem:s13+$0x101B8] =	vst v10  }
0x1c6: {  	v8 =	vmov v30;
	v36 =	vld.idx.msk [tilespmem:v25+s3+$0x0], $0xffff;
	v25 =	vadd.s32 $0x13, v7;
	[tilespmem:s13+$0xFDB8] =	vst v13  }
0x1c7: {  	v37 =	vadd.s32 $0xB, v7;
	v10 =	vmov v26;
	v30 =	vld.idx.msk [tilespmem:v24+s3+$0x0], $0xffff;
	[tilespmem:s13+$0xF9B8] =	vst v15  }
0x1c8: {  	v38 =	vadd.s32 $0x7, v7;
	v13 =	vmov v28;
	v22 =	vld.idx.msk [tilespmem:v27+s3+$0x0], $0xffff;
	[tilespmem:s13+$0xF5B8] =	vst v21  }
0x1c9: {  	v39 =	vadd.s32 $0x6, v7;
	v20 =	vmul.u32 $0x15, v23;
	v23 =	vld.idx.msk [tilespmem:v33+s3+$0x0], $0xffff;
	[tilespmem:s13+$0xF1B8] =	vst v9  }
.Ltmp3:
0x1ca: {  	v29 =	vadd.s32 $0x5, v7;
	v15 =	vmov v32;
	v24 =	vld.idx.msk [tilespmem:v35+s3+$0x0], $0xffff;
	[tilespmem:s13+$0xEDB8] =	vst v11;
	(pc) =	sbr.rel @p0 .LBB2_9-.Ltmp3, $4  }
0x1cb: {  	v28 =	vadd.s32 $0x1, v20;
	v9 =	vmov v34;
	v25 =	vld.idx.msk [tilespmem:v25+s3+$0x0], $0xffff;
	[tilespmem:s13+$0xE9B8] =	vst v12  }
0x1cc: {  	v26 =	vadd.s32 $0x2, v20;
	v11 =	vmov v36;
	v21 =	vld.idx.msk [tilespmem:v37+s3+$0x0], $0xffff;
	[tilespmem:s13+$0xE5B8] =	vst v16  }
0x1cd: {  	v27 =	vadd.s32 $0x3, v20;
	v12 =	vmov v30;
	v16 =	vld.idx.msk [tilespmem:v38+s3+$0x0], $0xffff;
	[tilespmem:s13+$0xE1B8] =	vst v18  }
0x1ce: {  	s5 =	sadd.s32 $0x1, s5;
	v30 =	vadd.s32 $0x4, v7;
	v18 =	vld.idx.msk [tilespmem:v39+s3+$0x0], $0xffff;
	[tilespmem:s13+$0xDDB8] =	vst v31  }
0x1cf: {  	_ = 	snop  }
0x1d0: {  	[tilespmem:s13+$0xD5B8] =	vst v5  }
0x1d1: {  	[tilespmem:s13+$0xD9B8] =	vst v19  }
0x1d2: {  	[tilespmem:s13+$0xD1B8] =	vst v4  }
0x1d3: {  	v5 =	vld.idx.msk [tilespmem:v29+s3+$0x0], $0xffff;
	[tilespmem:s13+$0xC9B8] =	vst v17  }
0x1d4: {  	v17 =	vld.idx.msk [tilespmem:v30+s3+$0x0], $0xffff;
	[tilespmem:s13+$0xCDB8] =	vst v2;
	s4 =	sshra.s32 s14, $0x2  }
0x1d5: {  	v2 =	vld.idx.msk [tilespmem:v7+s3+$0x0], $0xffff;
	[tilespmem:s4+$0x10DB8] =	vst v14  }
0x1d6: {  	v4 =	vadd.s32 $0x11, v20;
	[tilespmem:s4+$0x115B8] =	vst v25  }
0x1d7: {  	v19 =	vadd.s32 $0xF, v20;
	[tilespmem:s4+$0x119B8] =	vst v24  }
0x1d8: {  	v7 =	vld.idx.msk [tilespmem:v28+s3+$0x0], $0xffff;
	v28 =	vadd.s32 $0xE, v20;
	[tilespmem:s4+$0x111B8] =	vst v23  }
0x1d9: {  	v14 =	vld.idx.msk [tilespmem:v26+s3+$0x0], $0xffff;
	[tilespmem:s4+$0x109B8] =	vst v22  }
0x1da: {  	v26 =	vadd.s32 $0xD, v20;
	v25 =	vld.idx.msk [tilespmem:v27+s3+$0x0], $0xffff;
	[tilespmem:s4+$0x105B8] =	vst v8  }
0x1db: {  	v27 =	vadd.s32 $0xC, v20;
	[tilespmem:s4+$0x101B8] =	vst v10;
	v4 =	vld.idx.msk [tilespmem:v4+s3+$0x0], $0xffff  }
0x1dc: {  	v24 =	vadd.s32 $0xA, v20;
	[tilespmem:s4+$0xFDB8] =	vst v13;
	v19 =	vld.idx.msk [tilespmem:v19+s3+$0x0], $0xffff  }
0x1dd: {  	v23 =	vadd.s32 $0x9, v20;
	[tilespmem:s4+$0xF1B8] =	vst v9;
	v22 =	vld.idx.msk [tilespmem:v28+s3+$0x0], $0xffff  }
0x1de: {  	v9 =	vadd.s32 $0x7, v20;
	[tilespmem:s4+$0xC9B8] =	vst v2;
	v2 =	vld.idx.msk [tilespmem:v20+s3+$0x0], $0xffff  }
0x1df: {  	[tilespmem:s4+$0xEDB8] =	vst v11;
	v11 =	vadd.s32 $0x6, v20;
	v8 =	vld.idx.msk [tilespmem:v26+s3+$0x0], $0xffff  }
0x1e0: {  	[tilespmem:s4+$0xE9B8] =	vst v12;
	v12 =	vadd.s32 $0x5, v20;
	v10 =	vld.idx.msk [tilespmem:v27+s3+$0x0], $0xffff  }
0x1e1: {  	[tilespmem:s4+$0xE1B8] =	vst v18;
	v18 =	vadd.s32 $0x4, v20;
	v13 =	vld.idx.msk [tilespmem:v24+s3+$0x0], $0xffff  }
0x1e2: {  	[tilespmem:s4+$0xF9B8] =	vst v15;
	v28 =	vadd.s32 $0x8, v20;
	v15 =	vld.idx.msk [tilespmem:v23+s3+$0x0], $0xffff  }
0x1e3: {  	[tilespmem:s4+$0xDDB8] =	vst v5;
	v26 =	vadd.s32 $0x10, v20;
	v5 =	vld.idx.msk [tilespmem:v9+s3+$0x0], $0xffff  }
0x1e4: {  	[tilespmem:s4+$0xD5B8] =	vst v6;
	v27 =	vadd.s32 $0x12, v20;
	v6 =	vld.idx.msk [tilespmem:v11+s3+$0x0], $0xffff  }
0x1e5: {  	v24 =	vadd.s32 $0x14, v20;
	v9 =	vld.idx.msk [tilespmem:v12+s3+$0x0], $0xffff  }
0x1e6: {  	[tilespmem:s4+$0xD1B8] =	vst v1;
	v23 =	vadd.s32 $0x13, v20;
	v1 =	vld.idx.msk [tilespmem:v18+s3+$0x0], $0xffff  }
0x1e7: {  	[tilespmem:s4+$0xF5B8] =	vst v21;
	v21 =	vld.idx.msk [tilespmem:v28+s3+$0x0], $0xffff;
	v28 =	vadd.s32 $0xB, v20  }
0x1e8: {  	v26 =	vld.idx.msk [tilespmem:v26+s3+$0x0], $0xffff  }
0x1e9: {  	[tilespmem:s4+$0xCDB8] =	vst v3;
	v27 =	vld.idx.msk [tilespmem:v27+s3+$0x0], $0xffff  }
0x1ea: {  	[tilespmem:s4+$0xE5B8] =	vst v16;
	v24 =	vld.idx.msk [tilespmem:v24+s3+$0x0], $0xffff  }
0x1eb: {  	s17 =	sshra.s32 s12, $0x2;
	[tilespmem:s4+$0xD9B8] =	vst v17;
	v16 =	vld.idx.msk [tilespmem:v23+s3+$0x0], $0xffff  }
0x1ec: {  	v23 =	vld.idx.msk [tilespmem:v28+s3+$0x0], $0xffff;
	[tilespmem:s17+$0x10DB8] =	vst v4  }
0x1ed: {  	[tilespmem:s17+$0x105B8] =	vst v19  }
0x1ee: {  	[tilespmem:s17+$0x101B8] =	vst v22  }
0x1ef: {  	[tilespmem:s17+$0xFDB8] =	vst v8  }
0x1f0: {  	[tilespmem:s17+$0xF9B8] =	vst v10  }
0x1f1: {  	[tilespmem:s17+$0xF1B8] =	vst v13  }
0x1f2: {  	[tilespmem:s17+$0xEDB8] =	vst v15  }
0x1f3: {  	[tilespmem:s17+$0xE9B8] =	vst v21  }
0x1f4: {  	[tilespmem:s17+$0xE5B8] =	vst v5  }
0x1f5: {  	[tilespmem:s17+$0xE1B8] =	vst v6  }
0x1f6: {  	[tilespmem:s17+$0xDDB8] =	vst v9  }
0x1f7: {  	[tilespmem:s17+$0xD5B8] =	vst v25  }
0x1f8: {  	[tilespmem:s17+$0xD9B8] =	vst v1  }
0x1f9: {  	[tilespmem:s17+$0xD1B8] =	vst v14  }
0x1fa: {  	[tilespmem:s17+$0x115B8] =	vst v16  }
0x1fb: {  	[tilespmem:s17+$0x119B8] =	vst v24  }
0x1fc: {  	[tilespmem:s17+$0x111B8] =	vst v27  }
0x1fd: {  	[tilespmem:s17+$0x109B8] =	vst v26  }
0x1fe: {  	[tilespmem:s17+$0xF5B8] =	vst v23  }
0x1ff: {  	s12 =	sshll.u32 s10, $0x7;
	s5 =	rddreg [dreg:$0x5]  }
0x200: {  	s5 =	sor.u32 s5, s12  }
0x201: {  	[tilespmem:s17+$0xC9B8] =	vst v2;
	s5 =	sshll.u32 s5, $0x7  }
0x202: {  	s6 =	simm.s32 $0x0;
	s7 =	simm.s32 $0xC9B8;
	[tilespmem:s17+$0xCDB8] =	vst v7;
	s18 =	sadd.s32 s2, s5  }
0x203: {  	[hbm4b:s18+s6] =	stream.linear.scatter [tilespmem:s7], [sflag:$0x1], $0x400, $0x38;
	[tilespmem:$0x171B8] =	vst v63  }
0x204: {  	s7 =	sand.u32 $0x1FFFFF80, s5  }
0x205: {  	s4 =	sadd.s32 s2, s7  }
0x206: {  	s14 =	simm.s32 $0xCDB8;
	s13 =	sadd.s32 $0x64000, s4  }
0x207: {  	[hbm4b:s13+s6] =	stream.linear.scatter [tilespmem:s14], [sflag:$0x1], $0x400, $0x38;
	[tilespmem:$0x171B8] =	vst v63  }
0x208: {  	s18 =	simm.s32 $0xD1B8;
	s17 =	sadd.s32 $0xC8000, s4  }
0x209: {  	[hbm4b:s17+s6] =	stream.linear.scatter [tilespmem:s18], [sflag:$0x1], $0x400, $0x38;
	[tilespmem:$0x171B8] =	vst v63  }
0x20a: {  	s13 =	sadd.s32 $0x12C000, s4;
	s14 =	simm.s32 $0xD5B8  }
0x20b: {  	[hbm4b:s13+s6] =	stream.linear.scatter [tilespmem:s14], [sflag:$0x1], $0x400, $0x38;
	[tilespmem:$0x171B8] =	vst v63  }
0x20c: {  	s17 =	sadd.s32 $0x190000, s4;
	s18 =	simm.s32 $0xD9B8  }
0x20d: {  	[hbm4b:s17+s6] =	stream.linear.scatter [tilespmem:s18], [sflag:$0x1], $0x400, $0x38;
	[tilespmem:$0x171B8] =	vst v63  }
0x20e: {  	s13 =	sadd.s32 $0x1F4000, s4;
	s14 =	simm.s32 $0xDDB8  }
0x20f: {  	[hbm4b:s13+s6] =	stream.linear.scatter [tilespmem:s14], [sflag:$0x1], $0x400, $0x38;
	[tilespmem:$0x171B8] =	vst v63  }
0x210: {  	s17 =	sadd.s32 $0x258000, s4;
	s18 =	simm.s32 $0xE1B8  }
0x211: {  	[hbm4b:s17+s6] =	stream.linear.scatter [tilespmem:s18], [sflag:$0x1], $0x400, $0x38;
	[tilespmem:$0x171B8] =	vst v63  }
0x212: {  	s13 =	sadd.s32 $0x2BC000, s4;
	s14 =	simm.s32 $0xE5B8  }
0x213: {  	[hbm4b:s13+s6] =	stream.linear.scatter [tilespmem:s14], [sflag:$0x1], $0x400, $0x38;
	[tilespmem:$0x171B8] =	vst v63  }
0x214: {  	s17 =	sadd.s32 $0x320000, s4;
	s18 =	simm.s32 $0xE9B8  }
0x215: {  	[hbm4b:s17+s6] =	stream.linear.scatter [tilespmem:s18], [sflag:$0x1], $0x400, $0x38;
	[tilespmem:$0x171B8] =	vst v63  }
0x216: {  	s13 =	sadd.s32 $0x384000, s4;
	s14 =	simm.s32 $0xEDB8  }
0x217: {  	[hbm4b:s13+s6] =	stream.linear.scatter [tilespmem:s14], [sflag:$0x1], $0x400, $0x38;
	[tilespmem:$0x171B8] =	vst v63  }
0x218: {  	s17 =	sadd.s32 $0x3E8000, s4;
	s18 =	simm.s32 $0xF1B8  }
0x219: {  	[hbm4b:s17+s6] =	stream.linear.scatter [tilespmem:s18], [sflag:$0x1], $0x400, $0x38;
	[tilespmem:$0x171B8] =	vst v63  }
0x21a: {  	s13 =	sadd.s32 $0x44C000, s4;
	s14 =	simm.s32 $0xF5B8  }
0x21b: {  	[hbm4b:s13+s6] =	stream.linear.scatter [tilespmem:s14], [sflag:$0x1], $0x400, $0x38;
	[tilespmem:$0x171B8] =	vst v63  }
0x21c: {  	s17 =	sadd.s32 $0x4B0000, s4;
	s18 =	simm.s32 $0xF9B8  }
0x21d: {  	[hbm4b:s17+s6] =	stream.linear.scatter [tilespmem:s18], [sflag:$0x1], $0x400, $0x38;
	[tilespmem:$0x171B8] =	vst v63  }
0x21e: {  	s13 =	sadd.s32 $0x514000, s4;
	s14 =	simm.s32 $0xFDB8  }
0x21f: {  	[hbm4b:s13+s6] =	stream.linear.scatter [tilespmem:s14], [sflag:$0x1], $0x400, $0x38;
	[tilespmem:$0x171B8] =	vst v63  }
0x220: {  	s17 =	sadd.s32 $0x578000, s4;
	s18 =	simm.s32 $0x101B8  }
0x221: {  	[hbm4b:s17+s6] =	stream.linear.scatter [tilespmem:s18], [sflag:$0x1], $0x400, $0x38;
	[tilespmem:$0x171B8] =	vst v63  }
0x222: {  	s13 =	sadd.s32 $0x5DC000, s4;
	s14 =	simm.s32 $0x105B8  }
0x223: {  	[hbm4b:s13+s6] =	stream.linear.scatter [tilespmem:s14], [sflag:$0x1], $0x400, $0x38;
	[tilespmem:$0x171B8] =	vst v63  }
0x224: {  	s17 =	sadd.s32 $0x640000, s4;
	s18 =	simm.s32 $0x109B8  }
0x225: {  	[hbm4b:s17+s6] =	stream.linear.scatter [tilespmem:s18], [sflag:$0x1], $0x400, $0x38;
	[tilespmem:$0x171B8] =	vst v63  }
0x226: {  	s13 =	sadd.s32 $0x6A4000, s4;
	s14 =	simm.s32 $0x10DB8  }
0x227: {  	[hbm4b:s13+s6] =	stream.linear.scatter [tilespmem:s14], [sflag:$0x1], $0x400, $0x38;
	[tilespmem:$0x171B8] =	vst v63  }
0x228: {  	s17 =	sadd.s32 $0x708000, s4;
	s18 =	simm.s32 $0x111B8  }
0x229: {  	[hbm4b:s17+s6] =	stream.linear.scatter [tilespmem:s18], [sflag:$0x1], $0x400, $0x38;
	[tilespmem:$0x171B8] =	vst v63  }
0x22a: {  	s13 =	sadd.s32 $0x76C000, s4;
	s17 =	sand.u32 $0x7, s6  }
0x22b: {  	s14 =	simm.s32 $0x115B8;
	s18 =	sadd.s32 $0x0, s11;
	s5 =	smul.u32 $0xC80, s17  }
0x22c: {  	[hbm4b:s13+s6] =	stream.linear.scatter [tilespmem:s14], [sflag:$0x1], $0x400, $0x38;
	[tilespmem:$0x171B8] =	vst v63  }
0x22d: {  	s5 =	sadd.s32 s5, s18  }
0x22e: {  	s7 =	simm.s32 $0x119B8;
	s4 =	sadd.s32 $0x7D0000, s4;
	v1 =	vadd.s32 s5, v0  }
0x22f: {  	[hbm4b:s4+s6] =	stream.linear.scatter [tilespmem:s7], [sflag:$0x1], $0x400, $0x38;
	[tilespmem:$0x171B8] =	vst v63  }
0x230: {  	_ =	swait.ge [sflag:s8], $0x5400  }
0x231: {  	[sflag:s8] =	ssyncset.done $0x0  }
0x232: {  	[sflag:s8] =	ssyncadd.s32 $0xFFFFAC00  }
0x233: {  	v1 =	vld.idx.msk [tilespmem:v1+s16+$0x0], $0xffff;
	_ =	sdelay $0x4  }
0x234: {  	v8 =	vmul.u32 $0x15, v1;
	_ =	sdelay $0x1  }
0x235: {  	v1 =	vadd.s32 $0x1, v8  }
0x236: {  	v2 =	vadd.s32 $0x2, v8  }
0x237: {  	v5 =	vadd.s32 $0x3, v8  }
0x238: {  	s13 =	simm.s32 $0x1;
	v6 =	vadd.s32 $0x11, v8  }
0x239: {  	s4 =	sand.u32 $0x7, s13;
	v7 =	vadd.s32 $0xF, v8  }
0x23a: {  	s4 =	smul.u32 $0xC80, s4;
	v10 =	vadd.s32 $0xC, v8;
	v3 =	vld.idx.msk [tilespmem:v1+s3+$0x0], $0xffff  }
0x23b: {  	s14 =	sadd.s32 $0x0, s11;
	v1 =	vadd.s32 $0xE, v8;
	v4 =	vld.idx.msk [tilespmem:v2+s3+$0x0], $0xffff  }
0x23c: {  	s4 =	sadd.s32 s4, s14;
	v2 =	vadd.s32 $0xD, v8;
	v5 =	vld.idx.msk [tilespmem:v5+s3+$0x0], $0xffff  }
0x23d: {  	v9 =	vadd.s32 s4, v0;
	v11 =	vld.idx.msk [tilespmem:v6+s3+$0x0], $0xffff  }
0x23e: {  	v13 =	vadd.s32 $0x13, v8;
	v12 =	vld.idx.msk [tilespmem:v7+s3+$0x0], $0xffff  }
0x23f: {  	v6 =	vadd.s32 $0xA, v8;
	v20 =	vld.idx.msk [tilespmem:v10+s3+$0x0], $0xffff  }
0x240: {  	v7 =	vadd.s32 $0x9, v8;
	v16 =	vld.idx.msk [tilespmem:v1+s3+$0x0], $0xffff  }
0x241: {  	v10 =	vadd.s32 $0x12, v8;
	v18 =	vld.idx.msk [tilespmem:v2+s3+$0x0], $0xffff  }
0x242: {  	v1 =	vadd.s32 $0x8, v8;
	v2 =	vld.idx.msk [tilespmem:v9+s16+$0x0], $0xffff  }
0x243: {  	v14 =	vadd.s32 $0x7, v8;
	v13 =	vld.idx.msk [tilespmem:v13+s3+$0x0], $0xffff  }
0x244: {  	v21 =	vld.idx.msk [tilespmem:v6+s3+$0x0], $0xffff;
	v6 =	vadd.s32 $0x14, v8  }
0x245: {  	v9 =	vadd.s32 $0x10, v8;
	v25 =	vld.idx.msk [tilespmem:v7+s3+$0x0], $0xffff  }
0x246: {  	v15 =	vld.idx.msk [tilespmem:v10+s3+$0x0], $0xffff;
	v10 =	vadd.s32 $0x5, v8  }
0x247: {  	v26 =	vld.idx.msk [tilespmem:v1+s3+$0x0], $0xffff;
	v1 =	vadd.s32 $0xB, v8;
	v7 =	vmul.u32 $0x15, v2  }
0x248: {  	v27 =	vld.idx.msk [tilespmem:v14+s3+$0x0], $0xffff;
	v2 =	vadd.s32 $0x6, v8  }
0x249: {  	v22 =	vld.idx.msk [tilespmem:v6+s3+$0x0], $0xffff;
	v6 =	vadd.s32 $0x1, v7  }
0x24a: {  	v9 =	vld.idx.msk [tilespmem:v9+s3+$0x0], $0xffff;
	v17 =	vadd.s32 $0x2, v7  }
0x24b: {  	v31 =	vld.idx.msk [tilespmem:v10+s3+$0x0], $0xffff;
	v19 =	vadd.s32 $0x3, v7  }
0x24c: {  	v14 =	vadd.s32 $0x4, v8;
	v23 =	vld.idx.msk [tilespmem:v1+s3+$0x0], $0xffff  }
0x24d: {  	s17 =	simm.s32 $0x2;
	v30 =	vld.idx.msk [tilespmem:v2+s3+$0x0], $0xffff  }
0x24e: {  	s4 =	sand.u32 $0x7, s17;
	v10 =	vadd.s32 $0x11, v7;
	v2 =	vld.idx.msk [tilespmem:v6+s3+$0x0], $0xffff  }
0x24f: {  	s4 =	smul.u32 $0xC80, s4;
	v24 =	vadd.s32 $0xF, v7;
	v1 =	vld.idx.msk [tilespmem:v17+s3+$0x0], $0xffff  }
0x250: {  	s18 =	sadd.s32 $0x0, s11;
	v28 =	vadd.s32 $0xE, v7;
	v6 =	vld.idx.msk [tilespmem:v19+s3+$0x0], $0xffff  }
0x251: {  	s4 =	sadd.s32 s4, s18;
	v29 =	vadd.s32 $0xD, v7;
	v19 =	vld.idx.msk [tilespmem:v14+s3+$0x0], $0xffff  }
0x252: {  	s14 =	simm.s32 $0x0;
	v32 =	vadd.s32 s4, v0;
	v17 =	vld.idx.msk [tilespmem:v8+s3+$0x0], $0xffff  }
0x253: {  	v33 =	vadd.s32 $0xC, v7;
	v14 =	vld.idx.msk [tilespmem:v10+s3+$0x0], $0xffff;
	[tilespmem:s14+$0x161B8] =	vst v11  }
0x254: {  	v62 =	vadd.s32 $0x12, v7;
	v8 =	vld.idx.msk [tilespmem:v24+s3+$0x0], $0xffff;
	[tilespmem:s14+$0x169B8] =	vst v13  }
0x255: {  	v11 =	vadd.s32 $0xA, v7;
	v10 =	vld.idx.msk [tilespmem:v28+s3+$0x0], $0xffff;
	[tilespmem:s14+$0x16DB8] =	vst v22  }
0x256: {  	v24 =	vadd.s32 $0x9, v7;
	v13 =	vld.idx.msk [tilespmem:v29+s3+$0x0], $0xffff;
	[tilespmem:s14+$0x165B8] =	vst v15  }
0x257: {  	v22 =	vadd.s32 $0x8, v7;
	v28 =	vld.idx.msk [tilespmem:v32+s16+$0x0], $0xffff;
	[tilespmem:s14+$0x15DB8] =	vst v9  }
0x258: {  	v29 =	vadd.s32 $0x10, v7;
	v15 =	vld.idx.msk [tilespmem:v33+s3+$0x0], $0xffff;
	[tilespmem:s14+$0x159B8] =	vst v12  }
0x259: {  	v63 =	vadd.s32 $0x14, v7;
	[tilespmem:s14+$0x149B8] =	vst v23;
	v23 =	vld.idx.msk [tilespmem:v62+s3+$0x0], $0xffff  }
0x25a: {  	[tilespmem:s14+$0x155B8] =	vst v16;
	v16 =	vadd.s32 $0x13, v7;
	v9 =	vld.idx.msk [tilespmem:v11+s3+$0x0], $0xffff  }
0x25b: {  	[tilespmem:s14+$0x151B8] =	vst v18;
	v18 =	vadd.s32 $0xB, v7;
	v11 =	vld.idx.msk [tilespmem:v24+s3+$0x0], $0xffff  }
0x25c: {  	v34 =	vadd.s32 $0x7, v7;
	[tilespmem:s14+$0x14DB8] =	vst v20;
	v12 =	vld.idx.msk [tilespmem:v22+s3+$0x0], $0xffff  }
0x25d: {  	v35 =	vadd.s32 $0x6, v7;
	[tilespmem:s14+$0x145B8] =	vst v21;
	v22 =	vld.idx.msk [tilespmem:v29+s3+$0x0], $0xffff  }
0x25e: {  	[tilespmem:s14+$0x141B8] =	vst v25;
	v24 =	vld.idx.msk [tilespmem:v63+s3+$0x0], $0xffff;
	v20 =	vmul.u32 $0x15, v28  }
0x25f: {  	[tilespmem:s14+$0x13DB8] =	vst v26;
	v25 =	vld.idx.msk [tilespmem:v16+s3+$0x0], $0xffff;
	v29 =	vadd.s32 $0x5, v7  }
0x260: {  	[tilespmem:s14+$0x139B8] =	vst v27;
	v21 =	vld.idx.msk [tilespmem:v18+s3+$0x0], $0xffff;
	v28 =	vadd.s32 $0x1, v20  }
0x261: {  	s13 =	simm.s32 $0x80;
	[tilespmem:s14+$0x131B8] =	vst v31;
	v16 =	vld.idx.msk [tilespmem:v34+s3+$0x0], $0xffff;
	v26 =	vadd.s32 $0x2, v20  }
0x262: {  	s5 =	simm.s32 $0xC0;
	s6 =	simm.s32 $0x3;
	s4 =	simm.s32 $0x40;
	[tilespmem:s14+$0x135B8] =	vst v30;
	v30 =	vadd.s32 $0x4, v7;
	v18 =	vld.idx.msk [tilespmem:v35+s3+$0x0], $0xffff;
	v27 =	vadd.s32 $0x3, v20  }
.LBB2_11:
0x263: {  	s7 =	sand.u32 $0x7, s6  }
0x264: {  	p0 =	sne.s32 s5, $0xFC0;
	v31 =	vld.idx.msk [tilespmem:v29+s3+$0x0], $0xffff;
	[tilespmem:s14+$0x129B8] =	vst v5;
	v5 =	vmov v6;
	s17 =	smov.u32 s5;
	s5 =	sadd.s32 $0x40, s5  }
0x265: {  	s18 =	sshrl.u32 s6, $0x3;
	v29 =	vadd.s32 $0x11, v20;
	s7 =	smul.u32 $0xC80, s7;
	v28 =	vld.idx.msk [tilespmem:v28+s3+$0x0], $0xffff;
	[tilespmem:s14+$0x12DB8] =	vst v19  }
0x266: {  	v32 =	vadd.s32 $0xF, v20;
	s18 =	sadd.s32 s11, s18;
	[tilespmem:s14+$0x125B8] =	vst v4;
	v4 =	vmov v1;
	v1 =	vld.idx.msk [tilespmem:v26+s3+$0x0], $0xffff  }
0x267: {  	v26 =	vadd.s32 $0xE, v20;
	s7 =	sadd.s32 s7, s18;
	v6 =	vld.idx.msk [tilespmem:v27+s3+$0x0], $0xffff;
	[tilespmem:s14+$0x11DB8] =	vst v17  }
0x268: {  	v33 =	vadd.s32 $0xD, v20;
	v27 =	vadd.s32 s7, v0;
	v19 =	vld.idx.msk [tilespmem:v30+s3+$0x0], $0xffff;
	[tilespmem:s14+$0x121B8] =	vst v3;
	v3 =	vmov v2  }
0x269: {  	s14 =	sshra.s32 s4, $0x2;
	s4 =	smov.u32 s13;
	s13 =	smov.u32 s17;
	v17 =	vld.idx.msk [tilespmem:v7+s3+$0x0], $0xffff;
	v7 =	vmov v20  }
0x26a: {  	v20 =	vadd.s32 $0xC, v7;
	[tilespmem:s14+$0x161B8] =	vst v14;
	v14 =	vld.idx.msk [tilespmem:v29+s3+$0x0], $0xffff  }
0x26b: {  	v29 =	vadd.s32 $0xA, v7;
	v2 =	vmov v28;
	v30 =	vld.idx.msk [tilespmem:v32+s3+$0x0], $0xffff;
	[tilespmem:s14+$0x169B8] =	vst v25  }
0x26c: {  	v25 =	vadd.s32 $0x9, v7;
	v26 =	vld.idx.msk [tilespmem:v26+s3+$0x0], $0xffff;
	[tilespmem:s14+$0x16DB8] =	vst v24  }
0x26d: {  	v24 =	vadd.s32 $0x8, v7;
	v28 =	vld.idx.msk [tilespmem:v33+s3+$0x0], $0xffff;
	[tilespmem:s14+$0x165B8] =	vst v23  }
0x26e: {  	v23 =	vld.idx.msk [tilespmem:v27+s16+$0x0], $0xffff;
	v27 =	vadd.s32 $0x10, v7;
	[tilespmem:s14+$0x15DB8] =	vst v22  }
0x26f: {  	v33 =	vadd.s32 $0x12, v7;
	v32 =	vld.idx.msk [tilespmem:v20+s3+$0x0], $0xffff;
	[tilespmem:s14+$0x159B8] =	vst v8  }
0x270: {  	v35 =	vadd.s32 $0x14, v7;
	v34 =	vld.idx.msk [tilespmem:v29+s3+$0x0], $0xffff;
	[tilespmem:s14+$0x155B8] =	vst v10  }
0x271: {  	v8 =	vmov v30;
	v36 =	vld.idx.msk [tilespmem:v25+s3+$0x0], $0xffff;
	v25 =	vadd.s32 $0x13, v7;
	[tilespmem:s14+$0x151B8] =	vst v13  }
0x272: {  	v37 =	vadd.s32 $0xB, v7;
	v10 =	vmov v26;
	v30 =	vld.idx.msk [tilespmem:v24+s3+$0x0], $0xffff;
	[tilespmem:s14+$0x14DB8] =	vst v15  }
0x273: {  	v38 =	vadd.s32 $0x7, v7;
	v13 =	vmov v28;
	v22 =	vld.idx.msk [tilespmem:v27+s3+$0x0], $0xffff;
	[tilespmem:s14+$0x149B8] =	vst v21  }
0x274: {  	v39 =	vadd.s32 $0x6, v7;
	v20 =	vmul.u32 $0x15, v23;
	v23 =	vld.idx.msk [tilespmem:v33+s3+$0x0], $0xffff;
	[tilespmem:s14+$0x145B8] =	vst v9  }
.Ltmp4:
0x275: {  	v29 =	vadd.s32 $0x5, v7;
	v15 =	vmov v32;
	v24 =	vld.idx.msk [tilespmem:v35+s3+$0x0], $0xffff;
	[tilespmem:s14+$0x141B8] =	vst v11;
	(pc) =	sbr.rel @p0 .LBB2_11-.Ltmp4, $4  }
0x276: {  	v28 =	vadd.s32 $0x1, v20;
	v9 =	vmov v34;
	v25 =	vld.idx.msk [tilespmem:v25+s3+$0x0], $0xffff;
	[tilespmem:s14+$0x13DB8] =	vst v12  }
0x277: {  	v26 =	vadd.s32 $0x2, v20;
	v11 =	vmov v36;
	v21 =	vld.idx.msk [tilespmem:v37+s3+$0x0], $0xffff;
	[tilespmem:s14+$0x139B8] =	vst v16  }
0x278: {  	v27 =	vadd.s32 $0x3, v20;
	v12 =	vmov v30;
	v16 =	vld.idx.msk [tilespmem:v38+s3+$0x0], $0xffff;
	[tilespmem:s14+$0x135B8] =	vst v18  }
0x279: {  	s6 =	sadd.s32 $0x1, s6;
	v30 =	vadd.s32 $0x4, v7;
	v18 =	vld.idx.msk [tilespmem:v39+s3+$0x0], $0xffff;
	[tilespmem:s14+$0x131B8] =	vst v31  }
0x27a: {  	_ = 	snop  }
0x27b: {  	[tilespmem:s14+$0x129B8] =	vst v5  }
0x27c: {  	[tilespmem:s14+$0x12DB8] =	vst v19  }
0x27d: {  	[tilespmem:s14+$0x125B8] =	vst v4  }
0x27e: {  	v32 =	vld.idx.msk [tilespmem:v29+s3+$0x0], $0xffff;
	[tilespmem:s14+$0x11DB8] =	vst v17  }
0x27f: {  	v34 =	vld.idx.msk [tilespmem:v30+s3+$0x0], $0xffff;
	[tilespmem:s14+$0x121B8] =	vst v3;
	s4 =	sshra.s32 s4, $0x2  }
0x280: {  	v33 =	vadd.s32 $0x11, v20;
	v7 =	vld.idx.msk [tilespmem:v7+s3+$0x0], $0xffff;
	[tilespmem:s4+$0x161B8] =	vst v14  }
0x281: {  	v3 =	vadd.s32 $0xF, v20;
	v35 =	vld.idx.msk [tilespmem:v28+s3+$0x0], $0xffff;
	[tilespmem:s4+$0x169B8] =	vst v25  }
0x282: {  	v36 =	vadd.s32 $0xE, v20;
	v37 =	vld.idx.msk [tilespmem:v26+s3+$0x0], $0xffff;
	[tilespmem:s4+$0x16DB8] =	vst v24  }
0x283: {  	v38 =	vadd.s32 $0xD, v20;
	v39 =	vld.idx.msk [tilespmem:v27+s3+$0x0], $0xffff;
	[tilespmem:s4+$0x165B8] =	vst v23  }
0x284: {  	v40 =	vadd.s32 $0xC, v20;
	[tilespmem:s4+$0x121B8] =	vst v2;
	v2 =	vld.idx.msk [tilespmem:v20+s3+$0x0], $0xffff  }
0x285: {  	v41 =	vadd.s32 $0xA, v20;
	[tilespmem:s4+$0x15DB8] =	vst v22;
	v4 =	vld.idx.msk [tilespmem:v33+s3+$0x0], $0xffff  }
0x286: {  	v42 =	vadd.s32 $0x9, v20;
	[tilespmem:s4+$0x159B8] =	vst v8;
	v3 =	vld.idx.msk [tilespmem:v3+s3+$0x0], $0xffff  }
0x287: {  	v44 =	vadd.s32 $0x8, v20;
	[tilespmem:s4+$0x155B8] =	vst v10;
	v43 =	vld.idx.msk [tilespmem:v36+s3+$0x0], $0xffff  }
0x288: {  	v46 =	vadd.s32 $0x10, v20;
	[tilespmem:s4+$0x151B8] =	vst v13;
	v45 =	vld.idx.msk [tilespmem:v38+s3+$0x0], $0xffff  }
0x289: {  	v48 =	vadd.s32 $0x12, v20;
	[tilespmem:s4+$0x14DB8] =	vst v15;
	v47 =	vld.idx.msk [tilespmem:v40+s3+$0x0], $0xffff  }
0x28a: {  	v50 =	vadd.s32 $0x14, v20;
	[tilespmem:s4+$0x145B8] =	vst v9;
	v49 =	vld.idx.msk [tilespmem:v41+s3+$0x0], $0xffff  }
0x28b: {  	v52 =	vadd.s32 $0x13, v20;
	[tilespmem:s4+$0x141B8] =	vst v11;
	v51 =	vld.idx.msk [tilespmem:v42+s3+$0x0], $0xffff  }
0x28c: {  	v54 =	vadd.s32 $0xB, v20;
	[tilespmem:s4+$0x13DB8] =	vst v12;
	v53 =	vld.idx.msk [tilespmem:v44+s3+$0x0], $0xffff  }
0x28d: {  	v55 =	vadd.s32 $0x7, v20;
	[tilespmem:s4+$0x129B8] =	vst v6;
	v26 =	vld.idx.msk [tilespmem:v46+s3+$0x0], $0xffff  }
0x28e: {  	v56 =	vadd.s32 $0x6, v20;
	[tilespmem:s4+$0x125B8] =	vst v1;
	v27 =	vld.idx.msk [tilespmem:v48+s3+$0x0], $0xffff  }
0x28f: {  	v57 =	vadd.s32 $0x5, v20;
	[tilespmem:s4+$0x149B8] =	vst v21;
	v24 =	vld.idx.msk [tilespmem:v50+s3+$0x0], $0xffff  }
0x290: {  	v59 =	vadd.s32 $0x4, v20;
	[tilespmem:s4+$0x139B8] =	vst v16;
	v58 =	vld.idx.msk [tilespmem:v52+s3+$0x0], $0xffff  }
0x291: {  	[tilespmem:s4+$0x135B8] =	vst v18;
	v60 =	vld.idx.msk [tilespmem:v54+s3+$0x0], $0xffff  }
0x292: {  	[tilespmem:s4+$0x131B8] =	vst v32;
	v61 =	vld.idx.msk [tilespmem:v55+s3+$0x0], $0xffff  }
0x293: {  	v62 =	vld.idx.msk [tilespmem:v56+s3+$0x0], $0xffff;
	[tilespmem:s4+$0x12DB8] =	vst v34  }
0x294: {  	s11 =	sshra.s32 s13, $0x2;
	v63 =	vld.idx.msk [tilespmem:v57+s3+$0x0], $0xffff;
	[tilespmem:s4+$0x11DB8] =	vst v7  }
0x295: {  	v1 =	vld.idx.msk [tilespmem:v59+s3+$0x0], $0xffff;
	[tilespmem:s11+$0x129B8] =	vst v39  }
0x296: {  	[tilespmem:s11+$0x125B8] =	vst v37  }
0x297: {  	[tilespmem:s11+$0x161B8] =	vst v4  }
0x298: {  	[tilespmem:s11+$0x169B8] =	vst v58  }
0x299: {  	[tilespmem:s11+$0x16DB8] =	vst v24  }
0x29a: {  	[tilespmem:s11+$0x165B8] =	vst v27  }
0x29b: {  	[tilespmem:s11+$0x15DB8] =	vst v26  }
0x29c: {  	[tilespmem:s11+$0x159B8] =	vst v3  }
0x29d: {  	[tilespmem:s11+$0x155B8] =	vst v43  }
0x29e: {  	[tilespmem:s11+$0x151B8] =	vst v45  }
0x29f: {  	[tilespmem:s11+$0x14DB8] =	vst v47  }
0x2a0: {  	[tilespmem:s11+$0x149B8] =	vst v60  }
0x2a1: {  	[tilespmem:s11+$0x145B8] =	vst v49  }
0x2a2: {  	[tilespmem:s11+$0x141B8] =	vst v51  }
0x2a3: {  	[tilespmem:s11+$0x13DB8] =	vst v53  }
0x2a4: {  	[tilespmem:s11+$0x139B8] =	vst v61  }
0x2a5: {  	[tilespmem:s11+$0x135B8] =	vst v62  }
0x2a6: {  	[tilespmem:s11+$0x131B8] =	vst v63  }
0x2a7: {  	[tilespmem:s11+$0x12DB8] =	vst v1  }
0x2a8: {  	s5 =	rddreg [dreg:$0x6]  }
0x2a9: {  	s5 =	sor.u32 s5, s12  }
0x2aa: {  	[tilespmem:s11+$0x11DB8] =	vst v2;
	s5 =	sshll.u32 s5, $0x7  }
0x2ab: {  	s6 =	simm.s32 $0x11DB8;
	[tilespmem:s11+$0x121B8] =	vst v35;
	s13 =	sadd.s32 s2, s5;
	s14 =	sand.u32 $0x1FFFFF80, s5  }
0x2ac: {  	[hbm4b:s13+s3] =	stream.linear.scatter [tilespmem:s6], [sflag:$0x2], $0x400, $0x38;
	[tilespmem:$0x171B8] =	vst v63  }
0x2ad: {  	s4 =	sadd.s32 s2, s14  }
0x2ae: {  	s18 =	simm.s32 $0x121B8;
	s17 =	sadd.s32 $0x64000, s4  }
0x2af: {  	[hbm4b:s17+s3] =	stream.linear.scatter [tilespmem:s18], [sflag:$0x2], $0x400, $0x38;
	[tilespmem:$0x171B8] =	vst v63  }
0x2b0: {  	s7 =	simm.s32 $0x125B8;
	s6 =	sadd.s32 $0xC8000, s4  }
0x2b1: {  	[hbm4b:s6+s3] =	stream.linear.scatter [tilespmem:s7], [sflag:$0x2], $0x400, $0x38;
	[tilespmem:$0x171B8] =	vst v63  }
0x2b2: {  	s12 =	simm.s32 $0x129B8;
	s11 =	sadd.s32 $0x12C000, s4  }
0x2b3: {  	[hbm4b:s11+s3] =	stream.linear.scatter [tilespmem:s12], [sflag:$0x2], $0x400, $0x38;
	[tilespmem:$0x171B8] =	vst v63  }
0x2b4: {  	s14 =	simm.s32 $0x12DB8;
	s13 =	sadd.s32 $0x190000, s4  }
0x2b5: {  	[hbm4b:s13+s3] =	stream.linear.scatter [tilespmem:s14], [sflag:$0x2], $0x400, $0x38;
	[tilespmem:$0x171B8] =	vst v63  }
0x2b6: {  	s17 =	sadd.s32 $0x1F4000, s4;
	s18 =	simm.s32 $0x131B8  }
0x2b7: {  	[hbm4b:s17+s3] =	stream.linear.scatter [tilespmem:s18], [sflag:$0x2], $0x400, $0x38;
	[tilespmem:$0x171B8] =	vst v63  }
0x2b8: {  	s6 =	sadd.s32 $0x258000, s4;
	s7 =	simm.s32 $0x135B8  }
0x2b9: {  	[hbm4b:s6+s3] =	stream.linear.scatter [tilespmem:s7], [sflag:$0x2], $0x400, $0x38;
	[tilespmem:$0x171B8] =	vst v63  }
0x2ba: {  	s11 =	sadd.s32 $0x2BC000, s4;
	s12 =	simm.s32 $0x139B8  }
0x2bb: {  	[hbm4b:s11+s3] =	stream.linear.scatter [tilespmem:s12], [sflag:$0x2], $0x400, $0x38;
	[tilespmem:$0x171B8] =	vst v63  }
0x2bc: {  	s13 =	sadd.s32 $0x320000, s4  }
0x2bd: {  	[hbm4b:s13+s3] =	stream.linear.scatter [tilespmem:s19], [sflag:$0x2], $0x400, $0x38;
	[tilespmem:$0x171B8] =	vst v63  }
0x2be: {  	s14 =	sadd.s32 $0x384000, s4  }
0x2bf: {  	[hbm4b:s14+s3] =	stream.linear.scatter [tilespmem:s20], [sflag:$0x2], $0x400, $0x38;
	[tilespmem:$0x171B8] =	vst v63  }
0x2c0: {  	s17 =	sadd.s32 $0x3E8000, s4  }
0x2c1: {  	[hbm4b:s17+s3] =	stream.linear.scatter [tilespmem:s21], [sflag:$0x2], $0x400, $0x38;
	[tilespmem:$0x171B8] =	vst v63  }
0x2c2: {  	s18 =	sadd.s32 $0x44C000, s4  }
0x2c3: {  	[hbm4b:s18+s3] =	stream.linear.scatter [tilespmem:s22], [sflag:$0x2], $0x400, $0x38;
	[tilespmem:$0x171B8] =	vst v63  }
0x2c4: {  	s6 =	sadd.s32 $0x4B0000, s4  }
0x2c5: {  	[hbm4b:s6+s3] =	stream.linear.scatter [tilespmem:s23], [sflag:$0x2], $0x400, $0x38;
	[tilespmem:$0x171B8] =	vst v63  }
0x2c6: {  	s7 =	sadd.s32 $0x514000, s4  }
0x2c7: {  	[hbm4b:s7+s3] =	stream.linear.scatter [tilespmem:s24], [sflag:$0x2], $0x400, $0x38;
	[tilespmem:$0x171B8] =	vst v63  }
0x2c8: {  	s11 =	sadd.s32 $0x578000, s4  }
0x2c9: {  	[hbm4b:s11+s3] =	stream.linear.scatter [tilespmem:s25], [sflag:$0x2], $0x400, $0x38;
	[tilespmem:$0x171B8] =	vst v63  }
0x2ca: {  	s12 =	sadd.s32 $0x5DC000, s4  }
0x2cb: {  	[hbm4b:s12+s3] =	stream.linear.scatter [tilespmem:s26], [sflag:$0x2], $0x400, $0x38;
	[tilespmem:$0x171B8] =	vst v63  }
0x2cc: {  	s13 =	sadd.s32 $0x640000, s4  }
0x2cd: {  	[hbm4b:s13+s3] =	stream.linear.scatter [tilespmem:s28], [sflag:$0x2], $0x400, $0x38;
	[tilespmem:$0x171B8] =	vst v63  }
0x2ce: {  	s10 =	sadd.s32 $0x1, s10;
	s14 =	sadd.s32 $0x6A4000, s4  }
0x2cf: {  	[hbm4b:s14+s3] =	stream.linear.scatter [tilespmem:s29], [sflag:$0x2], $0x400, $0x38;
	[tilespmem:$0x171B8] =	vst v63  }
0x2d0: {  	p0 =	sne.s32 s10, $0x19;
	s17 =	sadd.s32 $0x708000, s4  }
0x2d1: {  	[hbm4b:s17+s3] =	stream.linear.scatter [tilespmem:s30], [sflag:$0x2], $0x400, $0x38;
	[tilespmem:$0x171B8] =	vst v63  }
.Ltmp5:
0x2d2: {  	_ = 	snop;
	(pc) =	sbr.rel @p0 .LBB2_8-.Ltmp5, $4  }
0x2d3: {  	s18 =	sadd.s32 $0x76C000, s4  }
0x2d4: {  	[hbm4b:s18+s3] =	stream.linear.scatter [tilespmem:s31], [sflag:$0x2], $0x400, $0x38;
	[tilespmem:$0x171B8] =	vst v63  }
0x2d5: {  	s4 =	sadd.s32 $0x7D0000, s4  }
0x2d6: {  	[hbm4b:s4+s3] =	stream.linear.scatter [tilespmem:s1], [sflag:$0x2], $0x400, $0x38;
	[tilespmem:$0x171B8] =	vst v63  }
0x2d7: {  	_ =	swait.ge [sflag:s0], $0x5400  }
0x2d8: {  	[sflag:s0] =	ssyncset.done $0x0  }
0x2d9: {  	[sflag:s0] =	ssyncadd.s32 $0xFFFFAC00  }
0x2da: {  	_ =	swait.ge [sflag:s8], $0x5400  }
0x2db: {  	s5 =	rddreg [dreg:$0xd]  }
0x2dc: {  	s4 =	rddreg [dreg:$0xc];
	s5 =	sadd.s32 $0x1, s5  }
0x2dd: {  	p0 =	sne.s32 s5, s4  }
.Ltmp6:
0x2de: {  	_ = 	snop;
	(pc) =	sbr.rel @p0 .LBB2_1-.Ltmp6, $3  }
0x2df: {  	_ =	sdelay $0x1  }
0x2e0: {  	[sflag:s8] =	ssyncset.done $0x0  }
0x2e1: {  	s18 =	rddreg [dreg:$0x3];
	[sflag:s8] =	ssyncadd.s32 $0xFFFFAC00  }
0x2e2: {  	_ =	sfence.sel $0x180000  }
0x2e3: {  	[bflag:$0x0] =	sbarrier.arrive $0xFFFF  }
0x2e4: {  	_ =	strace $0x90000047  }
0x2e5: {  	s0 =	stileid.u32;
	[bflag:$0x2] =	sbarrier.arrive $0xFFFF  }
0x2e6: {  	p0 =	sne.s32 s0, $0x0;
	s0 =	rddreg [dreg:$0x2]  }
0x2e7: {  	s0 =	sadd.s32 @!p0 $0x100000, s0  }
0x2e8: {  	[sflag:s0] =	ssyncadd.tile.s32 @!p0 $0x1;
	_ =	shalt  }
.Lfunc_end2:
_tile_overlayer_lowered:
.L_overlay_start_2:
0x2e9: {  	(tag) =	ssettag $0x2  }
0x2ea: {  	s0 =	rddreg [dreg:$0x0];
	s2 =	stileid.u32  }
0x2eb: {  	s1 =	rddreg [dreg:$0x1];
	p0 =	sne.s32 s2, $0x0  }
0x2ec: {  	s3 =	rddreg [dreg:$0x2];
	[bflag:$0x3] =	sbarrier.arrive $0xFFFF;
	s2 =	simm.s32 @!p0 $0x1C03  }
0x2ed: {  	[timem:s3], [sflag:s2] =	dma.local @!p0 [hbm:s0], s1  }
0x2ee: {  	s0 =	simm.s32 @!p0 $0x3  }
0x2ef: {  	_ =	swait.ge @!p0 [sflag:s0], s1  }
0x2f0: {  	s1 =	ssub.s32 @!p0 $0x0, s1;
	[sflag:s0] =	ssyncset.done @!p0 $0x0  }
0x2f1: {  	[sflag:s0] =	ssyncadd.s32 @!p0 s1  }
0x2f2: {  	[bflag:$0x3] =	sbarrier.arrive $0xFFFF  }
0x2f3: {  	_ =	shalt  }

</sc_bundles>
